<compile_context>
chip_gen: v7x
topology: tpu7x:2x2x1
jax: 0.10.2.dev20260603
libtpu: 0.0.44.dev20260713+nightly
codegen_flags: <defaults>
</compile_context>

<pallas_src>
import jax
import jax.numpy as jnp
from jax import lax
from jax.experimental import pallas as pl
from jax.experimental.pallas import tpu as pltpu
from jax.experimental.pallas import tpu_sc as plsc

N = 10000
E = 320000
D = 128

NC = 2
NS = 16
NW = NC * NS
CH = 125
NCHUNK = 80
HC = NCHUNK // 2
NA = N
FR = 624
CR = 208
TAILF = N - NS * FR
TAILZ = NA - NS * FR


def _make_sc_agg(with_deg):
  mesh = plsc.VectorSubcoreMesh(core_axis_name="c", subcore_axis_name="s")
  out_type = [jax.ShapeDtypeStruct((NC, N, D), jnp.float32)]
  if with_deg:
    out_type.append(jax.ShapeDtypeStruct((NC, NA), jnp.float32))

  scratch = [
      pltpu.VMEM_SHARED((NA, D), jnp.float32),
      pltpu.VMEM((HC, CH), jnp.int32),
      pltpu.VMEM((HC, CH), jnp.int32),
      pltpu.VMEM((CH, D), jnp.float32),
      pltpu.VMEM((CH, D), jnp.float32),
      pltpu.SemaphoreType.DMA,
      pltpu.SemaphoreType.DMA,
      pltpu.SemaphoreType.DMA,
      pltpu.SemaphoreType.DMA,
  ]
  if with_deg:
    scratch += [
        pltpu.VMEM_SHARED((NA,), jnp.float32),
        pltpu.VMEM((128,), jnp.float32),
        pltpu.VMEM((FR,), jnp.float32),
        pltpu.SemaphoreType.DMA,
    ]

  def body(x_hbm, edges_hbm, z2d_hbm, *rest):
    if with_deg:
      (sums_hbm, deg_hbm, acc, src_v, dst_v, rows0, rows1,
       gsem0, gsem1, ssem0, ssem1, dacc, ones, dz, dsem) = rest
    else:
      (sums_hbm, acc, src_v, dst_v, rows0, rows1,
       gsem0, gsem1, ssem0, ssem1) = rest
    rows = (rows0, rows1)
    gsem = (gsem0, gsem1)
    ssem = (ssem0, ssem1)
    c = lax.axis_index("c")
    s = lax.axis_index("s")
    wid = c * NS + s

    def fire_gather(j, b):
      pltpu.async_copy(x_hbm.at[src_v.at[j]], rows[b], gsem[b])

    def stage_idx(half):
      pltpu.sync_copy(edges_hbm.at[0, wid, pl.ds(half * HC, HC)], src_v)
      pltpu.sync_copy(edges_hbm.at[1, wid, pl.ds(half * HC, HC)], dst_v)

    stage_idx(0)
    fire_gather(0, 0)

    for t in range(FR // CR):
      r0 = s * FR + t * CR
      pltpu.sync_copy(z2d_hbm.at[pl.ds(r0, CR), :], acc.at[pl.ds(r0, CR), :])
    @pl.when(s == NS - 1)
    def _():
      r0 = NS * FR
      pltpu.sync_copy(z2d_hbm.at[pl.ds(r0, TAILZ), :],
                      acc.at[pl.ds(r0, TAILZ), :])
    if with_deg:
      def zbody(i, _):
        dz[pl.ds(i * 16, 16)] = jnp.zeros((16,), jnp.float32)
        return 0
      lax.fori_loop(0, FR // 16, zbody, 0)
      pltpu.sync_copy(dz, dacc.at[pl.ds(s * FR, FR)])
      @pl.when(s == NS - 1)
      def _():
        pltpu.sync_copy(dz.at[pl.ds(0, TAILZ)],
                        dacc.at[pl.ds(NS * FR, TAILZ)])
      def obody(i, _):
        ones[pl.ds(i * 16, 16)] = jnp.ones((16,), jnp.float32)
        return 0
      lax.fori_loop(0, 8, obody, 0)
    plsc.subcore_barrier()

    for half in range(2):
      if half == 1:
        stage_idx(half)
        fire_gather(0, 0)

      def pair(p, _):
        for b in range(2):
          j = 2 * p + b
          pltpu.make_async_copy(x_hbm.at[src_v.at[j]], rows[b],
                                gsem[b]).wait()
          @pl.when(j >= 1)
          def _():
            pltpu.make_async_copy(rows[1 - b], acc.at[dst_v.at[j]],
                                  ssem[1 - b]).wait()
          @pl.when(j + 1 < HC)
          def _():
            fire_gather(j + 1, 1 - b)
          pltpu.async_copy(rows[b], acc.at[dst_v.at[j]], ssem[b], add=True)
          if with_deg:
            @pl.when(j >= 1)
            def _():
              pltpu.make_async_copy(ones.at[pl.ds(0, CH)],
                                    dacc.at[dst_v.at[j]], dsem).wait()
            pltpu.async_copy(ones.at[pl.ds(0, CH)], dacc.at[dst_v.at[j]],
                             dsem, add=True)
        return 0
      lax.fori_loop(0, HC // 2, pair, 0)

      pltpu.make_async_copy(rows[(HC - 1) % 2], acc.at[dst_v.at[0]],
                            ssem[(HC - 1) % 2]).wait()
      if with_deg:
        pltpu.make_async_copy(ones.at[pl.ds(0, CH)], dacc.at[dst_v.at[0]],
                              dsem).wait()

    plsc.subcore_barrier()

    for t in range(FR // CR):
      r0 = s * FR + t * CR
      pltpu.sync_copy(acc.at[pl.ds(r0, CR), :], sums_hbm.at[c, pl.ds(r0, CR), :])
    @pl.when(s == NS - 1)
    def _():
      r0 = NS * FR
      pltpu.sync_copy(acc.at[pl.ds(r0, TAILF), :],
                      sums_hbm.at[c, pl.ds(r0, TAILF), :])
    if with_deg:
      @pl.when(s == 0)
      def _():
        pltpu.sync_copy(dacc, deg_hbm.at[c])

  return pl.kernel(body, out_type=out_type, mesh=mesh, scratch_types=scratch)


_sc_agg_deg = _make_sc_agg(True)
_sc_agg = _make_sc_agg(False)


BN = 2000


def _tc1_body(x_ref, s_ref, d0_ref, d1_ref, w_ref, b_ref, o_ref):
  deg = jnp.maximum(d0_ref[...] + d1_ref[...], 1.0)
  agg = (s_ref[0] + s_ref[1]) / deg
  h = (x_ref[...] + agg) @ w_ref[...] + b_ref[...]
  o_ref[...] = jnp.maximum(h, 0.0)


def _tc1(x, sums, d0, d1, w, b):
  row = pl.BlockSpec((BN, D), lambda i: (i, 0))
  par = pl.BlockSpec((NC, BN, D), lambda i: (0, i, 0))
  col = pl.BlockSpec((BN, 1), lambda i: (i, 0))
  full = pl.BlockSpec((D, D), lambda i: (0, 0))
  bias = pl.BlockSpec((1, D), lambda i: (0, 0))
  return pl.pallas_call(
      _tc1_body,
      grid=(N // BN,),
      in_specs=[row, par, col, col, full, bias],
      out_specs=row,
      out_shape=jax.ShapeDtypeStruct((N, D), jnp.float32),
  )(x, sums, d0, d1, w, b)


def _tc2_body(h_ref, s_ref, d0_ref, d1_ref, w2_ref, b2_ref,
              wd1_ref, bd1_ref, wd2_ref, bd2_ref, hg_ref, rec_ref, acc_ref):
  i = pl.program_id(0)

  @pl.when(i == 0)
  def _():
    acc_ref[...] = jnp.zeros_like(acc_ref)

  deg = jnp.maximum(d0_ref[...] + d1_ref[...], 1.0)
  agg = (s_ref[0] + s_ref[1]) / deg
  h2 = jnp.maximum((h_ref[...] + agg) @ w2_ref[...] + b2_ref[...], 0.0)
  acc_ref[...] += jnp.sum(h2, axis=0, keepdims=True)

  @pl.when(i == pl.num_programs(0) - 1)
  def _():
    hg = acc_ref[...] * (1.0 / N)
    hg_ref[...] = hg
    r = jnp.maximum(hg @ wd1_ref[...] + bd1_ref[...], 0.0)
    rec_ref[...] = r @ wd2_ref[...] + bd2_ref[...]


def _tc2(h, sums, d0, d1, w2, b2, wd1, bd1, wd2, bd2):
  row = pl.BlockSpec((BN, D), lambda i: (i, 0))
  par = pl.BlockSpec((NC, BN, D), lambda i: (0, i, 0))
  col = pl.BlockSpec((BN, 1), lambda i: (i, 0))
  full = pl.BlockSpec((D, D), lambda i: (0, 0))
  bias = pl.BlockSpec((1, D), lambda i: (0, 0))
  out = pl.BlockSpec((1, D), lambda i: (0, 0))
  return pl.pallas_call(
      _tc2_body,
      grid=(N // BN,),
      in_specs=[row, par, col, col, full, bias, full, bias, full, bias],
      out_specs=[out, out],
      out_shape=[jax.ShapeDtypeStruct((1, D), jnp.float32),
                 jax.ShapeDtypeStruct((1, D), jnp.float32)],
      scratch_shapes=[pltpu.VMEM((1, D), jnp.float32)],
  )(h, sums, d0, d1, w2, b2, wd1, bd1, wd2, bd2)


@jax.jit
def kernel(features, edge_index, W1, b1, W2, b2, Wd1, bd1, Wd2, bd2):
  edges = edge_index.reshape(2, NW, NCHUNK, CH)
  z2d = jnp.zeros((NA, D), jnp.float32)

  sums1, deg = _sc_agg_deg(features, edges, z2d)
  d0 = deg[0, :N].reshape(N, 1)
  d1 = deg[1, :N].reshape(N, 1)
  h1 = _tc1(features, sums1, d0, d1, W1, b1.reshape(1, D))

  (sums2,) = _sc_agg(h1, edges, z2d)
  hg, rec = _tc2(h1, sums2, d0, d1, W2, b2.reshape(1, D),
                 Wd1, bd1.reshape(1, D), Wd2, bd2.reshape(1, D))
  return (hg, rec)

# --- scband reference (transcript-rebuilt; emitter-appended) ---
"""Pipeline reference for scband-ginautoencoder-81303730913687 (READ-ONLY COPY).

The authoritative reference and input builder live on the scoring server;
editing this copy changes nothing except your own understanding.
"""

import jax, jax.numpy as jnp
import numpy as np

N = 10000
E = 320000
D = 128
H = 128
O = 128


def setup_inputs(seed: int = 0) -> dict:
    key = jax.random.key(seed)
    ks = jax.random.split(key, 12)
    features = jax.random.normal(ks[0], (N, D), dtype=jnp.float32)
    edge_index = jax.random.randint(ks[1], (2, E), 0, N, dtype=jnp.int32)
    # learned params (GINConv apply_func Linear layers + decoder Linears)
    def lin(k, fan_in, fan_out):
        kw, kb = jax.random.split(k)
        bound = 1.0 / np.sqrt(fan_in)
        W = jax.random.uniform(kw, (fan_in, fan_out), minval=-bound, maxval=bound, dtype=jnp.float32)
        b = jax.random.uniform(kb, (fan_out,), minval=-bound, maxval=bound, dtype=jnp.float32)
        return W, b
    W1, b1 = lin(ks[2], D, H)
    W2, b2 = lin(ks[3], H, H)
    Wd1, bd1 = lin(ks[4], H, H)
    Wd2, bd2 = lin(ks[5], H, O)
    return {"features": features, "edge_index": edge_index,
            "W1": W1, "b1": b1, "W2": W2, "b2": b2,
            "Wd1": Wd1, "bd1": bd1, "Wd2": Wd2, "bd2": bd2}


def _mean_agg(x, src, dst, n):
    # DGL copy_u + mean over incoming edges; zero in-degree nodes -> 0
    s = jax.ops.segment_sum(x[src], dst, num_segments=n)
    deg = jax.ops.segment_sum(jnp.ones((src.shape[0],), x.dtype), dst, num_segments=n)
    return s / jnp.maximum(deg, 1.0)[:, None]


def reference(features, edge_index, W1, b1, W2, b2, Wd1, bd1, Wd2, bd2):
    src = edge_index[0]
    dst = edge_index[1]
    n = features.shape[0]
    # GINConv layer 1: (1+eps)*x + mean_agg(neighbors), eps=0, then Linear, then relu
    agg1 = _mean_agg(features, src, dst, n)
    h = jax.nn.relu((features + agg1) @ W1 + b1)
    # GINConv layer 2
    agg2 = _mean_agg(h, src, dst, n)
    h = jax.nn.relu((h + agg2) @ W2 + b2)
    # dgl.mean_nodes over the (single) graph -> [1, H]
    hg = jnp.mean(h, axis=0, keepdims=True)
    # decoder
    rec = jax.nn.relu(hg @ Wd1 + bd1)
    rec = rec @ Wd2 + bd2
    return (hg, rec)

if __name__ == "__main__":
    import jax
    _d = setup_inputs()
    print(jax.jit(kernel)(*tuple(_d.values())))

</pallas_src>

<mosaic_0001>
#map = affine_map<(d0, d1) -> (0, 0)>
#map1 = affine_map<(d0, d1) -> (0, 0, 0, 0)>
#map2 = affine_map<(d0, d1) -> (0, 0, 0)>
module attributes {stable_mosaic.version = 14 : i64} {
  func.func @body(%arg0: i32, %arg1: i32, %arg2: memref<10000x128xf32, #tpu.memory_space<hbm>>, %arg3: memref<2x32x80x125xi32, #tpu.memory_space<hbm>>, %arg4: memref<10000x128xf32, #tpu.memory_space<hbm>>, %arg5: memref<2x10000x128xf32, #tpu.memory_space<hbm>>, %arg6: memref<2x10000xf32, #tpu.memory_space<hbm>>, %arg7: memref<10000x128xf32, #tpu.memory_space<vmem_shared>>, %arg8: memref<40x125xi32, #tpu.memory_space<vmem>>, %arg9: memref<40x125xi32, #tpu.memory_space<vmem>>, %arg10: memref<125x128xf32, #tpu.memory_space<vmem>>, %arg11: memref<125x128xf32, #tpu.memory_space<vmem>>, %arg12: memref<!tpu.dma_semaphore, #tpu.memory_space<semaphore_mem>>, %arg13: memref<!tpu.dma_semaphore, #tpu.memory_space<semaphore_mem>>, %arg14: memref<!tpu.dma_semaphore, #tpu.memory_space<semaphore_mem>>, %arg15: memref<!tpu.dma_semaphore, #tpu.memory_space<semaphore_mem>>, %arg16: memref<10000xf32, #tpu.memory_space<vmem_shared>>, %arg17: memref<128xf32, #tpu.memory_space<vmem>>, %arg18: memref<624xf32, #tpu.memory_space<vmem>>, %arg19: memref<!tpu.dma_semaphore, #tpu.memory_space<semaphore_mem>>) attributes {dimension_semantics = [#tpu.dimension_semantics<core_parallel>, #tpu.dimension_semantics<subcore_parallel>], iteration_bounds = array<i64: 2, 16>, scalar_prefetch = 0 : i64, scratch_operands = 13 : i64, tpu.core_type = #tpu.core_type<sc_vector_subcore>, window_params = [{transform_indices = #map}, {transform_indices = #map1}, {transform_indices = #map}, {transform_indices = #map2}, {transform_indices = #map}]} {
    %mul3A = arith.constant 16 : i32
    %mul3A_0 = arith.muli %arg0, %mul3A : i32
    %add3A = arith.addi %mul3A_0, %arg1 : i32
    %run_scoped3A = arith.constant 0 : i32
    "tpu.region"() ({
      %run_scoped3A_117 = tpu.sem_alloc : memref<!tpu.dma_semaphore, #tpu.memory_space<semaphore_mem>>
      %dma_start3A_118 = arith.constant 0 : i32
      %dma_start3A_119 = arith.constant 0 : i32
      %dma_start3A_120 = tpu.memref_slice %arg3[%run_scoped3A, %add3A, %dma_start3A_118, %dma_start3A_119] : memref<2x32x80x125xi32, #tpu.memory_space<hbm>> -> memref<1x1x40x125xi32, #tpu.memory_space<hbm>>
      %dma_start3A_121 = tpu.memref_squeeze %dma_start3A_120 : memref<1x1x40x125xi32, #tpu.memory_space<hbm>> -> memref<40x125xi32, #tpu.memory_space<hbm>>
      %dma_start3A_122 = arith.constant 0 : i32
      %dma_start3A_123 = arith.constant 0 : i32
      %dma_start3A_124 = tpu.memref_slice %arg3[%run_scoped3A, %add3A, %dma_start3A_122, %dma_start3A_123] : memref<2x32x80x125xi32, #tpu.memory_space<hbm>> -> memref<1x1x40x125xi32, #tpu.memory_space<hbm>>
      %dma_start3A_125 = tpu.memref_squeeze %dma_start3A_124 : memref<1x1x40x125xi32, #tpu.memory_space<hbm>> -> memref<40x125xi32, #tpu.memory_space<hbm>>
      tpu.enqueue_dma source(%dma_start3A_125 : memref<40x125xi32, #tpu.memory_space<hbm>>) target(%arg8 : memref<40x125xi32, #tpu.memory_space<vmem>>) target_semaphore(%run_scoped3A_117 : memref<!tpu.dma_semaphore, #tpu.memory_space<semaphore_mem>>)
      %dma_wait3A_126 = arith.constant 0 : i32
      %dma_wait3A_127 = arith.constant 0 : i32
      %dma_wait3A_128 = tpu.memref_slice %arg3[%run_scoped3A, %add3A, %dma_wait3A_126, %dma_wait3A_127] : memref<2x32x80x125xi32, #tpu.memory_space<hbm>> -> memref<1x1x40x125xi32, #tpu.memory_space<hbm>>
      %dma_wait3A_129 = tpu.memref_squeeze %dma_wait3A_128 : memref<1x1x40x125xi32, #tpu.memory_space<hbm>> -> memref<40x125xi32, #tpu.memory_space<hbm>>
      %dma_wait3A_130 = arith.constant 0 : i32
      %dma_wait3A_131 = arith.constant 0 : i32
      %dma_wait3A_132 = tpu.memref_slice %arg3[%run_scoped3A, %add3A, %dma_wait3A_130, %dma_wait3A_131] : memref<2x32x80x125xi32, #tpu.memory_space<hbm>> -> memref<1x1x40x125xi32, #tpu.memory_space<hbm>>
      %dma_wait3A_133 = tpu.memref_squeeze %dma_wait3A_132 : memref<1x1x40x125xi32, #tpu.memory_space<hbm>> -> memref<40x125xi32, #tpu.memory_space<hbm>>
      tpu.wait_dma2 semaphore(%run_scoped3A_117 : memref<!tpu.dma_semaphore, #tpu.memory_space<semaphore_mem>>) src(%dma_wait3A_133 : memref<40x125xi32, #tpu.memory_space<hbm>>) dst(%arg8 : memref<40x125xi32, #tpu.memory_space<vmem>>)
      tpu.yield
    }) : () -> ()
    %run_scoped3A_1 = arith.constant 1 : i32
    "tpu.region"() ({
      %run_scoped3A_117 = tpu.sem_alloc : memref<!tpu.dma_semaphore, #tpu.memory_space<semaphore_mem>>
      %dma_start3A_118 = arith.constant 0 : i32
      %dma_start3A_119 = arith.constant 0 : i32
      %dma_start3A_120 = tpu.memref_slice %arg3[%run_scoped3A_1, %add3A, %dma_start3A_118, %dma_start3A_119] : memref<2x32x80x125xi32, #tpu.memory_space<hbm>> -> memref<1x1x40x125xi32, #tpu.memory_space<hbm>>
      %dma_start3A_121 = tpu.memref_squeeze %dma_start3A_120 : memref<1x1x40x125xi32, #tpu.memory_space<hbm>> -> memref<40x125xi32, #tpu.memory_space<hbm>>
      %dma_start3A_122 = arith.constant 0 : i32
      %dma_start3A_123 = arith.constant 0 : i32
      %dma_start3A_124 = tpu.memref_slice %arg3[%run_scoped3A_1, %add3A, %dma_start3A_122, %dma_start3A_123] : memref<2x32x80x125xi32, #tpu.memory_space<hbm>> -> memref<1x1x40x125xi32, #tpu.memory_space<hbm>>
      %dma_start3A_125 = tpu.memref_squeeze %dma_start3A_124 : memref<1x1x40x125xi32, #tpu.memory_space<hbm>> -> memref<40x125xi32, #tpu.memory_space<hbm>>
      tpu.enqueue_dma source(%dma_start3A_125 : memref<40x125xi32, #tpu.memory_space<hbm>>) target(%arg9 : memref<40x125xi32, #tpu.memory_space<vmem>>) target_semaphore(%run_scoped3A_117 : memref<!tpu.dma_semaphore, #tpu.memory_space<semaphore_mem>>)
      %dma_wait3A_126 = arith.constant 0 : i32
      %dma_wait3A_127 = arith.constant 0 : i32
      %dma_wait3A_128 = tpu.memref_slice %arg3[%run_scoped3A_1, %add3A, %dma_wait3A_126, %dma_wait3A_127] : memref<2x32x80x125xi32, #tpu.memory_space<hbm>> -> memref<1x1x40x125xi32, #tpu.memory_space<hbm>>
      %dma_wait3A_129 = tpu.memref_squeeze %dma_wait3A_128 : memref<1x1x40x125xi32, #tpu.memory_space<hbm>> -> memref<40x125xi32, #tpu.memory_space<hbm>>
      %dma_wait3A_130 = arith.constant 0 : i32
      %dma_wait3A_131 = arith.constant 0 : i32
      %dma_wait3A_132 = tpu.memref_slice %arg3[%run_scoped3A_1, %add3A, %dma_wait3A_130, %dma_wait3A_131] : memref<2x32x80x125xi32, #tpu.memory_space<hbm>> -> memref<1x1x40x125xi32, #tpu.memory_space<hbm>>
      %dma_wait3A_133 = tpu.memref_squeeze %dma_wait3A_132 : memref<1x1x40x125xi32, #tpu.memory_space<hbm>> -> memref<40x125xi32, #tpu.memory_space<hbm>>
      tpu.wait_dma2 semaphore(%run_scoped3A_117 : memref<!tpu.dma_semaphore, #tpu.memory_space<semaphore_mem>>) src(%dma_wait3A_133 : memref<40x125xi32, #tpu.memory_space<hbm>>) dst(%arg9 : memref<40x125xi32, #tpu.memory_space<vmem>>)
      tpu.yield
    }) : () -> ()
    %dma_start3A = arith.constant 0 : i32
    %dma_start3A_2 = arith.constant 0 : i32
    %dma_start3A_3 = tpu.memref_slice %arg8[%dma_start3A, %dma_start3A_2] : memref<40x125xi32, #tpu.memory_space<vmem>> -> memref<1x125xi32, #tpu.memory_space<vmem>>
    %dma_start3A_4 = tpu.memref_squeeze %dma_start3A_3 : memref<1x125xi32, #tpu.memory_space<vmem>> -> memref<125xi32, #tpu.memory_space<vmem>>
    %dma_start3A_5 = arith.constant 0 : i32
    %dma_start3A_6 = arith.constant 0 : i32
    %dma_start3A_7 = tpu.memref_slice %arg2[%dma_start3A_5, %dma_start3A_6] : memref<10000x128xf32, #tpu.memory_space<hbm>> -> memref<10000x128xf32, #tpu.memory_space<hbm>>
    tpu.enqueue_indirect_dma source(%dma_start3A_7 : memref<10000x128xf32, #tpu.memory_space<hbm>>) target(%arg10 : memref<125x128xf32, #tpu.memory_space<vmem>>) offsets(%dma_start3A_4 : memref<125xi32, #tpu.memory_space<vmem>>) semaphore(%arg12 : memref<!tpu.dma_semaphore, #tpu.memory_space<semaphore_mem>>)
    %mul3A_8 = arith.constant 624 : i32
    %mul3A_9 = arith.muli %arg1, %mul3A_8 : i32
    %add3A_10 = arith.constant 0 : i32
    %add3A_11 = arith.addi %mul3A_9, %add3A_10 : i32
    "tpu.region"() ({
      %run_scoped3A_117 = tpu.sem_alloc : memref<!tpu.dma_semaphore, #tpu.memory_space<semaphore_mem>>
      %dma_start3A_118 = arith.constant 0 : i32
      %dma_start3A_119 = tpu.memref_slice %arg7[%add3A_11, %dma_start3A_118] : memref<10000x128xf32, #tpu.memory_space<vmem_shared>> -> memref<208x128xf32, #tpu.memory_space<vmem_shared>>
      %dma_start3A_120 = arith.constant 0 : i32
      %dma_start3A_121 = tpu.memref_slice %arg4[%add3A_11, %dma_start3A_120] : memref<10000x128xf32, #tpu.memory_space<hbm>> -> memref<208x128xf32, #tpu.memory_space<hbm>>
      tpu.enqueue_dma source(%dma_start3A_121 : memref<208x128xf32, #tpu.memory_space<hbm>>) target(%dma_start3A_119 : memref<208x128xf32, #tpu.memory_space<vmem_shared>>) target_semaphore(%run_scoped3A_117 : memref<!tpu.dma_semaphore, #tpu.memory_space<semaphore_mem>>)
      %dma_wait3A_122 = arith.constant 0 : i32
      %dma_wait3A_123 = tpu.memref_slice %arg7[%add3A_11, %dma_wait3A_122] : memref<10000x128xf32, #tpu.memory_space<vmem_shared>> -> memref<208x128xf32, #tpu.memory_space<vmem_shared>>
      %dma_wait3A_124 = arith.constant 0 : i32
      %dma_wait3A_125 = tpu.memref_slice %arg4[%add3A_11, %dma_wait3A_124] : memref<10000x128xf32, #tpu.memory_space<hbm>> -> memref<208x128xf32, #tpu.memory_space<hbm>>
      tpu.wait_dma2 semaphore(%run_scoped3A_117 : memref<!tpu.dma_semaphore, #tpu.memory_space<semaphore_mem>>) src(%dma_wait3A_125 : memref<208x128xf32, #tpu.memory_space<hbm>>) dst(%dma_wait3A_123 : memref<208x128xf32, #tpu.memory_space<vmem_shared>>)
      tpu.yield
    }) : () -> ()
    %mul3A_12 = arith.constant 624 : i32
    %mul3A_13 = arith.muli %arg1, %mul3A_12 : i32
    %add3A_14 = arith.constant 208 : i32
    %add3A_15 = arith.addi %mul3A_13, %add3A_14 : i32
    "tpu.region"() ({
      %run_scoped3A_117 = tpu.sem_alloc : memref<!tpu.dma_semaphore, #tpu.memory_space<semaphore_mem>>
      %dma_start3A_118 = arith.constant 0 : i32
      %dma_start3A_119 = tpu.memref_slice %arg7[%add3A_15, %dma_start3A_118] : memref<10000x128xf32, #tpu.memory_space<vmem_shared>> -> memref<208x128xf32, #tpu.memory_space<vmem_shared>>
      %dma_start3A_120 = arith.constant 0 : i32
      %dma_start3A_121 = tpu.memref_slice %arg4[%add3A_15, %dma_start3A_120] : memref<10000x128xf32, #tpu.memory_space<hbm>> -> memref<208x128xf32, #tpu.memory_space<hbm>>
      tpu.enqueue_dma source(%dma_start3A_121 : memref<208x128xf32, #tpu.memory_space<hbm>>) target(%dma_start3A_119 : memref<208x128xf32, #tpu.memory_space<vmem_shared>>) target_semaphore(%run_scoped3A_117 : memref<!tpu.dma_semaphore, #tpu.memory_space<semaphore_mem>>)
      %dma_wait3A_122 = arith.constant 0 : i32
      %dma_wait3A_123 = tpu.memref_slice %arg7[%add3A_15, %dma_wait3A_122] : memref<10000x128xf32, #tpu.memory_space<vmem_shared>> -> memref<208x128xf32, #tpu.memory_space<vmem_shared>>
      %dma_wait3A_124 = arith.constant 0 : i32
      %dma_wait3A_125 = tpu.memref_slice %arg4[%add3A_15, %dma_wait3A_124] : memref<10000x128xf32, #tpu.memory_space<hbm>> -> memref<208x128xf32, #tpu.memory_space<hbm>>
      tpu.wait_dma2 semaphore(%run_scoped3A_117 : memref<!tpu.dma_semaphore, #tpu.memory_space<semaphore_mem>>) src(%dma_wait3A_125 : memref<208x128xf32, #tpu.memory_space<hbm>>) dst(%dma_wait3A_123 : memref<208x128xf32, #tpu.memory_space<vmem_shared>>)
      tpu.yield
    }) : () -> ()
    %mul3A_16 = arith.constant 624 : i32
    %mul3A_17 = arith.muli %arg1, %mul3A_16 : i32
    %add3A_18 = arith.constant 416 : i32
    %add3A_19 = arith.addi %mul3A_17, %add3A_18 : i32
    "tpu.region"() ({
      %run_scoped3A_117 = tpu.sem_alloc : memref<!tpu.dma_semaphore, #tpu.memory_space<semaphore_mem>>
      %dma_start3A_118 = arith.constant 0 : i32
      %dma_start3A_119 = tpu.memref_slice %arg7[%add3A_19, %dma_start3A_118] : memref<10000x128xf32, #tpu.memory_space<vmem_shared>> -> memref<208x128xf32, #tpu.memory_space<vmem_shared>>
      %dma_start3A_120 = arith.constant 0 : i32
      %dma_start3A_121 = tpu.memref_slice %arg4[%add3A_19, %dma_start3A_120] : memref<10000x128xf32, #tpu.memory_space<hbm>> -> memref<208x128xf32, #tpu.memory_space<hbm>>
      tpu.enqueue_dma source(%dma_start3A_121 : memref<208x128xf32, #tpu.memory_space<hbm>>) target(%dma_start3A_119 : memref<208x128xf32, #tpu.memory_space<vmem_shared>>) target_semaphore(%run_scoped3A_117 : memref<!tpu.dma_semaphore, #tpu.memory_space<semaphore_mem>>)
      %dma_wait3A_122 = arith.constant 0 : i32
      %dma_wait3A_123 = tpu.memref_slice %arg7[%add3A_19, %dma_wait3A_122] : memref<10000x128xf32, #tpu.memory_space<vmem_shared>> -> memref<208x128xf32, #tpu.memory_space<vmem_shared>>
      %dma_wait3A_124 = arith.constant 0 : i32
      %dma_wait3A_125 = tpu.memref_slice %arg4[%add3A_19, %dma_wait3A_124] : memref<10000x128xf32, #tpu.memory_space<hbm>> -> memref<208x128xf32, #tpu.memory_space<hbm>>
      tpu.wait_dma2 semaphore(%run_scoped3A_117 : memref<!tpu.dma_semaphore, #tpu.memory_space<semaphore_mem>>) src(%dma_wait3A_125 : memref<208x128xf32, #tpu.memory_space<hbm>>) dst(%dma_wait3A_123 : memref<208x128xf32, #tpu.memory_space<vmem_shared>>)
      tpu.yield
    }) : () -> ()
    %eq3A = arith.constant 15 : i32
    %eq3A_20 = arith.cmpi eq, %arg1, %eq3A : i32
    %convert_element_type3A = arith.extui %eq3A_20 : i1 to i32
    %cond3A = arith.constant 0 : i32
    %cond3A_21 = arith.cmpi ne, %convert_element_type3A, %cond3A : i32
    scf.if %cond3A_21 {
      "tpu.region"() ({
        %run_scoped3A_117 = tpu.sem_alloc : memref<!tpu.dma_semaphore, #tpu.memory_space<semaphore_mem>>
        %dma_start3A_118 = arith.constant 9984 : i32
        %dma_start3A_119 = arith.constant 0 : i32
        %dma_start3A_120 = tpu.memref_slice %arg7[%dma_start3A_118, %dma_start3A_119] : memref<10000x128xf32, #tpu.memory_space<vmem_shared>> -> memref<16x128xf32, #tpu.memory_space<vmem_shared>>
        %dma_start3A_121 = arith.constant 9984 : i32
        %dma_start3A_122 = arith.constant 0 : i32
        %dma_start3A_123 = tpu.memref_slice %arg4[%dma_start3A_121, %dma_start3A_122] : memref<10000x128xf32, #tpu.memory_space<hbm>> -> memref<16x128xf32, #tpu.memory_space<hbm>>
        tpu.enqueue_dma source(%dma_start3A_123 : memref<16x128xf32, #tpu.memory_space<hbm>>) target(%dma_start3A_120 : memref<16x128xf32, #tpu.memory_space<vmem_shared>>) target_semaphore(%run_scoped3A_117 : memref<!tpu.dma_semaphore, #tpu.memory_space<semaphore_mem>>)
        %dma_wait3A_124 = arith.constant 9984 : i32
        %dma_wait3A_125 = arith.constant 0 : i32
        %dma_wait3A_126 = tpu.memref_slice %arg7[%dma_wait3A_124, %dma_wait3A_125] : memref<10000x128xf32, #tpu.memory_space<vmem_shared>> -> memref<16x128xf32, #tpu.memory_space<vmem_shared>>
        %dma_wait3A_127 = arith.constant 9984 : i32
        %dma_wait3A_128 = arith.constant 0 : i32
        %dma_wait3A_129 = tpu.memref_slice %arg4[%dma_wait3A_127, %dma_wait3A_128] : memref<10000x128xf32, #tpu.memory_space<hbm>> -> memref<16x128xf32, #tpu.memory_space<hbm>>
        tpu.wait_dma2 semaphore(%run_scoped3A_117 : memref<!tpu.dma_semaphore, #tpu.memory_space<semaphore_mem>>) src(%dma_wait3A_129 : memref<16x128xf32, #tpu.memory_space<hbm>>) dst(%dma_wait3A_126 : memref<16x128xf32, #tpu.memory_space<vmem_shared>>)
        tpu.yield
      }) : () -> ()
    } else {
    }
    %scan3A = arith.constant 0 : i32
    %scan3A_22 = arith.constant 0 : i32
    %scan3A_23 = arith.constant 39 : i32
    %scan3A_24 = arith.addi %scan3A_22, %scan3A_23 : i32
    %scan3A_25 = arith.constant 1 : i32
    %scan3A_26 = scf.for %scan3A_117 = %scan3A_22 to %scan3A_24 step %scan3A_25 iter_args(%scan3A_118 = %scan3A) -> (i32)  : i32 {
      %broadcast_in_dim3A = arith.constant 0.000000e+00 : f32
      %broadcast_in_dim3A_119 = vector.broadcast %broadcast_in_dim3A : f32 to vector<16xf32>
      %mul3A_120 = arith.constant 16 : i32
      %mul3A_121 = arith.muli %scan3A_117, %mul3A_120 : i32
      %swap3A = arith.index_cast %mul3A_121 : i32 to index
      %swap3A_122 = tpu.vector_load %arg18[%swap3A] {strides = array<i32>} : memref<624xf32, #tpu.memory_space<vmem>>, vector<16xf32>,
      %swap3A_123 = vector.shape_cast %swap3A_122 : vector<16xf32> to vector<16xf32>
      %swap3A_124 = vector.shape_cast %broadcast_in_dim3A_119 : vector<16xf32> to vector<16xf32>
      tpu.vector_store %arg18[%swap3A], %swap3A_124 {strides = array<i32>} : memref<624xf32, #tpu.memory_space<vmem>>, vector<16xf32>,
      %scan3A_125 = arith.constant 0 : i32
      scf.yield %scan3A_125 : i32
    }
    %scan3A_27 = arith.constant 39 : i32
    %mul3A_28 = arith.constant 624 : i32
    %mul3A_29 = arith.muli %arg1, %mul3A_28 : i32
    "tpu.region"() ({
      %run_scoped3A_117 = tpu.sem_alloc : memref<!tpu.dma_semaphore, #tpu.memory_space<semaphore_mem>>
      %dma_start3A_118 = tpu.memref_slice %arg16[%mul3A_29] : memref<10000xf32, #tpu.memory_space<vmem_shared>> -> memref<624xf32, #tpu.memory_space<vmem_shared>>
      %dma_start3A_119 = tpu.memref_slice %arg16[%mul3A_29] : memref<10000xf32, #tpu.memory_space<vmem_shared>> -> memref<624xf32, #tpu.memory_space<vmem_shared>>
      tpu.enqueue_dma source(%arg18 : memref<624xf32, #tpu.memory_space<vmem>>) target(%dma_start3A_119 : memref<624xf32, #tpu.memory_space<vmem_shared>>) target_semaphore(%run_scoped3A_117 : memref<!tpu.dma_semaphore, #tpu.memory_space<semaphore_mem>>)
      %dma_wait3A_120 = tpu.memref_slice %arg16[%mul3A_29] : memref<10000xf32, #tpu.memory_space<vmem_shared>> -> memref<624xf32, #tpu.memory_space<vmem_shared>>
      %dma_wait3A_121 = tpu.memref_slice %arg16[%mul3A_29] : memref<10000xf32, #tpu.memory_space<vmem_shared>> -> memref<624xf32, #tpu.memory_space<vmem_shared>>
      tpu.wait_dma2 semaphore(%run_scoped3A_117 : memref<!tpu.dma_semaphore, #tpu.memory_space<semaphore_mem>>) src(%arg18 : memref<624xf32, #tpu.memory_space<vmem>>) dst(%dma_wait3A_121 : memref<624xf32, #tpu.memory_space<vmem_shared>>)
      tpu.yield
    }) : () -> ()
    %eq3A_30 = arith.constant 15 : i32
    %eq3A_31 = arith.cmpi eq, %arg1, %eq3A_30 : i32
    %convert_element_type3A_32 = arith.extui %eq3A_31 : i1 to i32
    %cond3A_33 = arith.constant 0 : i32
    %cond3A_34 = arith.cmpi ne, %convert_element_type3A_32, %cond3A_33 : i32
    scf.if %cond3A_34 {
      "tpu.region"() ({
        %run_scoped3A_117 = tpu.sem_alloc : memref<!tpu.dma_semaphore, #tpu.memory_space<semaphore_mem>>
        %dma_start3A_118 = arith.constant 0 : i32
        %dma_start3A_119 = tpu.memref_slice %arg18[%dma_start3A_118] : memref<624xf32, #tpu.memory_space<vmem>> -> memref<16xf32, #tpu.memory_space<vmem>>
        %dma_start3A_120 = arith.constant 9984 : i32
        %dma_start3A_121 = tpu.memref_slice %arg16[%dma_start3A_120] : memref<10000xf32, #tpu.memory_space<vmem_shared>> -> memref<16xf32, #tpu.memory_space<vmem_shared>>
        %dma_start3A_122 = arith.constant 9984 : i32
        %dma_start3A_123 = tpu.memref_slice %arg16[%dma_start3A_122] : memref<10000xf32, #tpu.memory_space<vmem_shared>> -> memref<16xf32, #tpu.memory_space<vmem_shared>>
        %dma_start3A_124 = arith.constant 0 : i32
        %dma_start3A_125 = tpu.memref_slice %arg18[%dma_start3A_124] : memref<624xf32, #tpu.memory_space<vmem>> -> memref<16xf32, #tpu.memory_space<vmem>>
        tpu.enqueue_dma source(%dma_start3A_125 : memref<16xf32, #tpu.memory_space<vmem>>) target(%dma_start3A_123 : memref<16xf32, #tpu.memory_space<vmem_shared>>) target_semaphore(%run_scoped3A_117 : memref<!tpu.dma_semaphore, #tpu.memory_space<semaphore_mem>>)
        %dma_wait3A_126 = arith.constant 0 : i32
        %dma_wait3A_127 = tpu.memref_slice %arg18[%dma_wait3A_126] : memref<624xf32, #tpu.memory_space<vmem>> -> memref<16xf32, #tpu.memory_space<vmem>>
        %dma_wait3A_128 = arith.constant 9984 : i32
        %dma_wait3A_129 = tpu.memref_slice %arg16[%dma_wait3A_128] : memref<10000xf32, #tpu.memory_space<vmem_shared>> -> memref<16xf32, #tpu.memory_space<vmem_shared>>
        %dma_wait3A_130 = arith.constant 9984 : i32
        %dma_wait3A_131 = tpu.memref_slice %arg16[%dma_wait3A_130] : memref<10000xf32, #tpu.memory_space<vmem_shared>> -> memref<16xf32, #tpu.memory_space<vmem_shared>>
        %dma_wait3A_132 = arith.constant 0 : i32
        %dma_wait3A_133 = tpu.memref_slice %arg18[%dma_wait3A_132] : memref<624xf32, #tpu.memory_space<vmem>> -> memref<16xf32, #tpu.memory_space<vmem>>
        tpu.wait_dma2 semaphore(%run_scoped3A_117 : memref<!tpu.dma_semaphore, #tpu.memory_space<semaphore_mem>>) src(%dma_wait3A_133 : memref<16xf32, #tpu.memory_space<vmem>>) dst(%dma_wait3A_131 : memref<16xf32, #tpu.memory_space<vmem_shared>>)
        tpu.yield
      }) : () -> ()
    } else {
    }
    %scan3A_35 = arith.constant 0 : i32
    %scan3A_36 = arith.constant 0 : i32
    %scan3A_37 = arith.constant 8 : i32
    %scan3A_38 = arith.addi %scan3A_36, %scan3A_37 : i32
    %scan3A_39 = arith.constant 1 : i32
    %scan3A_40 = scf.for %scan3A_117 = %scan3A_36 to %scan3A_38 step %scan3A_39 iter_args(%scan3A_118 = %scan3A_35) -> (i32)  : i32 {
      %broadcast_in_dim3A = arith.constant 1.000000e+00 : f32
      %broadcast_in_dim3A_119 = vector.broadcast %broadcast_in_dim3A : f32 to vector<16xf32>
      %mul3A_120 = arith.constant 16 : i32
      %mul3A_121 = arith.muli %scan3A_117, %mul3A_120 : i32
      %swap3A = arith.index_cast %mul3A_121 : i32 to index
      %swap3A_122 = tpu.vector_load %arg17[%swap3A] {strides = array<i32>} : memref<128xf32, #tpu.memory_space<vmem>>, vector<16xf32>,
      %swap3A_123 = vector.shape_cast %swap3A_122 : vector<16xf32> to vector<16xf32>
      %swap3A_124 = vector.shape_cast %broadcast_in_dim3A_119 : vector<16xf32> to vector<16xf32>
      tpu.vector_store %arg17[%swap3A], %swap3A_124 {strides = array<i32>} : memref<128xf32, #tpu.memory_space<vmem>>, vector<16xf32>,
      %scan3A_125 = arith.constant 0 : i32
      scf.yield %scan3A_125 : i32
    }
    %scan3A_41 = arith.constant 8 : i32
    %barrier3A = arith.constant 0 : index
    tpu.barrier barrier_id(%barrier3A)
    %scan3A_42 = arith.constant 0 : i32
    %scan3A_43 = arith.constant 0 : i32
    %scan3A_44 = arith.constant 20 : i32
    %scan3A_45 = arith.addi %scan3A_43, %scan3A_44 : i32
    %scan3A_46 = arith.constant 1 : i32
    %scan3A_47 = scf.for %scan3A_117 = %scan3A_43 to %scan3A_45 step %scan3A_46 iter_args(%scan3A_118 = %scan3A_42) -> (i32)  : i32 {
      %mul3A_119 = arith.constant 2 : i32
      %mul3A_120 = arith.muli %mul3A_119, %scan3A_117 : i32
      %add3A_121 = arith.constant 0 : i32
      %add3A_122 = arith.addi %mul3A_120, %add3A_121 : i32
      %dma_wait3A_123 = arith.constant 0 : i32
      %dma_wait3A_124 = tpu.memref_slice %arg8[%add3A_122, %dma_wait3A_123] : memref<40x125xi32, #tpu.memory_space<vmem>> -> memref<1x125xi32, #tpu.memory_space<vmem>>
      %dma_wait3A_125 = tpu.memref_squeeze %dma_wait3A_124 : memref<1x125xi32, #tpu.memory_space<vmem>> -> memref<125xi32, #tpu.memory_space<vmem>>
      %dma_wait3A_126 = arith.constant 0 : i32
      %dma_wait3A_127 = arith.constant 0 : i32
      %dma_wait3A_128 = tpu.memref_slice %arg2[%dma_wait3A_126, %dma_wait3A_127] : memref<10000x128xf32, #tpu.memory_space<hbm>> -> memref<10000x128xf32, #tpu.memory_space<hbm>>
      tpu.wait_indirect_dma semaphore(%arg12 : memref<!tpu.dma_semaphore, #tpu.memory_space<semaphore_mem>>) src(%dma_wait3A_128 : memref<10000x128xf32, #tpu.memory_space<hbm>>) dst(%arg10 : memref<125x128xf32, #tpu.memory_space<vmem>>)
      %ge3A = arith.constant 1 : i32
      %ge3A_129 = arith.cmpi sge, %add3A_122, %ge3A : i32
      %convert_element_type3A_130 = arith.extui %ge3A_129 : i1 to i32
      %cond3A_131 = arith.constant 0 : i32
      %cond3A_132 = arith.cmpi ne, %convert_element_type3A_130, %cond3A_131 : i32
      scf.if %cond3A_132 {
        %dma_wait3A_198 = arith.constant 0 : i32
        %dma_wait3A_199 = tpu.memref_slice %arg9[%add3A_122, %dma_wait3A_198] : memref<40x125xi32, #tpu.memory_space<vmem>> -> memref<1x125xi32, #tpu.memory_space<vmem>>
        %dma_wait3A_200 = tpu.memref_squeeze %dma_wait3A_199 : memref<1x125xi32, #tpu.memory_space<vmem>> -> memref<125xi32, #tpu.memory_space<vmem>>
        %dma_wait3A_201 = arith.constant 0 : i32
        %dma_wait3A_202 = arith.constant 0 : i32
        %dma_wait3A_203 = tpu.memref_slice %arg7[%dma_wait3A_201, %dma_wait3A_202] : memref<10000x128xf32, #tpu.memory_space<vmem_shared>> -> memref<10000x128xf32, #tpu.memory_space<vmem_shared>>
        tpu.wait_indirect_dma semaphore(%arg15 : memref<!tpu.dma_semaphore, #tpu.memory_space<semaphore_mem>>) src(%arg11 : memref<125x128xf32, #tpu.memory_space<vmem>>) dst(%dma_wait3A_203 : memref<10000x128xf32, #tpu.memory_space<vmem_shared>>)
      } else {
      }
      %add3A_133 = arith.constant 1 : i32
      %add3A_134 = arith.addi %add3A_122, %add3A_133 : i32
      %lt3A = arith.constant 40 : i32
      %lt3A_135 = arith.cmpi slt, %add3A_134, %lt3A : i32
      %convert_element_type3A_136 = arith.extui %lt3A_135 : i1 to i32
      %cond3A_137 = arith.constant 0 : i32
      %cond3A_138 = arith.cmpi ne, %convert_element_type3A_136, %cond3A_137 : i32
      scf.if %cond3A_138 {
        %add3A_198 = arith.constant 1 : i32
        %add3A_199 = arith.addi %add3A_122, %add3A_198 : i32
        %dma_start3A_200 = arith.constant 0 : i32
        %dma_start3A_201 = tpu.memref_slice %arg8[%add3A_199, %dma_start3A_200] : memref<40x125xi32, #tpu.memory_space<vmem>> -> memref<1x125xi32, #tpu.memory_space<vmem>>
        %dma_start3A_202 = tpu.memref_squeeze %dma_start3A_201 : memref<1x125xi32, #tpu.memory_space<vmem>> -> memref<125xi32, #tpu.memory_space<vmem>>
        %dma_start3A_203 = arith.constant 0 : i32
        %dma_start3A_204 = arith.constant 0 : i32
        %dma_start3A_205 = tpu.memref_slice %arg2[%dma_start3A_203, %dma_start3A_204] : memref<10000x128xf32, #tpu.memory_space<hbm>> -> memref<10000x128xf32, #tpu.memory_space<hbm>>
        tpu.enqueue_indirect_dma source(%dma_start3A_205 : memref<10000x128xf32, #tpu.memory_space<hbm>>) target(%arg11 : memref<125x128xf32, #tpu.memory_space<vmem>>) offsets(%dma_start3A_202 : memref<125xi32, #tpu.memory_space<vmem>>) semaphore(%arg13 : memref<!tpu.dma_semaphore, #tpu.memory_space<semaphore_mem>>)
      } else {
      }
      %dma_start3A_139 = arith.constant 0 : i32
      %dma_start3A_140 = tpu.memref_slice %arg9[%add3A_122, %dma_start3A_139] : memref<40x125xi32, #tpu.memory_space<vmem>> -> memref<1x125xi32, #tpu.memory_space<vmem>>
      %dma_start3A_141 = tpu.memref_squeeze %dma_start3A_140 : memref<1x125xi32, #tpu.memory_space<vmem>> -> memref<125xi32, #tpu.memory_space<vmem>>
      %dma_start3A_142 = arith.constant 0 : i32
      %dma_start3A_143 = arith.constant 0 : i32
      %dma_start3A_144 = tpu.memref_slice %arg7[%dma_start3A_142, %dma_start3A_143] : memref<10000x128xf32, #tpu.memory_space<vmem_shared>> -> memref<10000x128xf32, #tpu.memory_space<vmem_shared>>
      tpu.enqueue_indirect_dma source(%arg10 : memref<125x128xf32, #tpu.memory_space<vmem>>) target(%dma_start3A_144 : memref<10000x128xf32, #tpu.memory_space<vmem_shared>>) offsets(%dma_start3A_141 : memref<125xi32, #tpu.memory_space<vmem>>) semaphore(%arg14 : memref<!tpu.dma_semaphore, #tpu.memory_space<semaphore_mem>>) {add = true}
      %ge3A_145 = arith.constant 1 : i32
      %ge3A_146 = arith.cmpi sge, %add3A_122, %ge3A_145 : i32
      %convert_element_type3A_147 = arith.extui %ge3A_146 : i1 to i32
      %cond3A_148 = arith.constant 0 : i32
      %cond3A_149 = arith.cmpi ne, %convert_element_type3A_147, %cond3A_148 : i32
      scf.if %cond3A_149 {
        %dma_wait3A_198 = arith.constant 0 : i32
        %dma_wait3A_199 = tpu.memref_slice %arg17[%dma_wait3A_198] : memref<128xf32, #tpu.memory_space<vmem>> -> memref<125xf32, #tpu.memory_space<vmem>>
        %dma_wait3A_200 = arith.constant 0 : i32
        %dma_wait3A_201 = tpu.memref_slice %arg9[%add3A_122, %dma_wait3A_200] : memref<40x125xi32, #tpu.memory_space<vmem>> -> memref<1x125xi32, #tpu.memory_space<vmem>>
        %dma_wait3A_202 = tpu.memref_squeeze %dma_wait3A_201 : memref<1x125xi32, #tpu.memory_space<vmem>> -> memref<125xi32, #tpu.memory_space<vmem>>
        %dma_wait3A_203 = arith.constant 0 : i32
        %dma_wait3A_204 = tpu.memref_slice %arg16[%dma_wait3A_203] : memref<10000xf32, #tpu.memory_space<vmem_shared>> -> memref<10000xf32, #tpu.memory_space<vmem_shared>>
        tpu.wait_indirect_dma semaphore(%arg19 : memref<!tpu.dma_semaphore, #tpu.memory_space<semaphore_mem>>) src(%dma_wait3A_199 : memref<125xf32, #tpu.memory_space<vmem>>) dst(%dma_wait3A_204 : memref<10000xf32, #tpu.memory_space<vmem_shared>>)
      } else {
      }
      %dma_start3A_150 = arith.constant 0 : i32
      %dma_start3A_151 = tpu.memref_slice %arg17[%dma_start3A_150] : memref<128xf32, #tpu.memory_space<vmem>> -> memref<125xf32, #tpu.memory_space<vmem>>
      %dma_start3A_152 = arith.constant 0 : i32
      %dma_start3A_153 = tpu.memref_slice %arg9[%add3A_122, %dma_start3A_152] : memref<40x125xi32, #tpu.memory_space<vmem>> -> memref<1x125xi32, #tpu.memory_space<vmem>>
      %dma_start3A_154 = tpu.memref_squeeze %dma_start3A_153 : memref<1x125xi32, #tpu.memory_space<vmem>> -> memref<125xi32, #tpu.memory_space<vmem>>
      %dma_start3A_155 = arith.constant 0 : i32
      %dma_start3A_156 = tpu.memref_slice %arg16[%dma_start3A_155] : memref<10000xf32, #tpu.memory_space<vmem_shared>> -> memref<10000xf32, #tpu.memory_space<vmem_shared>>
      tpu.enqueue_indirect_dma source(%dma_start3A_151 : memref<125xf32, #tpu.memory_space<vmem>>) target(%dma_start3A_156 : memref<10000xf32, #tpu.memory_space<vmem_shared>>) offsets(%dma_start3A_154 : memref<125xi32, #tpu.memory_space<vmem>>) semaphore(%arg19 : memref<!tpu.dma_semaphore, #tpu.memory_space<semaphore_mem>>) {add = true}
      %mul3A_157 = arith.constant 2 : i32
      %mul3A_158 = arith.muli %mul3A_157, %scan3A_117 : i32
      %add3A_159 = arith.constant 1 : i32
      %add3A_160 = arith.addi %mul3A_158, %add3A_159 : i32
      %dma_wait3A_161 = arith.constant 0 : i32
      %dma_wait3A_162 = tpu.memref_slice %arg8[%add3A_160, %dma_wait3A_161] : memref<40x125xi32, #tpu.memory_space<vmem>> -> memref<1x125xi32, #tpu.memory_space<vmem>>
      %dma_wait3A_163 = tpu.memref_squeeze %dma_wait3A_162 : memref<1x125xi32, #tpu.memory_space<vmem>> -> memref<125xi32, #tpu.memory_space<vmem>>
      %dma_wait3A_164 = arith.constant 0 : i32
      %dma_wait3A_165 = arith.constant 0 : i32
      %dma_wait3A_166 = tpu.memref_slice %arg2[%dma_wait3A_164, %dma_wait3A_165] : memref<10000x128xf32, #tpu.memory_space<hbm>> -> memref<10000x128xf32, #tpu.memory_space<hbm>>
      tpu.wait_indirect_dma semaphore(%arg13 : memref<!tpu.dma_semaphore, #tpu.memory_space<semaphore_mem>>) src(%dma_wait3A_166 : memref<10000x128xf32, #tpu.memory_space<hbm>>) dst(%arg11 : memref<125x128xf32, #tpu.memory_space<vmem>>)
      %ge3A_167 = arith.constant 1 : i32
      %ge3A_168 = arith.cmpi sge, %add3A_160, %ge3A_167 : i32
      %convert_element_type3A_169 = arith.extui %ge3A_168 : i1 to i32
      %cond3A_170 = arith.constant 0 : i32
      %cond3A_171 = arith.cmpi ne, %convert_element_type3A_169, %cond3A_170 : i32
      scf.if %cond3A_171 {
        %dma_wait3A_198 = arith.constant 0 : i32
        %dma_wait3A_199 = tpu.memref_slice %arg9[%add3A_160, %dma_wait3A_198] : memref<40x125xi32, #tpu.memory_space<vmem>> -> memref<1x125xi32, #tpu.memory_space<vmem>>
        %dma_wait3A_200 = tpu.memref_squeeze %dma_wait3A_199 : memref<1x125xi32, #tpu.memory_space<vmem>> -> memref<125xi32, #tpu.memory_space<vmem>>
        %dma_wait3A_201 = arith.constant 0 : i32
        %dma_wait3A_202 = arith.constant 0 : i32
        %dma_wait3A_203 = tpu.memref_slice %arg7[%dma_wait3A_201, %dma_wait3A_202] : memref<10000x128xf32, #tpu.memory_space<vmem_shared>> -> memref<10000x128xf32, #tpu.memory_space<vmem_shared>>
        tpu.wait_indirect_dma semaphore(%arg14 : memref<!tpu.dma_semaphore, #tpu.memory_space<semaphore_mem>>) src(%arg10 : memref<125x128xf32, #tpu.memory_space<vmem>>) dst(%dma_wait3A_203 : memref<10000x128xf32, #tpu.memory_space<vmem_shared>>)
      } else {
      }
      %add3A_172 = arith.constant 1 : i32
      %add3A_173 = arith.addi %add3A_160, %add3A_172 : i32
      %lt3A_174 = arith.constant 40 : i32
      %lt3A_175 = arith.cmpi slt, %add3A_173, %lt3A_174 : i32
      %convert_element_type3A_176 = arith.extui %lt3A_175 : i1 to i32
      %cond3A_177 = arith.constant 0 : i32
      %cond3A_178 = arith.cmpi ne, %convert_element_type3A_176, %cond3A_177 : i32
      scf.if %cond3A_178 {
        %add3A_198 = arith.constant 1 : i32
        %add3A_199 = arith.addi %add3A_160, %add3A_198 : i32
        %dma_start3A_200 = arith.constant 0 : i32
        %dma_start3A_201 = tpu.memref_slice %arg8[%add3A_199, %dma_start3A_200] : memref<40x125xi32, #tpu.memory_space<vmem>> -> memref<1x125xi32, #tpu.memory_space<vmem>>
        %dma_start3A_202 = tpu.memref_squeeze %dma_start3A_201 : memref<1x125xi32, #tpu.memory_space<vmem>> -> memref<125xi32, #tpu.memory_space<vmem>>
        %dma_start3A_203 = arith.constant 0 : i32
        %dma_start3A_204 = arith.constant 0 : i32
        %dma_start3A_205 = tpu.memref_slice %arg2[%dma_start3A_203, %dma_start3A_204] : memref<10000x128xf32, #tpu.memory_space<hbm>> -> memref<10000x128xf32, #tpu.memory_space<hbm>>
        tpu.enqueue_indirect_dma source(%dma_start3A_205 : memref<10000x128xf32, #tpu.memory_space<hbm>>) target(%arg10 : memref<125x128xf32, #tpu.memory_space<vmem>>) offsets(%dma_start3A_202 : memref<125xi32, #tpu.memory_space<vmem>>) semaphore(%arg12 : memref<!tpu.dma_semaphore, #tpu.memory_space<semaphore_mem>>)
      } else {
      }
      %dma_start3A_179 = arith.constant 0 : i32
      %dma_start3A_180 = tpu.memref_slice %arg9[%add3A_160, %dma_start3A_179] : memref<40x125xi32, #tpu.memory_space<vmem>> -> memref<1x125xi32, #tpu.memory_space<vmem>>
      %dma_start3A_181 = tpu.memref_squeeze %dma_start3A_180 : memref<1x125xi32, #tpu.memory_space<vmem>> -> memref<125xi32, #tpu.memory_space<vmem>>
      %dma_start3A_182 = arith.constant 0 : i32
      %dma_start3A_183 = arith.constant 0 : i32
      %dma_start3A_184 = tpu.memref_slice %arg7[%dma_start3A_182, %dma_start3A_183] : memref<10000x128xf32, #tpu.memory_space<vmem_shared>> -> memref<10000x128xf32, #tpu.memory_space<vmem_shared>>
      tpu.enqueue_indirect_dma source(%arg11 : memref<125x128xf32, #tpu.memory_space<vmem>>) target(%dma_start3A_184 : memref<10000x128xf32, #tpu.memory_space<vmem_shared>>) offsets(%dma_start3A_181 : memref<125xi32, #tpu.memory_space<vmem>>) semaphore(%arg15 : memref<!tpu.dma_semaphore, #tpu.memory_space<semaphore_mem>>) {add = true}
      %ge3A_185 = arith.constant 1 : i32
      %ge3A_186 = arith.cmpi sge, %add3A_160, %ge3A_185 : i32
      %convert_element_type3A_187 = arith.extui %ge3A_186 : i1 to i32
      %cond3A_188 = arith.constant 0 : i32
      %cond3A_189 = arith.cmpi ne, %convert_element_type3A_187, %cond3A_188 : i32
      scf.if %cond3A_189 {
        %dma_wait3A_198 = arith.constant 0 : i32
        %dma_wait3A_199 = tpu.memref_slice %arg17[%dma_wait3A_198] : memref<128xf32, #tpu.memory_space<vmem>> -> memref<125xf32, #tpu.memory_space<vmem>>
        %dma_wait3A_200 = arith.constant 0 : i32
        %dma_wait3A_201 = tpu.memref_slice %arg9[%add3A_160, %dma_wait3A_200] : memref<40x125xi32, #tpu.memory_space<vmem>> -> memref<1x125xi32, #tpu.memory_space<vmem>>
        %dma_wait3A_202 = tpu.memref_squeeze %dma_wait3A_201 : memref<1x125xi32, #tpu.memory_space<vmem>> -> memref<125xi32, #tpu.memory_space<vmem>>
        %dma_wait3A_203 = arith.constant 0 : i32
        %dma_wait3A_204 = tpu.memref_slice %arg16[%dma_wait3A_203] : memref<10000xf32, #tpu.memory_space<vmem_shared>> -> memref<10000xf32, #tpu.memory_space<vmem_shared>>
        tpu.wait_indirect_dma semaphore(%arg19 : memref<!tpu.dma_semaphore, #tpu.memory_space<semaphore_mem>>) src(%dma_wait3A_199 : memref<125xf32, #tpu.memory_space<vmem>>) dst(%dma_wait3A_204 : memref<10000xf32, #tpu.memory_space<vmem_shared>>)
      } else {
      }
      %dma_start3A_190 = arith.constant 0 : i32
      %dma_start3A_191 = tpu.memref_slice %arg17[%dma_start3A_190] : memref<128xf32, #tpu.memory_space<vmem>> -> memref<125xf32, #tpu.memory_space<vmem>>
      %dma_start3A_192 = arith.constant 0 : i32
      %dma_start3A_193 = tpu.memref_slice %arg9[%add3A_160, %dma_start3A_192] : memref<40x125xi32, #tpu.memory_space<vmem>> -> memref<1x125xi32, #tpu.memory_space<vmem>>
      %dma_start3A_194 = tpu.memref_squeeze %dma_start3A_193 : memref<1x125xi32, #tpu.memory_space<vmem>> -> memref<125xi32, #tpu.memory_space<vmem>>
      %dma_start3A_195 = arith.constant 0 : i32
      %dma_start3A_196 = tpu.memref_slice %arg16[%dma_start3A_195] : memref<10000xf32, #tpu.memory_space<vmem_shared>> -> memref<10000xf32, #tpu.memory_space<vmem_shared>>
      tpu.enqueue_indirect_dma source(%dma_start3A_191 : memref<125xf32, #tpu.memory_space<vmem>>) target(%dma_start3A_196 : memref<10000xf32, #tpu.memory_space<vmem_shared>>) offsets(%dma_start3A_194 : memref<125xi32, #tpu.memory_space<vmem>>) semaphore(%arg19 : memref<!tpu.dma_semaphore, #tpu.memory_space<semaphore_mem>>) {add = true}
      %scan3A_197 = arith.constant 0 : i32
      scf.yield %scan3A_197 : i32
    }
    %scan3A_48 = arith.constant 20 : i32
    %dma_wait3A = arith.constant 0 : i32
    %dma_wait3A_49 = arith.constant 0 : i32
    %dma_wait3A_50 = tpu.memref_slice %arg9[%dma_wait3A, %dma_wait3A_49] : memref<40x125xi32, #tpu.memory_space<vmem>> -> memref<1x125xi32, #tpu.memory_space<vmem>>
    %dma_wait3A_51 = tpu.memref_squeeze %dma_wait3A_50 : memref<1x125xi32, #tpu.memory_space<vmem>> -> memref<125xi32, #tpu.memory_space<vmem>>
    %dma_wait3A_52 = arith.constant 0 : i32
    %dma_wait3A_53 = arith.constant 0 : i32
    %dma_wait3A_54 = tpu.memref_slice %arg7[%dma_wait3A_52, %dma_wait3A_53] : memref<10000x128xf32, #tpu.memory_space<vmem_shared>> -> memref<10000x128xf32, #tpu.memory_space<vmem_shared>>
    tpu.wait_indirect_dma semaphore(%arg15 : memref<!tpu.dma_semaphore, #tpu.memory_space<semaphore_mem>>) src(%arg11 : memref<125x128xf32, #tpu.memory_space<vmem>>) dst(%dma_wait3A_54 : memref<10000x128xf32, #tpu.memory_space<vmem_shared>>)
    %dma_wait3A_55 = arith.constant 0 : i32
    %dma_wait3A_56 = arith.constant 0 : i32
    %dma_wait3A_57 = tpu.memref_slice %arg17[%dma_wait3A_56] : memref<128xf32, #tpu.memory_space<vmem>> -> memref<125xf32, #tpu.memory_space<vmem>>
    %dma_wait3A_58 = arith.constant 0 : i32
    %dma_wait3A_59 = tpu.memref_slice %arg9[%dma_wait3A_55, %dma_wait3A_58] : memref<40x125xi32, #tpu.memory_space<vmem>> -> memref<1x125xi32, #tpu.memory_space<vmem>>
    %dma_wait3A_60 = tpu.memref_squeeze %dma_wait3A_59 : memref<1x125xi32, #tpu.memory_space<vmem>> -> memref<125xi32, #tpu.memory_space<vmem>>
    %dma_wait3A_61 = arith.constant 0 : i32
    %dma_wait3A_62 = tpu.memref_slice %arg16[%dma_wait3A_61] : memref<10000xf32, #tpu.memory_space<vmem_shared>> -> memref<10000xf32, #tpu.memory_space<vmem_shared>>
    tpu.wait_indirect_dma semaphore(%arg19 : memref<!tpu.dma_semaphore, #tpu.memory_space<semaphore_mem>>) src(%dma_wait3A_57 : memref<125xf32, #tpu.memory_space<vmem>>) dst(%dma_wait3A_62 : memref<10000xf32, #tpu.memory_space<vmem_shared>>)
    %run_scoped3A_63 = arith.constant 0 : i32
    "tpu.region"() ({
      %run_scoped3A_117 = tpu.sem_alloc : memref<!tpu.dma_semaphore, #tpu.memory_space<semaphore_mem>>
      %dma_start3A_118 = arith.constant 40 : i32
      %dma_start3A_119 = arith.constant 0 : i32
      %dma_start3A_120 = tpu.memref_slice %arg3[%run_scoped3A_63, %add3A, %dma_start3A_118, %dma_start3A_119] : memref<2x32x80x125xi32, #tpu.memory_space<hbm>> -> memref<1x1x40x125xi32, #tpu.memory_space<hbm>>
      %dma_start3A_121 = tpu.memref_squeeze %dma_start3A_120 : memref<1x1x40x125xi32, #tpu.memory_space<hbm>> -> memref<40x125xi32, #tpu.memory_space<hbm>>
      %dma_start3A_122 = arith.constant 40 : i32
      %dma_start3A_123 = arith.constant 0 : i32
      %dma_start3A_124 = tpu.memref_slice %arg3[%run_scoped3A_63, %add3A, %dma_start3A_122, %dma_start3A_123] : memref<2x32x80x125xi32, #tpu.memory_space<hbm>> -> memref<1x1x40x125xi32, #tpu.memory_space<hbm>>
      %dma_start3A_125 = tpu.memref_squeeze %dma_start3A_124 : memref<1x1x40x125xi32, #tpu.memory_space<hbm>> -> memref<40x125xi32, #tpu.memory_space<hbm>>
      tpu.enqueue_dma source(%dma_start3A_125 : memref<40x125xi32, #tpu.memory_space<hbm>>) target(%arg8 : memref<40x125xi32, #tpu.memory_space<vmem>>) target_semaphore(%run_scoped3A_117 : memref<!tpu.dma_semaphore, #tpu.memory_space<semaphore_mem>>)
      %dma_wait3A_126 = arith.constant 40 : i32
      %dma_wait3A_127 = arith.constant 0 : i32
      %dma_wait3A_128 = tpu.memref_slice %arg3[%run_scoped3A_63, %add3A, %dma_wait3A_126, %dma_wait3A_127] : memref<2x32x80x125xi32, #tpu.memory_space<hbm>> -> memref<1x1x40x125xi32, #tpu.memory_space<hbm>>
      %dma_wait3A_129 = tpu.memref_squeeze %dma_wait3A_128 : memref<1x1x40x125xi32, #tpu.memory_space<hbm>> -> memref<40x125xi32, #tpu.memory_space<hbm>>
      %dma_wait3A_130 = arith.constant 40 : i32
      %dma_wait3A_131 = arith.constant 0 : i32
      %dma_wait3A_132 = tpu.memref_slice %arg3[%run_scoped3A_63, %add3A, %dma_wait3A_130, %dma_wait3A_131] : memref<2x32x80x125xi32, #tpu.memory_space<hbm>> -> memref<1x1x40x125xi32, #tpu.memory_space<hbm>>
      %dma_wait3A_133 = tpu.memref_squeeze %dma_wait3A_132 : memref<1x1x40x125xi32, #tpu.memory_space<hbm>> -> memref<40x125xi32, #tpu.memory_space<hbm>>
      tpu.wait_dma2 semaphore(%run_scoped3A_117 : memref<!tpu.dma_semaphore, #tpu.memory_space<semaphore_mem>>) src(%dma_wait3A_133 : memref<40x125xi32, #tpu.memory_space<hbm>>) dst(%arg8 : memref<40x125xi32, #tpu.memory_space<vmem>>)
      tpu.yield
    }) : () -> ()
    %run_scoped3A_64 = arith.constant 1 : i32
    "tpu.region"() ({
      %run_scoped3A_117 = tpu.sem_alloc : memref<!tpu.dma_semaphore, #tpu.memory_space<semaphore_mem>>
      %dma_start3A_118 = arith.constant 40 : i32
      %dma_start3A_119 = arith.constant 0 : i32
      %dma_start3A_120 = tpu.memref_slice %arg3[%run_scoped3A_64, %add3A, %dma_start3A_118, %dma_start3A_119] : memref<2x32x80x125xi32, #tpu.memory_space<hbm>> -> memref<1x1x40x125xi32, #tpu.memory_space<hbm>>
      %dma_start3A_121 = tpu.memref_squeeze %dma_start3A_120 : memref<1x1x40x125xi32, #tpu.memory_space<hbm>> -> memref<40x125xi32, #tpu.memory_space<hbm>>
      %dma_start3A_122 = arith.constant 40 : i32
      %dma_start3A_123 = arith.constant 0 : i32
      %dma_start3A_124 = tpu.memref_slice %arg3[%run_scoped3A_64, %add3A, %dma_start3A_122, %dma_start3A_123] : memref<2x32x80x125xi32, #tpu.memory_space<hbm>> -> memref<1x1x40x125xi32, #tpu.memory_space<hbm>>
      %dma_start3A_125 = tpu.memref_squeeze %dma_start3A_124 : memref<1x1x40x125xi32, #tpu.memory_space<hbm>> -> memref<40x125xi32, #tpu.memory_space<hbm>>
      tpu.enqueue_dma source(%dma_start3A_125 : memref<40x125xi32, #tpu.memory_space<hbm>>) target(%arg9 : memref<40x125xi32, #tpu.memory_space<vmem>>) target_semaphore(%run_scoped3A_117 : memref<!tpu.dma_semaphore, #tpu.memory_space<semaphore_mem>>)
      %dma_wait3A_126 = arith.constant 40 : i32
      %dma_wait3A_127 = arith.constant 0 : i32
      %dma_wait3A_128 = tpu.memref_slice %arg3[%run_scoped3A_64, %add3A, %dma_wait3A_126, %dma_wait3A_127] : memref<2x32x80x125xi32, #tpu.memory_space<hbm>> -> memref<1x1x40x125xi32, #tpu.memory_space<hbm>>
      %dma_wait3A_129 = tpu.memref_squeeze %dma_wait3A_128 : memref<1x1x40x125xi32, #tpu.memory_space<hbm>> -> memref<40x125xi32, #tpu.memory_space<hbm>>
      %dma_wait3A_130 = arith.constant 40 : i32
      %dma_wait3A_131 = arith.constant 0 : i32
      %dma_wait3A_132 = tpu.memref_slice %arg3[%run_scoped3A_64, %add3A, %dma_wait3A_130, %dma_wait3A_131] : memref<2x32x80x125xi32, #tpu.memory_space<hbm>> -> memref<1x1x40x125xi32, #tpu.memory_space<hbm>>
      %dma_wait3A_133 = tpu.memref_squeeze %dma_wait3A_132 : memref<1x1x40x125xi32, #tpu.memory_space<hbm>> -> memref<40x125xi32, #tpu.memory_space<hbm>>
      tpu.wait_dma2 semaphore(%run_scoped3A_117 : memref<!tpu.dma_semaphore, #tpu.memory_space<semaphore_mem>>) src(%dma_wait3A_133 : memref<40x125xi32, #tpu.memory_space<hbm>>) dst(%arg9 : memref<40x125xi32, #tpu.memory_space<vmem>>)
      tpu.yield
    }) : () -> ()
    %dma_start3A_65 = arith.constant 0 : i32
    %dma_start3A_66 = arith.constant 0 : i32
    %dma_start3A_67 = tpu.memref_slice %arg8[%dma_start3A_65, %dma_start3A_66] : memref<40x125xi32, #tpu.memory_space<vmem>> -> memref<1x125xi32, #tpu.memory_space<vmem>>
    %dma_start3A_68 = tpu.memref_squeeze %dma_start3A_67 : memref<1x125xi32, #tpu.memory_space<vmem>> -> memref<125xi32, #tpu.memory_space<vmem>>
    %dma_start3A_69 = arith.constant 0 : i32
    %dma_start3A_70 = arith.constant 0 : i32
    %dma_start3A_71 = tpu.memref_slice %arg2[%dma_start3A_69, %dma_start3A_70] : memref<10000x128xf32, #tpu.memory_space<hbm>> -> memref<10000x128xf32, #tpu.memory_space<hbm>>
    tpu.enqueue_indirect_dma source(%dma_start3A_71 : memref<10000x128xf32, #tpu.memory_space<hbm>>) target(%arg10 : memref<125x128xf32, #tpu.memory_space<vmem>>) offsets(%dma_start3A_68 : memref<125xi32, #tpu.memory_space<vmem>>) semaphore(%arg12 : memref<!tpu.dma_semaphore, #tpu.memory_space<semaphore_mem>>)
    %scan3A_72 = arith.constant 0 : i32
    %scan3A_73 = arith.constant 0 : i32
    %scan3A_74 = arith.constant 20 : i32
    %scan3A_75 = arith.addi %scan3A_73, %scan3A_74 : i32
    %scan3A_76 = arith.constant 1 : i32
    %scan3A_77 = scf.for %scan3A_117 = %scan3A_73 to %scan3A_75 step %scan3A_76 iter_args(%scan3A_118 = %scan3A_72) -> (i32)  : i32 {
      %mul3A_119 = arith.constant 2 : i32
      %mul3A_120 = arith.muli %mul3A_119, %scan3A_117 : i32
      %add3A_121 = arith.constant 0 : i32
      %add3A_122 = arith.addi %mul3A_120, %add3A_121 : i32
      %dma_wait3A_123 = arith.constant 0 : i32
      %dma_wait3A_124 = tpu.memref_slice %arg8[%add3A_122, %dma_wait3A_123] : memref<40x125xi32, #tpu.memory_space<vmem>> -> memref<1x125xi32, #tpu.memory_space<vmem>>
      %dma_wait3A_125 = tpu.memref_squeeze %dma_wait3A_124 : memref<1x125xi32, #tpu.memory_space<vmem>> -> memref<125xi32, #tpu.memory_space<vmem>>
      %dma_wait3A_126 = arith.constant 0 : i32
      %dma_wait3A_127 = arith.constant 0 : i32
      %dma_wait3A_128 = tpu.memref_slice %arg2[%dma_wait3A_126, %dma_wait3A_127] : memref<10000x128xf32, #tpu.memory_space<hbm>> -> memref<10000x128xf32, #tpu.memory_space<hbm>>
      tpu.wait_indirect_dma semaphore(%arg12 : memref<!tpu.dma_semaphore, #tpu.memory_space<semaphore_mem>>) src(%dma_wait3A_128 : memref<10000x128xf32, #tpu.memory_space<hbm>>) dst(%arg10 : memref<125x128xf32, #tpu.memory_space<vmem>>)
      %ge3A = arith.constant 1 : i32
      %ge3A_129 = arith.cmpi sge, %add3A_122, %ge3A : i32
      %convert_element_type3A_130 = arith.extui %ge3A_129 : i1 to i32
      %cond3A_131 = arith.constant 0 : i32
      %cond3A_132 = arith.cmpi ne, %convert_element_type3A_130, %cond3A_131 : i32
      scf.if %cond3A_132 {
        %dma_wait3A_198 = arith.constant 0 : i32
        %dma_wait3A_199 = tpu.memref_slice %arg9[%add3A_122, %dma_wait3A_198] : memref<40x125xi32, #tpu.memory_space<vmem>> -> memref<1x125xi32, #tpu.memory_space<vmem>>
        %dma_wait3A_200 = tpu.memref_squeeze %dma_wait3A_199 : memref<1x125xi32, #tpu.memory_space<vmem>> -> memref<125xi32, #tpu.memory_space<vmem>>
        %dma_wait3A_201 = arith.constant 0 : i32
        %dma_wait3A_202 = arith.constant 0 : i32
        %dma_wait3A_203 = tpu.memref_slice %arg7[%dma_wait3A_201, %dma_wait3A_202] : memref<10000x128xf32, #tpu.memory_space<vmem_shared>> -> memref<10000x128xf32, #tpu.memory_space<vmem_shared>>
        tpu.wait_indirect_dma semaphore(%arg15 : memref<!tpu.dma_semaphore, #tpu.memory_space<semaphore_mem>>) src(%arg11 : memref<125x128xf32, #tpu.memory_space<vmem>>) dst(%dma_wait3A_203 : memref<10000x128xf32, #tpu.memory_space<vmem_shared>>)
      } else {
      }
      %add3A_133 = arith.constant 1 : i32
      %add3A_134 = arith.addi %add3A_122, %add3A_133 : i32
      %lt3A = arith.constant 40 : i32
      %lt3A_135 = arith.cmpi slt, %add3A_134, %lt3A : i32
      %convert_element_type3A_136 = arith.extui %lt3A_135 : i1 to i32
      %cond3A_137 = arith.constant 0 : i32
      %cond3A_138 = arith.cmpi ne, %convert_element_type3A_136, %cond3A_137 : i32
      scf.if %cond3A_138 {
        %add3A_198 = arith.constant 1 : i32
        %add3A_199 = arith.addi %add3A_122, %add3A_198 : i32
        %dma_start3A_200 = arith.constant 0 : i32
        %dma_start3A_201 = tpu.memref_slice %arg8[%add3A_199, %dma_start3A_200] : memref<40x125xi32, #tpu.memory_space<vmem>> -> memref<1x125xi32, #tpu.memory_space<vmem>>
        %dma_start3A_202 = tpu.memref_squeeze %dma_start3A_201 : memref<1x125xi32, #tpu.memory_space<vmem>> -> memref<125xi32, #tpu.memory_space<vmem>>
        %dma_start3A_203 = arith.constant 0 : i32
        %dma_start3A_204 = arith.constant 0 : i32
        %dma_start3A_205 = tpu.memref_slice %arg2[%dma_start3A_203, %dma_start3A_204] : memref<10000x128xf32, #tpu.memory_space<hbm>> -> memref<10000x128xf32, #tpu.memory_space<hbm>>
        tpu.enqueue_indirect_dma source(%dma_start3A_205 : memref<10000x128xf32, #tpu.memory_space<hbm>>) target(%arg11 : memref<125x128xf32, #tpu.memory_space<vmem>>) offsets(%dma_start3A_202 : memref<125xi32, #tpu.memory_space<vmem>>) semaphore(%arg13 : memref<!tpu.dma_semaphore, #tpu.memory_space<semaphore_mem>>)
      } else {
      }
      %dma_start3A_139 = arith.constant 0 : i32
      %dma_start3A_140 = tpu.memref_slice %arg9[%add3A_122, %dma_start3A_139] : memref<40x125xi32, #tpu.memory_space<vmem>> -> memref<1x125xi32, #tpu.memory_space<vmem>>
      %dma_start3A_141 = tpu.memref_squeeze %dma_start3A_140 : memref<1x125xi32, #tpu.memory_space<vmem>> -> memref<125xi32, #tpu.memory_space<vmem>>
      %dma_start3A_142 = arith.constant 0 : i32
      %dma_start3A_143 = arith.constant 0 : i32
      %dma_start3A_144 = tpu.memref_slice %arg7[%dma_start3A_142, %dma_start3A_143] : memref<10000x128xf32, #tpu.memory_space<vmem_shared>> -> memref<10000x128xf32, #tpu.memory_space<vmem_shared>>
      tpu.enqueue_indirect_dma source(%arg10 : memref<125x128xf32, #tpu.memory_space<vmem>>) target(%dma_start3A_144 : memref<10000x128xf32, #tpu.memory_space<vmem_shared>>) offsets(%dma_start3A_141 : memref<125xi32, #tpu.memory_space<vmem>>) semaphore(%arg14 : memref<!tpu.dma_semaphore, #tpu.memory_space<semaphore_mem>>) {add = true}
      %ge3A_145 = arith.constant 1 : i32
      %ge3A_146 = arith.cmpi sge, %add3A_122, %ge3A_145 : i32
      %convert_element_type3A_147 = arith.extui %ge3A_146 : i1 to i32
      %cond3A_148 = arith.constant 0 : i32
      %cond3A_149 = arith.cmpi ne, %convert_element_type3A_147, %cond3A_148 : i32
      scf.if %cond3A_149 {
        %dma_wait3A_198 = arith.constant 0 : i32
        %dma_wait3A_199 = tpu.memref_slice %arg17[%dma_wait3A_198] : memref<128xf32, #tpu.memory_space<vmem>> -> memref<125xf32, #tpu.memory_space<vmem>>
        %dma_wait3A_200 = arith.constant 0 : i32
        %dma_wait3A_201 = tpu.memref_slice %arg9[%add3A_122, %dma_wait3A_200] : memref<40x125xi32, #tpu.memory_space<vmem>> -> memref<1x125xi32, #tpu.memory_space<vmem>>
        %dma_wait3A_202 = tpu.memref_squeeze %dma_wait3A_201 : memref<1x125xi32, #tpu.memory_space<vmem>> -> memref<125xi32, #tpu.memory_space<vmem>>
        %dma_wait3A_203 = arith.constant 0 : i32
        %dma_wait3A_204 = tpu.memref_slice %arg16[%dma_wait3A_203] : memref<10000xf32, #tpu.memory_space<vmem_shared>> -> memref<10000xf32, #tpu.memory_space<vmem_shared>>
        tpu.wait_indirect_dma semaphore(%arg19 : memref<!tpu.dma_semaphore, #tpu.memory_space<semaphore_mem>>) src(%dma_wait3A_199 : memref<125xf32, #tpu.memory_space<vmem>>) dst(%dma_wait3A_204 : memref<10000xf32, #tpu.memory_space<vmem_shared>>)
      } else {
      }
      %dma_start3A_150 = arith.constant 0 : i32
      %dma_start3A_151 = tpu.memref_slice %arg17[%dma_start3A_150] : memref<128xf32, #tpu.memory_space<vmem>> -> memref<125xf32, #tpu.memory_space<vmem>>
      %dma_start3A_152 = arith.constant 0 : i32
      %dma_start3A_153 = tpu.memref_slice %arg9[%add3A_122, %dma_start3A_152] : memref<40x125xi32, #tpu.memory_space<vmem>> -> memref<1x125xi32, #tpu.memory_space<vmem>>
      %dma_start3A_154 = tpu.memref_squeeze %dma_start3A_153 : memref<1x125xi32, #tpu.memory_space<vmem>> -> memref<125xi32, #tpu.memory_space<vmem>>
      %dma_start3A_155 = arith.constant 0 : i32
      %dma_start3A_156 = tpu.memref_slice %arg16[%dma_start3A_155] : memref<10000xf32, #tpu.memory_space<vmem_shared>> -> memref<10000xf32, #tpu.memory_space<vmem_shared>>
      tpu.enqueue_indirect_dma source(%dma_start3A_151 : memref<125xf32, #tpu.memory_space<vmem>>) target(%dma_start3A_156 : memref<10000xf32, #tpu.memory_space<vmem_shared>>) offsets(%dma_start3A_154 : memref<125xi32, #tpu.memory_space<vmem>>) semaphore(%arg19 : memref<!tpu.dma_semaphore, #tpu.memory_space<semaphore_mem>>) {add = true}
      %mul3A_157 = arith.constant 2 : i32
      %mul3A_158 = arith.muli %mul3A_157, %scan3A_117 : i32
      %add3A_159 = arith.constant 1 : i32
      %add3A_160 = arith.addi %mul3A_158, %add3A_159 : i32
      %dma_wait3A_161 = arith.constant 0 : i32
      %dma_wait3A_162 = tpu.memref_slice %arg8[%add3A_160, %dma_wait3A_161] : memref<40x125xi32, #tpu.memory_space<vmem>> -> memref<1x125xi32, #tpu.memory_space<vmem>>
      %dma_wait3A_163 = tpu.memref_squeeze %dma_wait3A_162 : memref<1x125xi32, #tpu.memory_space<vmem>> -> memref<125xi32, #tpu.memory_space<vmem>>
      %dma_wait3A_164 = arith.constant 0 : i32
      %dma_wait3A_165 = arith.constant 0 : i32
      %dma_wait3A_166 = tpu.memref_slice %arg2[%dma_wait3A_164, %dma_wait3A_165] : memref<10000x128xf32, #tpu.memory_space<hbm>> -> memref<10000x128xf32, #tpu.memory_space<hbm>>
      tpu.wait_indirect_dma semaphore(%arg13 : memref<!tpu.dma_semaphore, #tpu.memory_space<semaphore_mem>>) src(%dma_wait3A_166 : memref<10000x128xf32, #tpu.memory_space<hbm>>) dst(%arg11 : memref<125x128xf32, #tpu.memory_space<vmem>>)
      %ge3A_167 = arith.constant 1 : i32
      %ge3A_168 = arith.cmpi sge, %add3A_160, %ge3A_167 : i32
      %convert_element_type3A_169 = arith.extui %ge3A_168 : i1 to i32
      %cond3A_170 = arith.constant 0 : i32
      %cond3A_171 = arith.cmpi ne, %convert_element_type3A_169, %cond3A_170 : i32
      scf.if %cond3A_171 {
        %dma_wait3A_198 = arith.constant 0 : i32
        %dma_wait3A_199 = tpu.memref_slice %arg9[%add3A_160, %dma_wait3A_198] : memref<40x125xi32, #tpu.memory_space<vmem>> -> memref<1x125xi32, #tpu.memory_space<vmem>>
        %dma_wait3A_200 = tpu.memref_squeeze %dma_wait3A_199 : memref<1x125xi32, #tpu.memory_space<vmem>> -> memref<125xi32, #tpu.memory_space<vmem>>
        %dma_wait3A_201 = arith.constant 0 : i32
        %dma_wait3A_202 = arith.constant 0 : i32
        %dma_wait3A_203 = tpu.memref_slice %arg7[%dma_wait3A_201, %dma_wait3A_202] : memref<10000x128xf32, #tpu.memory_space<vmem_shared>> -> memref<10000x128xf32, #tpu.memory_space<vmem_shared>>
        tpu.wait_indirect_dma semaphore(%arg14 : memref<!tpu.dma_semaphore, #tpu.memory_space<semaphore_mem>>) src(%arg10 : memref<125x128xf32, #tpu.memory_space<vmem>>) dst(%dma_wait3A_203 : memref<10000x128xf32, #tpu.memory_space<vmem_shared>>)
      } else {
      }
      %add3A_172 = arith.constant 1 : i32
      %add3A_173 = arith.addi %add3A_160, %add3A_172 : i32
      %lt3A_174 = arith.constant 40 : i32
      %lt3A_175 = arith.cmpi slt, %add3A_173, %lt3A_174 : i32
      %convert_element_type3A_176 = arith.extui %lt3A_175 : i1 to i32
      %cond3A_177 = arith.constant 0 : i32
      %cond3A_178 = arith.cmpi ne, %convert_element_type3A_176, %cond3A_177 : i32
      scf.if %cond3A_178 {
        %add3A_198 = arith.constant 1 : i32
        %add3A_199 = arith.addi %add3A_160, %add3A_198 : i32
        %dma_start3A_200 = arith.constant 0 : i32
        %dma_start3A_201 = tpu.memref_slice %arg8[%add3A_199, %dma_start3A_200] : memref<40x125xi32, #tpu.memory_space<vmem>> -> memref<1x125xi32, #tpu.memory_space<vmem>>
        %dma_start3A_202 = tpu.memref_squeeze %dma_start3A_201 : memref<1x125xi32, #tpu.memory_space<vmem>> -> memref<125xi32, #tpu.memory_space<vmem>>
        %dma_start3A_203 = arith.constant 0 : i32
        %dma_start3A_204 = arith.constant 0 : i32
        %dma_start3A_205 = tpu.memref_slice %arg2[%dma_start3A_203, %dma_start3A_204] : memref<10000x128xf32, #tpu.memory_space<hbm>> -> memref<10000x128xf32, #tpu.memory_space<hbm>>
        tpu.enqueue_indirect_dma source(%dma_start3A_205 : memref<10000x128xf32, #tpu.memory_space<hbm>>) target(%arg10 : memref<125x128xf32, #tpu.memory_space<vmem>>) offsets(%dma_start3A_202 : memref<125xi32, #tpu.memory_space<vmem>>) semaphore(%arg12 : memref<!tpu.dma_semaphore, #tpu.memory_space<semaphore_mem>>)
      } else {
      }
      %dma_start3A_179 = arith.constant 0 : i32
      %dma_start3A_180 = tpu.memref_slice %arg9[%add3A_160, %dma_start3A_179] : memref<40x125xi32, #tpu.memory_space<vmem>> -> memref<1x125xi32, #tpu.memory_space<vmem>>
      %dma_start3A_181 = tpu.memref_squeeze %dma_start3A_180 : memref<1x125xi32, #tpu.memory_space<vmem>> -> memref<125xi32, #tpu.memory_space<vmem>>
      %dma_start3A_182 = arith.constant 0 : i32
      %dma_start3A_183 = arith.constant 0 : i32
      %dma_start3A_184 = tpu.memref_slice %arg7[%dma_start3A_182, %dma_start3A_183] : memref<10000x128xf32, #tpu.memory_space<vmem_shared>> -> memref<10000x128xf32, #tpu.memory_space<vmem_shared>>
      tpu.enqueue_indirect_dma source(%arg11 : memref<125x128xf32, #tpu.memory_space<vmem>>) target(%dma_start3A_184 : memref<10000x128xf32, #tpu.memory_space<vmem_shared>>) offsets(%dma_start3A_181 : memref<125xi32, #tpu.memory_space<vmem>>) semaphore(%arg15 : memref<!tpu.dma_semaphore, #tpu.memory_space<semaphore_mem>>) {add = true}
      %ge3A_185 = arith.constant 1 : i32
      %ge3A_186 = arith.cmpi sge, %add3A_160, %ge3A_185 : i32
      %convert_element_type3A_187 = arith.extui %ge3A_186 : i1 to i32
      %cond3A_188 = arith.constant 0 : i32
      %cond3A_189 = arith.cmpi ne, %convert_element_type3A_187, %cond3A_188 : i32
      scf.if %cond3A_189 {
        %dma_wait3A_198 = arith.constant 0 : i32
        %dma_wait3A_199 = tpu.memref_slice %arg17[%dma_wait3A_198] : memref<128xf32, #tpu.memory_space<vmem>> -> memref<125xf32, #tpu.memory_space<vmem>>
        %dma_wait3A_200 = arith.constant 0 : i32
        %dma_wait3A_201 = tpu.memref_slice %arg9[%add3A_160, %dma_wait3A_200] : memref<40x125xi32, #tpu.memory_space<vmem>> -> memref<1x125xi32, #tpu.memory_space<vmem>>
        %dma_wait3A_202 = tpu.memref_squeeze %dma_wait3A_201 : memref<1x125xi32, #tpu.memory_space<vmem>> -> memref<125xi32, #tpu.memory_space<vmem>>
        %dma_wait3A_203 = arith.constant 0 : i32
        %dma_wait3A_204 = tpu.memref_slice %arg16[%dma_wait3A_203] : memref<10000xf32, #tpu.memory_space<vmem_shared>> -> memref<10000xf32, #tpu.memory_space<vmem_shared>>
        tpu.wait_indirect_dma semaphore(%arg19 : memref<!tpu.dma_semaphore, #tpu.memory_space<semaphore_mem>>) src(%dma_wait3A_199 : memref<125xf32, #tpu.memory_space<vmem>>) dst(%dma_wait3A_204 : memref<10000xf32, #tpu.memory_space<vmem_shared>>)
      } else {
      }
      %dma_start3A_190 = arith.constant 0 : i32
      %dma_start3A_191 = tpu.memref_slice %arg17[%dma_start3A_190] : memref<128xf32, #tpu.memory_space<vmem>> -> memref<125xf32, #tpu.memory_space<vmem>>
      %dma_start3A_192 = arith.constant 0 : i32
      %dma_start3A_193 = tpu.memref_slice %arg9[%add3A_160, %dma_start3A_192] : memref<40x125xi32, #tpu.memory_space<vmem>> -> memref<1x125xi32, #tpu.memory_space<vmem>>
      %dma_start3A_194 = tpu.memref_squeeze %dma_start3A_193 : memref<1x125xi32, #tpu.memory_space<vmem>> -> memref<125xi32, #tpu.memory_space<vmem>>
      %dma_start3A_195 = arith.constant 0 : i32
      %dma_start3A_196 = tpu.memref_slice %arg16[%dma_start3A_195] : memref<10000xf32, #tpu.memory_space<vmem_shared>> -> memref<10000xf32, #tpu.memory_space<vmem_shared>>
      tpu.enqueue_indirect_dma source(%dma_start3A_191 : memref<125xf32, #tpu.memory_space<vmem>>) target(%dma_start3A_196 : memref<10000xf32, #tpu.memory_space<vmem_shared>>) offsets(%dma_start3A_194 : memref<125xi32, #tpu.memory_space<vmem>>) semaphore(%arg19 : memref<!tpu.dma_semaphore, #tpu.memory_space<semaphore_mem>>) {add = true}
      %scan3A_197 = arith.constant 0 : i32
      scf.yield %scan3A_197 : i32
    }
    %scan3A_78 = arith.constant 20 : i32
    %dma_wait3A_79 = arith.constant 0 : i32
    %dma_wait3A_80 = arith.constant 0 : i32
    %dma_wait3A_81 = tpu.memref_slice %arg9[%dma_wait3A_79, %dma_wait3A_80] : memref<40x125xi32, #tpu.memory_space<vmem>> -> memref<1x125xi32, #tpu.memory_space<vmem>>
    %dma_wait3A_82 = tpu.memref_squeeze %dma_wait3A_81 : memref<1x125xi32, #tpu.memory_space<vmem>> -> memref<125xi32, #tpu.memory_space<vmem>>
    %dma_wait3A_83 = arith.constant 0 : i32
    %dma_wait3A_84 = arith.constant 0 : i32
    %dma_wait3A_85 = tpu.memref_slice %arg7[%dma_wait3A_83, %dma_wait3A_84] : memref<10000x128xf32, #tpu.memory_space<vmem_shared>> -> memref<10000x128xf32, #tpu.memory_space<vmem_shared>>
    tpu.wait_indirect_dma semaphore(%arg15 : memref<!tpu.dma_semaphore, #tpu.memory_space<semaphore_mem>>) src(%arg11 : memref<125x128xf32, #tpu.memory_space<vmem>>) dst(%dma_wait3A_85 : memref<10000x128xf32, #tpu.memory_space<vmem_shared>>)
    %dma_wait3A_86 = arith.constant 0 : i32
    %dma_wait3A_87 = arith.constant 0 : i32
    %dma_wait3A_88 = tpu.memref_slice %arg17[%dma_wait3A_87] : memref<128xf32, #tpu.memory_space<vmem>> -> memref<125xf32, #tpu.memory_space<vmem>>
    %dma_wait3A_89 = arith.constant 0 : i32
    %dma_wait3A_90 = tpu.memref_slice %arg9[%dma_wait3A_86, %dma_wait3A_89] : memref<40x125xi32, #tpu.memory_space<vmem>> -> memref<1x125xi32, #tpu.memory_space<vmem>>
    %dma_wait3A_91 = tpu.memref_squeeze %dma_wait3A_90 : memref<1x125xi32, #tpu.memory_space<vmem>> -> memref<125xi32, #tpu.memory_space<vmem>>
    %dma_wait3A_92 = arith.constant 0 : i32
    %dma_wait3A_93 = tpu.memref_slice %arg16[%dma_wait3A_92] : memref<10000xf32, #tpu.memory_space<vmem_shared>> -> memref<10000xf32, #tpu.memory_space<vmem_shared>>
    tpu.wait_indirect_dma semaphore(%arg19 : memref<!tpu.dma_semaphore, #tpu.memory_space<semaphore_mem>>) src(%dma_wait3A_88 : memref<125xf32, #tpu.memory_space<vmem>>) dst(%dma_wait3A_93 : memref<10000xf32, #tpu.memory_space<vmem_shared>>)
    %barrier3A_94 = arith.constant 0 : index
    tpu.barrier barrier_id(%barrier3A_94)
    %mul3A_95 = arith.constant 624 : i32
    %mul3A_96 = arith.muli %arg1, %mul3A_95 : i32
    %add3A_97 = arith.constant 0 : i32
    %add3A_98 = arith.addi %mul3A_96, %add3A_97 : i32
    "tpu.region"() ({
      %run_scoped3A_117 = tpu.sem_alloc : memref<!tpu.dma_semaphore, #tpu.memory_space<semaphore_mem>>
      %dma_start3A_118 = arith.constant 0 : i32
      %dma_start3A_119 = tpu.memref_slice %arg5[%arg0, %add3A_98, %dma_start3A_118] : memref<2x10000x128xf32, #tpu.memory_space<hbm>> -> memref<1x208x128xf32, #tpu.memory_space<hbm>>
      %dma_start3A_120 = tpu.memref_squeeze %dma_start3A_119 : memref<1x208x128xf32, #tpu.memory_space<hbm>> -> memref<208x128xf32, #tpu.memory_space<hbm>>
      %dma_start3A_121 = arith.constant 0 : i32
      %dma_start3A_122 = tpu.memref_slice %arg7[%add3A_98, %dma_start3A_121] : memref<10000x128xf32, #tpu.memory_space<vmem_shared>> -> memref<208x128xf32, #tpu.memory_space<vmem_shared>>
      tpu.enqueue_dma source(%dma_start3A_122 : memref<208x128xf32, #tpu.memory_space<vmem_shared>>) target(%dma_start3A_120 : memref<208x128xf32, #tpu.memory_space<hbm>>) target_semaphore(%run_scoped3A_117 : memref<!tpu.dma_semaphore, #tpu.memory_space<semaphore_mem>>)
      %dma_wait3A_123 = arith.constant 0 : i32
      %dma_wait3A_124 = tpu.memref_slice %arg5[%arg0, %add3A_98, %dma_wait3A_123] : memref<2x10000x128xf32, #tpu.memory_space<hbm>> -> memref<1x208x128xf32, #tpu.memory_space<hbm>>
      %dma_wait3A_125 = tpu.memref_squeeze %dma_wait3A_124 : memref<1x208x128xf32, #tpu.memory_space<hbm>> -> memref<208x128xf32, #tpu.memory_space<hbm>>
      %dma_wait3A_126 = arith.constant 0 : i32
      %dma_wait3A_127 = tpu.memref_slice %arg7[%add3A_98, %dma_wait3A_126] : memref<10000x128xf32, #tpu.memory_space<vmem_shared>> -> memref<208x128xf32, #tpu.memory_space<vmem_shared>>
      tpu.wait_dma2 semaphore(%run_scoped3A_117 : memref<!tpu.dma_semaphore, #tpu.memory_space<semaphore_mem>>) src(%dma_wait3A_127 : memref<208x128xf32, #tpu.memory_space<vmem_shared>>) dst(%dma_wait3A_125 : memref<208x128xf32, #tpu.memory_space<hbm>>)
      tpu.yield
    }) : () -> ()
    %mul3A_99 = arith.constant 624 : i32
    %mul3A_100 = arith.muli %arg1, %mul3A_99 : i32
    %add3A_101 = arith.constant 208 : i32
    %add3A_102 = arith.addi %mul3A_100, %add3A_101 : i32
    "tpu.region"() ({
      %run_scoped3A_117 = tpu.sem_alloc : memref<!tpu.dma_semaphore, #tpu.memory_space<semaphore_mem>>
      %dma_start3A_118 = arith.constant 0 : i32
      %dma_start3A_119 = tpu.memref_slice %arg5[%arg0, %add3A_102, %dma_start3A_118] : memref<2x10000x128xf32, #tpu.memory_space<hbm>> -> memref<1x208x128xf32, #tpu.memory_space<hbm>>
      %dma_start3A_120 = tpu.memref_squeeze %dma_start3A_119 : memref<1x208x128xf32, #tpu.memory_space<hbm>> -> memref<208x128xf32, #tpu.memory_space<hbm>>
      %dma_start3A_121 = arith.constant 0 : i32
      %dma_start3A_122 = tpu.memref_slice %arg7[%add3A_102, %dma_start3A_121] : memref<10000x128xf32, #tpu.memory_space<vmem_shared>> -> memref<208x128xf32, #tpu.memory_space<vmem_shared>>
      tpu.enqueue_dma source(%dma_start3A_122 : memref<208x128xf32, #tpu.memory_space<vmem_shared>>) target(%dma_start3A_120 : memref<208x128xf32, #tpu.memory_space<hbm>>) target_semaphore(%run_scoped3A_117 : memref<!tpu.dma_semaphore, #tpu.memory_space<semaphore_mem>>)
      %dma_wait3A_123 = arith.constant 0 : i32
      %dma_wait3A_124 = tpu.memref_slice %arg5[%arg0, %add3A_102, %dma_wait3A_123] : memref<2x10000x128xf32, #tpu.memory_space<hbm>> -> memref<1x208x128xf32, #tpu.memory_space<hbm>>
      %dma_wait3A_125 = tpu.memref_squeeze %dma_wait3A_124 : memref<1x208x128xf32, #tpu.memory_space<hbm>> -> memref<208x128xf32, #tpu.memory_space<hbm>>
      %dma_wait3A_126 = arith.constant 0 : i32
      %dma_wait3A_127 = tpu.memref_slice %arg7[%add3A_102, %dma_wait3A_126] : memref<10000x128xf32, #tpu.memory_space<vmem_shared>> -> memref<208x128xf32, #tpu.memory_space<vmem_shared>>
      tpu.wait_dma2 semaphore(%run_scoped3A_117 : memref<!tpu.dma_semaphore, #tpu.memory_space<semaphore_mem>>) src(%dma_wait3A_127 : memref<208x128xf32, #tpu.memory_space<vmem_shared>>) dst(%dma_wait3A_125 : memref<208x128xf32, #tpu.memory_space<hbm>>)
      tpu.yield
    }) : () -> ()
    %mul3A_103 = arith.constant 624 : i32
    %mul3A_104 = arith.muli %arg1, %mul3A_103 : i32
    %add3A_105 = arith.constant 416 : i32
    %add3A_106 = arith.addi %mul3A_104, %add3A_105 : i32
    "tpu.region"() ({
      %run_scoped3A_117 = tpu.sem_alloc : memref<!tpu.dma_semaphore, #tpu.memory_space<semaphore_mem>>
      %dma_start3A_118 = arith.constant 0 : i32
      %dma_start3A_119 = tpu.memref_slice %arg5[%arg0, %add3A_106, %dma_start3A_118] : memref<2x10000x128xf32, #tpu.memory_space<hbm>> -> memref<1x208x128xf32, #tpu.memory_space<hbm>>
      %dma_start3A_120 = tpu.memref_squeeze %dma_start3A_119 : memref<1x208x128xf32, #tpu.memory_space<hbm>> -> memref<208x128xf32, #tpu.memory_space<hbm>>
      %dma_start3A_121 = arith.constant 0 : i32
      %dma_start3A_122 = tpu.memref_slice %arg7[%add3A_106, %dma_start3A_121] : memref<10000x128xf32, #tpu.memory_space<vmem_shared>> -> memref<208x128xf32, #tpu.memory_space<vmem_shared>>
      tpu.enqueue_dma source(%dma_start3A_122 : memref<208x128xf32, #tpu.memory_space<vmem_shared>>) target(%dma_start3A_120 : memref<208x128xf32, #tpu.memory_space<hbm>>) target_semaphore(%run_scoped3A_117 : memref<!tpu.dma_semaphore, #tpu.memory_space<semaphore_mem>>)
      %dma_wait3A_123 = arith.constant 0 : i32
      %dma_wait3A_124 = tpu.memref_slice %arg5[%arg0, %add3A_106, %dma_wait3A_123] : memref<2x10000x128xf32, #tpu.memory_space<hbm>> -> memref<1x208x128xf32, #tpu.memory_space<hbm>>
      %dma_wait3A_125 = tpu.memref_squeeze %dma_wait3A_124 : memref<1x208x128xf32, #tpu.memory_space<hbm>> -> memref<208x128xf32, #tpu.memory_space<hbm>>
      %dma_wait3A_126 = arith.constant 0 : i32
      %dma_wait3A_127 = tpu.memref_slice %arg7[%add3A_106, %dma_wait3A_126] : memref<10000x128xf32, #tpu.memory_space<vmem_shared>> -> memref<208x128xf32, #tpu.memory_space<vmem_shared>>
      tpu.wait_dma2 semaphore(%run_scoped3A_117 : memref<!tpu.dma_semaphore, #tpu.memory_space<semaphore_mem>>) src(%dma_wait3A_127 : memref<208x128xf32, #tpu.memory_space<vmem_shared>>) dst(%dma_wait3A_125 : memref<208x128xf32, #tpu.memory_space<hbm>>)
      tpu.yield
    }) : () -> ()
    %eq3A_107 = arith.constant 15 : i32
    %eq3A_108 = arith.cmpi eq, %arg1, %eq3A_107 : i32
    %convert_element_type3A_109 = arith.extui %eq3A_108 : i1 to i32
    %cond3A_110 = arith.constant 0 : i32
    %cond3A_111 = arith.cmpi ne, %convert_element_type3A_109, %cond3A_110 : i32
    scf.if %cond3A_111 {
      "tpu.region"() ({
        %run_scoped3A_117 = tpu.sem_alloc : memref<!tpu.dma_semaphore, #tpu.memory_space<semaphore_mem>>
        %dma_start3A_118 = arith.constant 9984 : i32
        %dma_start3A_119 = arith.constant 0 : i32
        %dma_start3A_120 = tpu.memref_slice %arg5[%arg0, %dma_start3A_118, %dma_start3A_119] : memref<2x10000x128xf32, #tpu.memory_space<hbm>> -> memref<1x16x128xf32, #tpu.memory_space<hbm>>
        %dma_start3A_121 = tpu.memref_squeeze %dma_start3A_120 : memref<1x16x128xf32, #tpu.memory_space<hbm>> -> memref<16x128xf32, #tpu.memory_space<hbm>>
        %dma_start3A_122 = arith.constant 9984 : i32
        %dma_start3A_123 = arith.constant 0 : i32
        %dma_start3A_124 = tpu.memref_slice %arg7[%dma_start3A_122, %dma_start3A_123] : memref<10000x128xf32, #tpu.memory_space<vmem_shared>> -> memref<16x128xf32, #tpu.memory_space<vmem_shared>>
        tpu.enqueue_dma source(%dma_start3A_124 : memref<16x128xf32, #tpu.memory_space<vmem_shared>>) target(%dma_start3A_121 : memref<16x128xf32, #tpu.memory_space<hbm>>) target_semaphore(%run_scoped3A_117 : memref<!tpu.dma_semaphore, #tpu.memory_space<semaphore_mem>>)
        %dma_wait3A_125 = arith.constant 9984 : i32
        %dma_wait3A_126 = arith.constant 0 : i32
        %dma_wait3A_127 = tpu.memref_slice %arg5[%arg0, %dma_wait3A_125, %dma_wait3A_126] : memref<2x10000x128xf32, #tpu.memory_space<hbm>> -> memref<1x16x128xf32, #tpu.memory_space<hbm>>
        %dma_wait3A_128 = tpu.memref_squeeze %dma_wait3A_127 : memref<1x16x128xf32, #tpu.memory_space<hbm>> -> memref<16x128xf32, #tpu.memory_space<hbm>>
        %dma_wait3A_129 = arith.constant 9984 : i32
        %dma_wait3A_130 = arith.constant 0 : i32
        %dma_wait3A_131 = tpu.memref_slice %arg7[%dma_wait3A_129, %dma_wait3A_130] : memref<10000x128xf32, #tpu.memory_space<vmem_shared>> -> memref<16x128xf32, #tpu.memory_space<vmem_shared>>
        tpu.wait_dma2 semaphore(%run_scoped3A_117 : memref<!tpu.dma_semaphore, #tpu.memory_space<semaphore_mem>>) src(%dma_wait3A_131 : memref<16x128xf32, #tpu.memory_space<vmem_shared>>) dst(%dma_wait3A_128 : memref<16x128xf32, #tpu.memory_space<hbm>>)
        tpu.yield
      }) : () -> ()
    } else {
    }
    %eq3A_112 = arith.constant 0 : i32
    %eq3A_113 = arith.cmpi eq, %arg1, %eq3A_112 : i32
    %convert_element_type3A_114 = arith.extui %eq3A_113 : i1 to i32
    %cond3A_115 = arith.constant 0 : i32
    %cond3A_116 = arith.cmpi ne, %convert_element_type3A_114, %cond3A_115 : i32
    scf.if %cond3A_116 {
      "tpu.region"() ({
        %run_scoped3A_117 = tpu.sem_alloc : memref<!tpu.dma_semaphore, #tpu.memory_space<semaphore_mem>>
        %dma_start3A_118 = arith.constant 0 : i32
        %dma_start3A_119 = tpu.memref_slice %arg6[%arg0, %dma_start3A_118] : memref<2x10000xf32, #tpu.memory_space<hbm>> -> memref<1x10000xf32, #tpu.memory_space<hbm>>
        %dma_start3A_120 = tpu.memref_squeeze %dma_start3A_119 : memref<1x10000xf32, #tpu.memory_space<hbm>> -> memref<10000xf32, #tpu.memory_space<hbm>>
        tpu.enqueue_dma source(%arg16 : memref<10000xf32, #tpu.memory_space<vmem_shared>>) target(%dma_start3A_120 : memref<10000xf32, #tpu.memory_space<hbm>>) target_semaphore(%run_scoped3A_117 : memref<!tpu.dma_semaphore, #tpu.memory_space<semaphore_mem>>)
        %dma_wait3A_121 = arith.constant 0 : i32
        %dma_wait3A_122 = tpu.memref_slice %arg6[%arg0, %dma_wait3A_121] : memref<2x10000xf32, #tpu.memory_space<hbm>> -> memref<1x10000xf32, #tpu.memory_space<hbm>>
        %dma_wait3A_123 = tpu.memref_squeeze %dma_wait3A_122 : memref<1x10000xf32, #tpu.memory_space<hbm>> -> memref<10000xf32, #tpu.memory_space<hbm>>
        tpu.wait_dma2 semaphore(%run_scoped3A_117 : memref<!tpu.dma_semaphore, #tpu.memory_space<semaphore_mem>>) src(%arg16 : memref<10000xf32, #tpu.memory_space<vmem_shared>>) dst(%dma_wait3A_123 : memref<10000xf32, #tpu.memory_space<hbm>>)
        tpu.yield
      }) : () -> ()
    } else {
    }
    return
  }
}

#map = affine_map<(d0, d1) -> (0, 0)>
#map1 = affine_map<(d0, d1) -> (0, 0, 0, 0)>
#map2 = affine_map<(d0, d1) -> (0, 0, 0)>
module attributes {stable_mosaic.version = 14 : i64} {
  func.func @body(%arg0: i32, %arg1: i32, %arg2: memref<10000x128xf32, #tpu.memory_space<hbm>>, %arg3: memref<2x32x80x125xi32, #tpu.memory_space<hbm>>, %arg4: memref<10000x128xf32, #tpu.memory_space<hbm>>, %arg5: memref<2x10000x128xf32, #tpu.memory_space<hbm>>, %arg6: memref<10000x128xf32, #tpu.memory_space<vmem_shared>>, %arg7: memref<40x125xi32, #tpu.memory_space<vmem>>, %arg8: memref<40x125xi32, #tpu.memory_space<vmem>>, %arg9: memref<125x128xf32, #tpu.memory_space<vmem>>, %arg10: memref<125x128xf32, #tpu.memory_space<vmem>>, %arg11: memref<!tpu.dma_semaphore, #tpu.memory_space<semaphore_mem>>, %arg12: memref<!tpu.dma_semaphore, #tpu.memory_space<semaphore_mem>>, %arg13: memref<!tpu.dma_semaphore, #tpu.memory_space<semaphore_mem>>, %arg14: memref<!tpu.dma_semaphore, #tpu.memory_space<semaphore_mem>>) attributes {dimension_semantics = [#tpu.dimension_semantics<core_parallel>, #tpu.dimension_semantics<subcore_parallel>], iteration_bounds = array<i64: 2, 16>, scalar_prefetch = 0 : i64, scratch_operands = 9 : i64, tpu.core_type = #tpu.core_type<sc_vector_subcore>, window_params = [{transform_indices = #map}, {transform_indices = #map1}, {transform_indices = #map}, {transform_indices = #map2}]} {
    %mul3A = arith.constant 16 : i32
    %mul3A_0 = arith.muli %arg0, %mul3A : i32
    %add3A = arith.addi %mul3A_0, %arg1 : i32
    %run_scoped3A = arith.constant 0 : i32
    "tpu.region"() ({
      %run_scoped3A_75 = tpu.sem_alloc : memref<!tpu.dma_semaphore, #tpu.memory_space<semaphore_mem>>
      %dma_start3A_76 = arith.constant 0 : i32
      %dma_start3A_77 = arith.constant 0 : i32
      %dma_start3A_78 = tpu.memref_slice %arg3[%run_scoped3A, %add3A, %dma_start3A_76, %dma_start3A_77] : memref<2x32x80x125xi32, #tpu.memory_space<hbm>> -> memref<1x1x40x125xi32, #tpu.memory_space<hbm>>
      %dma_start3A_79 = tpu.memref_squeeze %dma_start3A_78 : memref<1x1x40x125xi32, #tpu.memory_space<hbm>> -> memref<40x125xi32, #tpu.memory_space<hbm>>
      %dma_start3A_80 = arith.constant 0 : i32
      %dma_start3A_81 = arith.constant 0 : i32
      %dma_start3A_82 = tpu.memref_slice %arg3[%run_scoped3A, %add3A, %dma_start3A_80, %dma_start3A_81] : memref<2x32x80x125xi32, #tpu.memory_space<hbm>> -> memref<1x1x40x125xi32, #tpu.memory_space<hbm>>
      %dma_start3A_83 = tpu.memref_squeeze %dma_start3A_82 : memref<1x1x40x125xi32, #tpu.memory_space<hbm>> -> memref<40x125xi32, #tpu.memory_space<hbm>>
      tpu.enqueue_dma source(%dma_start3A_83 : memref<40x125xi32, #tpu.memory_space<hbm>>) target(%arg7 : memref<40x125xi32, #tpu.memory_space<vmem>>) target_semaphore(%run_scoped3A_75 : memref<!tpu.dma_semaphore, #tpu.memory_space<semaphore_mem>>)
      %dma_wait3A_84 = arith.constant 0 : i32
      %dma_wait3A_85 = arith.constant 0 : i32
      %dma_wait3A_86 = tpu.memref_slice %arg3[%run_scoped3A, %add3A, %dma_wait3A_84, %dma_wait3A_85] : memref<2x32x80x125xi32, #tpu.memory_space<hbm>> -> memref<1x1x40x125xi32, #tpu.memory_space<hbm>>
      %dma_wait3A_87 = tpu.memref_squeeze %dma_wait3A_86 : memref<1x1x40x125xi32, #tpu.memory_space<hbm>> -> memref<40x125xi32, #tpu.memory_space<hbm>>
      %dma_wait3A_88 = arith.constant 0 : i32
      %dma_wait3A_89 = arith.constant 0 : i32
      %dma_wait3A_90 = tpu.memref_slice %arg3[%run_scoped3A, %add3A, %dma_wait3A_88, %dma_wait3A_89] : memref<2x32x80x125xi32, #tpu.memory_space<hbm>> -> memref<1x1x40x125xi32, #tpu.memory_space<hbm>>
      %dma_wait3A_91 = tpu.memref_squeeze %dma_wait3A_90 : memref<1x1x40x125xi32, #tpu.memory_space<hbm>> -> memref<40x125xi32, #tpu.memory_space<hbm>>
      tpu.wait_dma2 semaphore(%run_scoped3A_75 : memref<!tpu.dma_semaphore, #tpu.memory_space<semaphore_mem>>) src(%dma_wait3A_91 : memref<40x125xi32, #tpu.memory_space<hbm>>) dst(%arg7 : memref<40x125xi32, #tpu.memory_space<vmem>>)
      tpu.yield
    }) : () -> ()
    %run_scoped3A_1 = arith.constant 1 : i32
    "tpu.region"() ({
      %run_scoped3A_75 = tpu.sem_alloc : memref<!tpu.dma_semaphore, #tpu.memory_space<semaphore_mem>>
      %dma_start3A_76 = arith.constant 0 : i32
      %dma_start3A_77 = arith.constant 0 : i32
      %dma_start3A_78 = tpu.memref_slice %arg3[%run_scoped3A_1, %add3A, %dma_start3A_76, %dma_start3A_77] : memref<2x32x80x125xi32, #tpu.memory_space<hbm>> -> memref<1x1x40x125xi32, #tpu.memory_space<hbm>>
      %dma_start3A_79 = tpu.memref_squeeze %dma_start3A_78 : memref<1x1x40x125xi32, #tpu.memory_space<hbm>> -> memref<40x125xi32, #tpu.memory_space<hbm>>
      %dma_start3A_80 = arith.constant 0 : i32
      %dma_start3A_81 = arith.constant 0 : i32
      %dma_start3A_82 = tpu.memref_slice %arg3[%run_scoped3A_1, %add3A, %dma_start3A_80, %dma_start3A_81] : memref<2x32x80x125xi32, #tpu.memory_space<hbm>> -> memref<1x1x40x125xi32, #tpu.memory_space<hbm>>
      %dma_start3A_83 = tpu.memref_squeeze %dma_start3A_82 : memref<1x1x40x125xi32, #tpu.memory_space<hbm>> -> memref<40x125xi32, #tpu.memory_space<hbm>>
      tpu.enqueue_dma source(%dma_start3A_83 : memref<40x125xi32, #tpu.memory_space<hbm>>) target(%arg8 : memref<40x125xi32, #tpu.memory_space<vmem>>) target_semaphore(%run_scoped3A_75 : memref<!tpu.dma_semaphore, #tpu.memory_space<semaphore_mem>>)
      %dma_wait3A_84 = arith.constant 0 : i32
      %dma_wait3A_85 = arith.constant 0 : i32
      %dma_wait3A_86 = tpu.memref_slice %arg3[%run_scoped3A_1, %add3A, %dma_wait3A_84, %dma_wait3A_85] : memref<2x32x80x125xi32, #tpu.memory_space<hbm>> -> memref<1x1x40x125xi32, #tpu.memory_space<hbm>>
      %dma_wait3A_87 = tpu.memref_squeeze %dma_wait3A_86 : memref<1x1x40x125xi32, #tpu.memory_space<hbm>> -> memref<40x125xi32, #tpu.memory_space<hbm>>
      %dma_wait3A_88 = arith.constant 0 : i32
      %dma_wait3A_89 = arith.constant 0 : i32
      %dma_wait3A_90 = tpu.memref_slice %arg3[%run_scoped3A_1, %add3A, %dma_wait3A_88, %dma_wait3A_89] : memref<2x32x80x125xi32, #tpu.memory_space<hbm>> -> memref<1x1x40x125xi32, #tpu.memory_space<hbm>>
      %dma_wait3A_91 = tpu.memref_squeeze %dma_wait3A_90 : memref<1x1x40x125xi32, #tpu.memory_space<hbm>> -> memref<40x125xi32, #tpu.memory_space<hbm>>
      tpu.wait_dma2 semaphore(%run_scoped3A_75 : memref<!tpu.dma_semaphore, #tpu.memory_space<semaphore_mem>>) src(%dma_wait3A_91 : memref<40x125xi32, #tpu.memory_space<hbm>>) dst(%arg8 : memref<40x125xi32, #tpu.memory_space<vmem>>)
      tpu.yield
    }) : () -> ()
    %dma_start3A = arith.constant 0 : i32
    %dma_start3A_2 = arith.constant 0 : i32
    %dma_start3A_3 = tpu.memref_slice %arg7[%dma_start3A, %dma_start3A_2] : memref<40x125xi32, #tpu.memory_space<vmem>> -> memref<1x125xi32, #tpu.memory_space<vmem>>
    %dma_start3A_4 = tpu.memref_squeeze %dma_start3A_3 : memref<1x125xi32, #tpu.memory_space<vmem>> -> memref<125xi32, #tpu.memory_space<vmem>>
    %dma_start3A_5 = arith.constant 0 : i32
    %dma_start3A_6 = arith.constant 0 : i32
    %dma_start3A_7 = tpu.memref_slice %arg2[%dma_start3A_5, %dma_start3A_6] : memref<10000x128xf32, #tpu.memory_space<hbm>> -> memref<10000x128xf32, #tpu.memory_space<hbm>>
    tpu.enqueue_indirect_dma source(%dma_start3A_7 : memref<10000x128xf32, #tpu.memory_space<hbm>>) target(%arg9 : memref<125x128xf32, #tpu.memory_space<vmem>>) offsets(%dma_start3A_4 : memref<125xi32, #tpu.memory_space<vmem>>) semaphore(%arg11 : memref<!tpu.dma_semaphore, #tpu.memory_space<semaphore_mem>>)
    %mul3A_8 = arith.constant 624 : i32
    %mul3A_9 = arith.muli %arg1, %mul3A_8 : i32
    %add3A_10 = arith.constant 0 : i32
    %add3A_11 = arith.addi %mul3A_9, %add3A_10 : i32
    "tpu.region"() ({
      %run_scoped3A_75 = tpu.sem_alloc : memref<!tpu.dma_semaphore, #tpu.memory_space<semaphore_mem>>
      %dma_start3A_76 = arith.constant 0 : i32
      %dma_start3A_77 = tpu.memref_slice %arg6[%add3A_11, %dma_start3A_76] : memref<10000x128xf32, #tpu.memory_space<vmem_shared>> -> memref<208x128xf32, #tpu.memory_space<vmem_shared>>
      %dma_start3A_78 = arith.constant 0 : i32
      %dma_start3A_79 = tpu.memref_slice %arg4[%add3A_11, %dma_start3A_78] : memref<10000x128xf32, #tpu.memory_space<hbm>> -> memref<208x128xf32, #tpu.memory_space<hbm>>
      tpu.enqueue_dma source(%dma_start3A_79 : memref<208x128xf32, #tpu.memory_space<hbm>>) target(%dma_start3A_77 : memref<208x128xf32, #tpu.memory_space<vmem_shared>>) target_semaphore(%run_scoped3A_75 : memref<!tpu.dma_semaphore, #tpu.memory_space<semaphore_mem>>)
      %dma_wait3A_80 = arith.constant 0 : i32
      %dma_wait3A_81 = tpu.memref_slice %arg6[%add3A_11, %dma_wait3A_80] : memref<10000x128xf32, #tpu.memory_space<vmem_shared>> -> memref<208x128xf32, #tpu.memory_space<vmem_shared>>
      %dma_wait3A_82 = arith.constant 0 : i32
      %dma_wait3A_83 = tpu.memref_slice %arg4[%add3A_11, %dma_wait3A_82] : memref<10000x128xf32, #tpu.memory_space<hbm>> -> memref<208x128xf32, #tpu.memory_space<hbm>>
      tpu.wait_dma2 semaphore(%run_scoped3A_75 : memref<!tpu.dma_semaphore, #tpu.memory_space<semaphore_mem>>) src(%dma_wait3A_83 : memref<208x128xf32, #tpu.memory_space<hbm>>) dst(%dma_wait3A_81 : memref<208x128xf32, #tpu.memory_space<vmem_shared>>)
      tpu.yield
    }) : () -> ()
    %mul3A_12 = arith.constant 624 : i32
    %mul3A_13 = arith.muli %arg1, %mul3A_12 : i32
    %add3A_14 = arith.constant 208 : i32
    %add3A_15 = arith.addi %mul3A_13, %add3A_14 : i32
    "tpu.region"() ({
      %run_scoped3A_75 = tpu.sem_alloc : memref<!tpu.dma_semaphore, #tpu.memory_space<semaphore_mem>>
      %dma_start3A_76 = arith.constant 0 : i32
      %dma_start3A_77 = tpu.memref_slice %arg6[%add3A_15, %dma_start3A_76] : memref<10000x128xf32, #tpu.memory_space<vmem_shared>> -> memref<208x128xf32, #tpu.memory_space<vmem_shared>>
      %dma_start3A_78 = arith.constant 0 : i32
      %dma_start3A_79 = tpu.memref_slice %arg4[%add3A_15, %dma_start3A_78] : memref<10000x128xf32, #tpu.memory_space<hbm>> -> memref<208x128xf32, #tpu.memory_space<hbm>>
      tpu.enqueue_dma source(%dma_start3A_79 : memref<208x128xf32, #tpu.memory_space<hbm>>) target(%dma_start3A_77 : memref<208x128xf32, #tpu.memory_space<vmem_shared>>) target_semaphore(%run_scoped3A_75 : memref<!tpu.dma_semaphore, #tpu.memory_space<semaphore_mem>>)
      %dma_wait3A_80 = arith.constant 0 : i32
      %dma_wait3A_81 = tpu.memref_slice %arg6[%add3A_15, %dma_wait3A_80] : memref<10000x128xf32, #tpu.memory_space<vmem_shared>> -> memref<208x128xf32, #tpu.memory_space<vmem_shared>>
      %dma_wait3A_82 = arith.constant 0 : i32
      %dma_wait3A_83 = tpu.memref_slice %arg4[%add3A_15, %dma_wait3A_82] : memref<10000x128xf32, #tpu.memory_space<hbm>> -> memref<208x128xf32, #tpu.memory_space<hbm>>
      tpu.wait_dma2 semaphore(%run_scoped3A_75 : memref<!tpu.dma_semaphore, #tpu.memory_space<semaphore_mem>>) src(%dma_wait3A_83 : memref<208x128xf32, #tpu.memory_space<hbm>>) dst(%dma_wait3A_81 : memref<208x128xf32, #tpu.memory_space<vmem_shared>>)
      tpu.yield
    }) : () -> ()
    %mul3A_16 = arith.constant 624 : i32
    %mul3A_17 = arith.muli %arg1, %mul3A_16 : i32
    %add3A_18 = arith.constant 416 : i32
    %add3A_19 = arith.addi %mul3A_17, %add3A_18 : i32
    "tpu.region"() ({
      %run_scoped3A_75 = tpu.sem_alloc : memref<!tpu.dma_semaphore, #tpu.memory_space<semaphore_mem>>
      %dma_start3A_76 = arith.constant 0 : i32
      %dma_start3A_77 = tpu.memref_slice %arg6[%add3A_19, %dma_start3A_76] : memref<10000x128xf32, #tpu.memory_space<vmem_shared>> -> memref<208x128xf32, #tpu.memory_space<vmem_shared>>
      %dma_start3A_78 = arith.constant 0 : i32
      %dma_start3A_79 = tpu.memref_slice %arg4[%add3A_19, %dma_start3A_78] : memref<10000x128xf32, #tpu.memory_space<hbm>> -> memref<208x128xf32, #tpu.memory_space<hbm>>
      tpu.enqueue_dma source(%dma_start3A_79 : memref<208x128xf32, #tpu.memory_space<hbm>>) target(%dma_start3A_77 : memref<208x128xf32, #tpu.memory_space<vmem_shared>>) target_semaphore(%run_scoped3A_75 : memref<!tpu.dma_semaphore, #tpu.memory_space<semaphore_mem>>)
      %dma_wait3A_80 = arith.constant 0 : i32
      %dma_wait3A_81 = tpu.memref_slice %arg6[%add3A_19, %dma_wait3A_80] : memref<10000x128xf32, #tpu.memory_space<vmem_shared>> -> memref<208x128xf32, #tpu.memory_space<vmem_shared>>
      %dma_wait3A_82 = arith.constant 0 : i32
      %dma_wait3A_83 = tpu.memref_slice %arg4[%add3A_19, %dma_wait3A_82] : memref<10000x128xf32, #tpu.memory_space<hbm>> -> memref<208x128xf32, #tpu.memory_space<hbm>>
      tpu.wait_dma2 semaphore(%run_scoped3A_75 : memref<!tpu.dma_semaphore, #tpu.memory_space<semaphore_mem>>) src(%dma_wait3A_83 : memref<208x128xf32, #tpu.memory_space<hbm>>) dst(%dma_wait3A_81 : memref<208x128xf32, #tpu.memory_space<vmem_shared>>)
      tpu.yield
    }) : () -> ()
    %eq3A = arith.constant 15 : i32
    %eq3A_20 = arith.cmpi eq, %arg1, %eq3A : i32
    %convert_element_type3A = arith.extui %eq3A_20 : i1 to i32
    %cond3A = arith.constant 0 : i32
    %cond3A_21 = arith.cmpi ne, %convert_element_type3A, %cond3A : i32
    scf.if %cond3A_21 {
      "tpu.region"() ({
        %run_scoped3A_75 = tpu.sem_alloc : memref<!tpu.dma_semaphore, #tpu.memory_space<semaphore_mem>>
        %dma_start3A_76 = arith.constant 9984 : i32
        %dma_start3A_77 = arith.constant 0 : i32
        %dma_start3A_78 = tpu.memref_slice %arg6[%dma_start3A_76, %dma_start3A_77] : memref<10000x128xf32, #tpu.memory_space<vmem_shared>> -> memref<16x128xf32, #tpu.memory_space<vmem_shared>>
        %dma_start3A_79 = arith.constant 9984 : i32
        %dma_start3A_80 = arith.constant 0 : i32
        %dma_start3A_81 = tpu.memref_slice %arg4[%dma_start3A_79, %dma_start3A_80] : memref<10000x128xf32, #tpu.memory_space<hbm>> -> memref<16x128xf32, #tpu.memory_space<hbm>>
        tpu.enqueue_dma source(%dma_start3A_81 : memref<16x128xf32, #tpu.memory_space<hbm>>) target(%dma_start3A_78 : memref<16x128xf32, #tpu.memory_space<vmem_shared>>) target_semaphore(%run_scoped3A_75 : memref<!tpu.dma_semaphore, #tpu.memory_space<semaphore_mem>>)
        %dma_wait3A_82 = arith.constant 9984 : i32
        %dma_wait3A_83 = arith.constant 0 : i32
        %dma_wait3A_84 = tpu.memref_slice %arg6[%dma_wait3A_82, %dma_wait3A_83] : memref<10000x128xf32, #tpu.memory_space<vmem_shared>> -> memref<16x128xf32, #tpu.memory_space<vmem_shared>>
        %dma_wait3A_85 = arith.constant 9984 : i32
        %dma_wait3A_86 = arith.constant 0 : i32
        %dma_wait3A_87 = tpu.memref_slice %arg4[%dma_wait3A_85, %dma_wait3A_86] : memref<10000x128xf32, #tpu.memory_space<hbm>> -> memref<16x128xf32, #tpu.memory_space<hbm>>
        tpu.wait_dma2 semaphore(%run_scoped3A_75 : memref<!tpu.dma_semaphore, #tpu.memory_space<semaphore_mem>>) src(%dma_wait3A_87 : memref<16x128xf32, #tpu.memory_space<hbm>>) dst(%dma_wait3A_84 : memref<16x128xf32, #tpu.memory_space<vmem_shared>>)
        tpu.yield
      }) : () -> ()
    } else {
    }
    %barrier3A = arith.constant 0 : index
    tpu.barrier barrier_id(%barrier3A)
    %scan3A = arith.constant 0 : i32
    %scan3A_22 = arith.constant 0 : i32
    %scan3A_23 = arith.constant 20 : i32
    %scan3A_24 = arith.addi %scan3A_22, %scan3A_23 : i32
    %scan3A_25 = arith.constant 1 : i32
    %scan3A_26 = scf.for %scan3A_75 = %scan3A_22 to %scan3A_24 step %scan3A_25 iter_args(%scan3A_76 = %scan3A) -> (i32)  : i32 {
      %mul3A_77 = arith.constant 2 : i32
      %mul3A_78 = arith.muli %mul3A_77, %scan3A_75 : i32
      %add3A_79 = arith.constant 0 : i32
      %add3A_80 = arith.addi %mul3A_78, %add3A_79 : i32
      %dma_wait3A_81 = arith.constant 0 : i32
      %dma_wait3A_82 = tpu.memref_slice %arg7[%add3A_80, %dma_wait3A_81] : memref<40x125xi32, #tpu.memory_space<vmem>> -> memref<1x125xi32, #tpu.memory_space<vmem>>
      %dma_wait3A_83 = tpu.memref_squeeze %dma_wait3A_82 : memref<1x125xi32, #tpu.memory_space<vmem>> -> memref<125xi32, #tpu.memory_space<vmem>>
      %dma_wait3A_84 = arith.constant 0 : i32
      %dma_wait3A_85 = arith.constant 0 : i32
      %dma_wait3A_86 = tpu.memref_slice %arg2[%dma_wait3A_84, %dma_wait3A_85] : memref<10000x128xf32, #tpu.memory_space<hbm>> -> memref<10000x128xf32, #tpu.memory_space<hbm>>
      tpu.wait_indirect_dma semaphore(%arg11 : memref<!tpu.dma_semaphore, #tpu.memory_space<semaphore_mem>>) src(%dma_wait3A_86 : memref<10000x128xf32, #tpu.memory_space<hbm>>) dst(%arg9 : memref<125x128xf32, #tpu.memory_space<vmem>>)
      %ge3A = arith.constant 1 : i32
      %ge3A_87 = arith.cmpi sge, %add3A_80, %ge3A : i32
      %convert_element_type3A_88 = arith.extui %ge3A_87 : i1 to i32
      %cond3A_89 = arith.constant 0 : i32
      %cond3A_90 = arith.cmpi ne, %convert_element_type3A_88, %cond3A_89 : i32
      scf.if %cond3A_90 {
        %dma_wait3A_132 = arith.constant 0 : i32
        %dma_wait3A_133 = tpu.memref_slice %arg8[%add3A_80, %dma_wait3A_132] : memref<40x125xi32, #tpu.memory_space<vmem>> -> memref<1x125xi32, #tpu.memory_space<vmem>>
        %dma_wait3A_134 = tpu.memref_squeeze %dma_wait3A_133 : memref<1x125xi32, #tpu.memory_space<vmem>> -> memref<125xi32, #tpu.memory_space<vmem>>
        %dma_wait3A_135 = arith.constant 0 : i32
        %dma_wait3A_136 = arith.constant 0 : i32
        %dma_wait3A_137 = tpu.memref_slice %arg6[%dma_wait3A_135, %dma_wait3A_136] : memref<10000x128xf32, #tpu.memory_space<vmem_shared>> -> memref<10000x128xf32, #tpu.memory_space<vmem_shared>>
        tpu.wait_indirect_dma semaphore(%arg14 : memref<!tpu.dma_semaphore, #tpu.memory_space<semaphore_mem>>) src(%arg10 : memref<125x128xf32, #tpu.memory_space<vmem>>) dst(%dma_wait3A_137 : memref<10000x128xf32, #tpu.memory_space<vmem_shared>>)
      } else {
      }
      %add3A_91 = arith.constant 1 : i32
      %add3A_92 = arith.addi %add3A_80, %add3A_91 : i32
      %lt3A = arith.constant 40 : i32
      %lt3A_93 = arith.cmpi slt, %add3A_92, %lt3A : i32
      %convert_element_type3A_94 = arith.extui %lt3A_93 : i1 to i32
      %cond3A_95 = arith.constant 0 : i32
      %cond3A_96 = arith.cmpi ne, %convert_element_type3A_94, %cond3A_95 : i32
      scf.if %cond3A_96 {
        %add3A_132 = arith.constant 1 : i32
        %add3A_133 = arith.addi %add3A_80, %add3A_132 : i32
        %dma_start3A_134 = arith.constant 0 : i32
        %dma_start3A_135 = tpu.memref_slice %arg7[%add3A_133, %dma_start3A_134] : memref<40x125xi32, #tpu.memory_space<vmem>> -> memref<1x125xi32, #tpu.memory_space<vmem>>
        %dma_start3A_136 = tpu.memref_squeeze %dma_start3A_135 : memref<1x125xi32, #tpu.memory_space<vmem>> -> memref<125xi32, #tpu.memory_space<vmem>>
        %dma_start3A_137 = arith.constant 0 : i32
        %dma_start3A_138 = arith.constant 0 : i32
        %dma_start3A_139 = tpu.memref_slice %arg2[%dma_start3A_137, %dma_start3A_138] : memref<10000x128xf32, #tpu.memory_space<hbm>> -> memref<10000x128xf32, #tpu.memory_space<hbm>>
        tpu.enqueue_indirect_dma source(%dma_start3A_139 : memref<10000x128xf32, #tpu.memory_space<hbm>>) target(%arg10 : memref<125x128xf32, #tpu.memory_space<vmem>>) offsets(%dma_start3A_136 : memref<125xi32, #tpu.memory_space<vmem>>) semaphore(%arg12 : memref<!tpu.dma_semaphore, #tpu.memory_space<semaphore_mem>>)
      } else {
      }
      %dma_start3A_97 = arith.constant 0 : i32
      %dma_start3A_98 = tpu.memref_slice %arg8[%add3A_80, %dma_start3A_97] : memref<40x125xi32, #tpu.memory_space<vmem>> -> memref<1x125xi32, #tpu.memory_space<vmem>>
      %dma_start3A_99 = tpu.memref_squeeze %dma_start3A_98 : memref<1x125xi32, #tpu.memory_space<vmem>> -> memref<125xi32, #tpu.memory_space<vmem>>
      %dma_start3A_100 = arith.constant 0 : i32
      %dma_start3A_101 = arith.constant 0 : i32
      %dma_start3A_102 = tpu.memref_slice %arg6[%dma_start3A_100, %dma_start3A_101] : memref<10000x128xf32, #tpu.memory_space<vmem_shared>> -> memref<10000x128xf32, #tpu.memory_space<vmem_shared>>
      tpu.enqueue_indirect_dma source(%arg9 : memref<125x128xf32, #tpu.memory_space<vmem>>) target(%dma_start3A_102 : memref<10000x128xf32, #tpu.memory_space<vmem_shared>>) offsets(%dma_start3A_99 : memref<125xi32, #tpu.memory_space<vmem>>) semaphore(%arg13 : memref<!tpu.dma_semaphore, #tpu.memory_space<semaphore_mem>>) {add = true}
      %mul3A_103 = arith.constant 2 : i32
      %mul3A_104 = arith.muli %mul3A_103, %scan3A_75 : i32
      %add3A_105 = arith.constant 1 : i32
      %add3A_106 = arith.addi %mul3A_104, %add3A_105 : i32
      %dma_wait3A_107 = arith.constant 0 : i32
      %dma_wait3A_108 = tpu.memref_slice %arg7[%add3A_106, %dma_wait3A_107] : memref<40x125xi32, #tpu.memory_space<vmem>> -> memref<1x125xi32, #tpu.memory_space<vmem>>
      %dma_wait3A_109 = tpu.memref_squeeze %dma_wait3A_108 : memref<1x125xi32, #tpu.memory_space<vmem>> -> memref<125xi32, #tpu.memory_space<vmem>>
      %dma_wait3A_110 = arith.constant 0 : i32
      %dma_wait3A_111 = arith.constant 0 : i32
      %dma_wait3A_112 = tpu.memref_slice %arg2[%dma_wait3A_110, %dma_wait3A_111] : memref<10000x128xf32, #tpu.memory_space<hbm>> -> memref<10000x128xf32, #tpu.memory_space<hbm>>
      tpu.wait_indirect_dma semaphore(%arg12 : memref<!tpu.dma_semaphore, #tpu.memory_space<semaphore_mem>>) src(%dma_wait3A_112 : memref<10000x128xf32, #tpu.memory_space<hbm>>) dst(%arg10 : memref<125x128xf32, #tpu.memory_space<vmem>>)
      %ge3A_113 = arith.constant 1 : i32
      %ge3A_114 = arith.cmpi sge, %add3A_106, %ge3A_113 : i32
      %convert_element_type3A_115 = arith.extui %ge3A_114 : i1 to i32
      %cond3A_116 = arith.constant 0 : i32
      %cond3A_117 = arith.cmpi ne, %convert_element_type3A_115, %cond3A_116 : i32
      scf.if %cond3A_117 {
        %dma_wait3A_132 = arith.constant 0 : i32
        %dma_wait3A_133 = tpu.memref_slice %arg8[%add3A_106, %dma_wait3A_132] : memref<40x125xi32, #tpu.memory_space<vmem>> -> memref<1x125xi32, #tpu.memory_space<vmem>>
        %dma_wait3A_134 = tpu.memref_squeeze %dma_wait3A_133 : memref<1x125xi32, #tpu.memory_space<vmem>> -> memref<125xi32, #tpu.memory_space<vmem>>
        %dma_wait3A_135 = arith.constant 0 : i32
        %dma_wait3A_136 = arith.constant 0 : i32
        %dma_wait3A_137 = tpu.memref_slice %arg6[%dma_wait3A_135, %dma_wait3A_136] : memref<10000x128xf32, #tpu.memory_space<vmem_shared>> -> memref<10000x128xf32, #tpu.memory_space<vmem_shared>>
        tpu.wait_indirect_dma semaphore(%arg13 : memref<!tpu.dma_semaphore, #tpu.memory_space<semaphore_mem>>) src(%arg9 : memref<125x128xf32, #tpu.memory_space<vmem>>) dst(%dma_wait3A_137 : memref<10000x128xf32, #tpu.memory_space<vmem_shared>>)
      } else {
      }
      %add3A_118 = arith.constant 1 : i32
      %add3A_119 = arith.addi %add3A_106, %add3A_118 : i32
      %lt3A_120 = arith.constant 40 : i32
      %lt3A_121 = arith.cmpi slt, %add3A_119, %lt3A_120 : i32
      %convert_element_type3A_122 = arith.extui %lt3A_121 : i1 to i32
      %cond3A_123 = arith.constant 0 : i32
      %cond3A_124 = arith.cmpi ne, %convert_element_type3A_122, %cond3A_123 : i32
      scf.if %cond3A_124 {
        %add3A_132 = arith.constant 1 : i32
        %add3A_133 = arith.addi %add3A_106, %add3A_132 : i32
        %dma_start3A_134 = arith.constant 0 : i32
        %dma_start3A_135 = tpu.memref_slice %arg7[%add3A_133, %dma_start3A_134] : memref<40x125xi32, #tpu.memory_space<vmem>> -> memref<1x125xi32, #tpu.memory_space<vmem>>
        %dma_start3A_136 = tpu.memref_squeeze %dma_start3A_135 : memref<1x125xi32, #tpu.memory_space<vmem>> -> memref<125xi32, #tpu.memory_space<vmem>>
        %dma_start3A_137 = arith.constant 0 : i32
        %dma_start3A_138 = arith.constant 0 : i32
        %dma_start3A_139 = tpu.memref_slice %arg2[%dma_start3A_137, %dma_start3A_138] : memref<10000x128xf32, #tpu.memory_space<hbm>> -> memref<10000x128xf32, #tpu.memory_space<hbm>>
        tpu.enqueue_indirect_dma source(%dma_start3A_139 : memref<10000x128xf32, #tpu.memory_space<hbm>>) target(%arg9 : memref<125x128xf32, #tpu.memory_space<vmem>>) offsets(%dma_start3A_136 : memref<125xi32, #tpu.memory_space<vmem>>) semaphore(%arg11 : memref<!tpu.dma_semaphore, #tpu.memory_space<semaphore_mem>>)
      } else {
      }
      %dma_start3A_125 = arith.constant 0 : i32
      %dma_start3A_126 = tpu.memref_slice %arg8[%add3A_106, %dma_start3A_125] : memref<40x125xi32, #tpu.memory_space<vmem>> -> memref<1x125xi32, #tpu.memory_space<vmem>>
      %dma_start3A_127 = tpu.memref_squeeze %dma_start3A_126 : memref<1x125xi32, #tpu.memory_space<vmem>> -> memref<125xi32, #tpu.memory_space<vmem>>
      %dma_start3A_128 = arith.constant 0 : i32
      %dma_start3A_129 = arith.constant 0 : i32
      %dma_start3A_130 = tpu.memref_slice %arg6[%dma_start3A_128, %dma_start3A_129] : memref<10000x128xf32, #tpu.memory_space<vmem_shared>> -> memref<10000x128xf32, #tpu.memory_space<vmem_shared>>
      tpu.enqueue_indirect_dma source(%arg10 : memref<125x128xf32, #tpu.memory_space<vmem>>) target(%dma_start3A_130 : memref<10000x128xf32, #tpu.memory_space<vmem_shared>>) offsets(%dma_start3A_127 : memref<125xi32, #tpu.memory_space<vmem>>) semaphore(%arg14 : memref<!tpu.dma_semaphore, #tpu.memory_space<semaphore_mem>>) {add = true}
      %scan3A_131 = arith.constant 0 : i32
      scf.yield %scan3A_131 : i32
    }
    %scan3A_27 = arith.constant 20 : i32
    %dma_wait3A = arith.constant 0 : i32
    %dma_wait3A_28 = arith.constant 0 : i32
    %dma_wait3A_29 = tpu.memref_slice %arg8[%dma_wait3A, %dma_wait3A_28] : memref<40x125xi32, #tpu.memory_space<vmem>> -> memref<1x125xi32, #tpu.memory_space<vmem>>
    %dma_wait3A_30 = tpu.memref_squeeze %dma_wait3A_29 : memref<1x125xi32, #tpu.memory_space<vmem>> -> memref<125xi32, #tpu.memory_space<vmem>>
    %dma_wait3A_31 = arith.constant 0 : i32
    %dma_wait3A_32 = arith.constant 0 : i32
    %dma_wait3A_33 = tpu.memref_slice %arg6[%dma_wait3A_31, %dma_wait3A_32] : memref<10000x128xf32, #tpu.memory_space<vmem_shared>> -> memref<10000x128xf32, #tpu.memory_space<vmem_shared>>
    tpu.wait_indirect_dma semaphore(%arg14 : memref<!tpu.dma_semaphore, #tpu.memory_space<semaphore_mem>>) src(%arg10 : memref<125x128xf32, #tpu.memory_space<vmem>>) dst(%dma_wait3A_33 : memref<10000x128xf32, #tpu.memory_space<vmem_shared>>)
    %run_scoped3A_34 = arith.constant 0 : i32
    "tpu.region"() ({
      %run_scoped3A_75 = tpu.sem_alloc : memref<!tpu.dma_semaphore, #tpu.memory_space<semaphore_mem>>
      %dma_start3A_76 = arith.constant 40 : i32
      %dma_start3A_77 = arith.constant 0 : i32
      %dma_start3A_78 = tpu.memref_slice %arg3[%run_scoped3A_34, %add3A, %dma_start3A_76, %dma_start3A_77] : memref<2x32x80x125xi32, #tpu.memory_space<hbm>> -> memref<1x1x40x125xi32, #tpu.memory_space<hbm>>
      %dma_start3A_79 = tpu.memref_squeeze %dma_start3A_78 : memref<1x1x40x125xi32, #tpu.memory_space<hbm>> -> memref<40x125xi32, #tpu.memory_space<hbm>>
      %dma_start3A_80 = arith.constant 40 : i32
      %dma_start3A_81 = arith.constant 0 : i32
      %dma_start3A_82 = tpu.memref_slice %arg3[%run_scoped3A_34, %add3A, %dma_start3A_80, %dma_start3A_81] : memref<2x32x80x125xi32, #tpu.memory_space<hbm>> -> memref<1x1x40x125xi32, #tpu.memory_space<hbm>>
      %dma_start3A_83 = tpu.memref_squeeze %dma_start3A_82 : memref<1x1x40x125xi32, #tpu.memory_space<hbm>> -> memref<40x125xi32, #tpu.memory_space<hbm>>
      tpu.enqueue_dma source(%dma_start3A_83 : memref<40x125xi32, #tpu.memory_space<hbm>>) target(%arg7 : memref<40x125xi32, #tpu.memory_space<vmem>>) target_semaphore(%run_scoped3A_75 : memref<!tpu.dma_semaphore, #tpu.memory_space<semaphore_mem>>)
      %dma_wait3A_84 = arith.constant 40 : i32
      %dma_wait3A_85 = arith.constant 0 : i32
      %dma_wait3A_86 = tpu.memref_slice %arg3[%run_scoped3A_34, %add3A, %dma_wait3A_84, %dma_wait3A_85] : memref<2x32x80x125xi32, #tpu.memory_space<hbm>> -> memref<1x1x40x125xi32, #tpu.memory_space<hbm>>
      %dma_wait3A_87 = tpu.memref_squeeze %dma_wait3A_86 : memref<1x1x40x125xi32, #tpu.memory_space<hbm>> -> memref<40x125xi32, #tpu.memory_space<hbm>>
      %dma_wait3A_88 = arith.constant 40 : i32
      %dma_wait3A_89 = arith.constant 0 : i32
      %dma_wait3A_90 = tpu.memref_slice %arg3[%run_scoped3A_34, %add3A, %dma_wait3A_88, %dma_wait3A_89] : memref<2x32x80x125xi32, #tpu.memory_space<hbm>> -> memref<1x1x40x125xi32, #tpu.memory_space<hbm>>
      %dma_wait3A_91 = tpu.memref_squeeze %dma_wait3A_90 : memref<1x1x40x125xi32, #tpu.memory_space<hbm>> -> memref<40x125xi32, #tpu.memory_space<hbm>>
      tpu.wait_dma2 semaphore(%run_scoped3A_75 : memref<!tpu.dma_semaphore, #tpu.memory_space<semaphore_mem>>) src(%dma_wait3A_91 : memref<40x125xi32, #tpu.memory_space<hbm>>) dst(%arg7 : memref<40x125xi32, #tpu.memory_space<vmem>>)
      tpu.yield
    }) : () -> ()
    %run_scoped3A_35 = arith.constant 1 : i32
    "tpu.region"() ({
      %run_scoped3A_75 = tpu.sem_alloc : memref<!tpu.dma_semaphore, #tpu.memory_space<semaphore_mem>>
      %dma_start3A_76 = arith.constant 40 : i32
      %dma_start3A_77 = arith.constant 0 : i32
      %dma_start3A_78 = tpu.memref_slice %arg3[%run_scoped3A_35, %add3A, %dma_start3A_76, %dma_start3A_77] : memref<2x32x80x125xi32, #tpu.memory_space<hbm>> -> memref<1x1x40x125xi32, #tpu.memory_space<hbm>>
      %dma_start3A_79 = tpu.memref_squeeze %dma_start3A_78 : memref<1x1x40x125xi32, #tpu.memory_space<hbm>> -> memref<40x125xi32, #tpu.memory_space<hbm>>
      %dma_start3A_80 = arith.constant 40 : i32
      %dma_start3A_81 = arith.constant 0 : i32
      %dma_start3A_82 = tpu.memref_slice %arg3[%run_scoped3A_35, %add3A, %dma_start3A_80, %dma_start3A_81] : memref<2x32x80x125xi32, #tpu.memory_space<hbm>> -> memref<1x1x40x125xi32, #tpu.memory_space<hbm>>
      %dma_start3A_83 = tpu.memref_squeeze %dma_start3A_82 : memref<1x1x40x125xi32, #tpu.memory_space<hbm>> -> memref<40x125xi32, #tpu.memory_space<hbm>>
      tpu.enqueue_dma source(%dma_start3A_83 : memref<40x125xi32, #tpu.memory_space<hbm>>) target(%arg8 : memref<40x125xi32, #tpu.memory_space<vmem>>) target_semaphore(%run_scoped3A_75 : memref<!tpu.dma_semaphore, #tpu.memory_space<semaphore_mem>>)
      %dma_wait3A_84 = arith.constant 40 : i32
      %dma_wait3A_85 = arith.constant 0 : i32
      %dma_wait3A_86 = tpu.memref_slice %arg3[%run_scoped3A_35, %add3A, %dma_wait3A_84, %dma_wait3A_85] : memref<2x32x80x125xi32, #tpu.memory_space<hbm>> -> memref<1x1x40x125xi32, #tpu.memory_space<hbm>>
      %dma_wait3A_87 = tpu.memref_squeeze %dma_wait3A_86 : memref<1x1x40x125xi32, #tpu.memory_space<hbm>> -> memref<40x125xi32, #tpu.memory_space<hbm>>
      %dma_wait3A_88 = arith.constant 40 : i32
      %dma_wait3A_89 = arith.constant 0 : i32
      %dma_wait3A_90 = tpu.memref_slice %arg3[%run_scoped3A_35, %add3A, %dma_wait3A_88, %dma_wait3A_89] : memref<2x32x80x125xi32, #tpu.memory_space<hbm>> -> memref<1x1x40x125xi32, #tpu.memory_space<hbm>>
      %dma_wait3A_91 = tpu.memref_squeeze %dma_wait3A_90 : memref<1x1x40x125xi32, #tpu.memory_space<hbm>> -> memref<40x125xi32, #tpu.memory_space<hbm>>
      tpu.wait_dma2 semaphore(%run_scoped3A_75 : memref<!tpu.dma_semaphore, #tpu.memory_space<semaphore_mem>>) src(%dma_wait3A_91 : memref<40x125xi32, #tpu.memory_space<hbm>>) dst(%arg8 : memref<40x125xi32, #tpu.memory_space<vmem>>)
      tpu.yield
    }) : () -> ()
    %dma_start3A_36 = arith.constant 0 : i32
    %dma_start3A_37 = arith.constant 0 : i32
    %dma_start3A_38 = tpu.memref_slice %arg7[%dma_start3A_36, %dma_start3A_37] : memref<40x125xi32, #tpu.memory_space<vmem>> -> memref<1x125xi32, #tpu.memory_space<vmem>>
    %dma_start3A_39 = tpu.memref_squeeze %dma_start3A_38 : memref<1x125xi32, #tpu.memory_space<vmem>> -> memref<125xi32, #tpu.memory_space<vmem>>
    %dma_start3A_40 = arith.constant 0 : i32
    %dma_start3A_41 = arith.constant 0 : i32
    %dma_start3A_42 = tpu.memref_slice %arg2[%dma_start3A_40, %dma_start3A_41] : memref<10000x128xf32, #tpu.memory_space<hbm>> -> memref<10000x128xf32, #tpu.memory_space<hbm>>
    tpu.enqueue_indirect_dma source(%dma_start3A_42 : memref<10000x128xf32, #tpu.memory_space<hbm>>) target(%arg9 : memref<125x128xf32, #tpu.memory_space<vmem>>) offsets(%dma_start3A_39 : memref<125xi32, #tpu.memory_space<vmem>>) semaphore(%arg11 : memref<!tpu.dma_semaphore, #tpu.memory_space<semaphore_mem>>)
    %scan3A_43 = arith.constant 0 : i32
    %scan3A_44 = arith.constant 0 : i32
    %scan3A_45 = arith.constant 20 : i32
    %scan3A_46 = arith.addi %scan3A_44, %scan3A_45 : i32
    %scan3A_47 = arith.constant 1 : i32
    %scan3A_48 = scf.for %scan3A_75 = %scan3A_44 to %scan3A_46 step %scan3A_47 iter_args(%scan3A_76 = %scan3A_43) -> (i32)  : i32 {
      %mul3A_77 = arith.constant 2 : i32
      %mul3A_78 = arith.muli %mul3A_77, %scan3A_75 : i32
      %add3A_79 = arith.constant 0 : i32
      %add3A_80 = arith.addi %mul3A_78, %add3A_79 : i32
      %dma_wait3A_81 = arith.constant 0 : i32
      %dma_wait3A_82 = tpu.memref_slice %arg7[%add3A_80, %dma_wait3A_81] : memref<40x125xi32, #tpu.memory_space<vmem>> -> memref<1x125xi32, #tpu.memory_space<vmem>>
      %dma_wait3A_83 = tpu.memref_squeeze %dma_wait3A_82 : memref<1x125xi32, #tpu.memory_space<vmem>> -> memref<125xi32, #tpu.memory_space<vmem>>
      %dma_wait3A_84 = arith.constant 0 : i32
      %dma_wait3A_85 = arith.constant 0 : i32
      %dma_wait3A_86 = tpu.memref_slice %arg2[%dma_wait3A_84, %dma_wait3A_85] : memref<10000x128xf32, #tpu.memory_space<hbm>> -> memref<10000x128xf32, #tpu.memory_space<hbm>>
      tpu.wait_indirect_dma semaphore(%arg11 : memref<!tpu.dma_semaphore, #tpu.memory_space<semaphore_mem>>) src(%dma_wait3A_86 : memref<10000x128xf32, #tpu.memory_space<hbm>>) dst(%arg9 : memref<125x128xf32, #tpu.memory_space<vmem>>)
      %ge3A = arith.constant 1 : i32
      %ge3A_87 = arith.cmpi sge, %add3A_80, %ge3A : i32
      %convert_element_type3A_88 = arith.extui %ge3A_87 : i1 to i32
      %cond3A_89 = arith.constant 0 : i32
      %cond3A_90 = arith.cmpi ne, %convert_element_type3A_88, %cond3A_89 : i32
      scf.if %cond3A_90 {
        %dma_wait3A_132 = arith.constant 0 : i32
        %dma_wait3A_133 = tpu.memref_slice %arg8[%add3A_80, %dma_wait3A_132] : memref<40x125xi32, #tpu.memory_space<vmem>> -> memref<1x125xi32, #tpu.memory_space<vmem>>
        %dma_wait3A_134 = tpu.memref_squeeze %dma_wait3A_133 : memref<1x125xi32, #tpu.memory_space<vmem>> -> memref<125xi32, #tpu.memory_space<vmem>>
        %dma_wait3A_135 = arith.constant 0 : i32
        %dma_wait3A_136 = arith.constant 0 : i32
        %dma_wait3A_137 = tpu.memref_slice %arg6[%dma_wait3A_135, %dma_wait3A_136] : memref<10000x128xf32, #tpu.memory_space<vmem_shared>> -> memref<10000x128xf32, #tpu.memory_space<vmem_shared>>
        tpu.wait_indirect_dma semaphore(%arg14 : memref<!tpu.dma_semaphore, #tpu.memory_space<semaphore_mem>>) src(%arg10 : memref<125x128xf32, #tpu.memory_space<vmem>>) dst(%dma_wait3A_137 : memref<10000x128xf32, #tpu.memory_space<vmem_shared>>)
      } else {
      }
      %add3A_91 = arith.constant 1 : i32
      %add3A_92 = arith.addi %add3A_80, %add3A_91 : i32
      %lt3A = arith.constant 40 : i32
      %lt3A_93 = arith.cmpi slt, %add3A_92, %lt3A : i32
      %convert_element_type3A_94 = arith.extui %lt3A_93 : i1 to i32
      %cond3A_95 = arith.constant 0 : i32
      %cond3A_96 = arith.cmpi ne, %convert_element_type3A_94, %cond3A_95 : i32
      scf.if %cond3A_96 {
        %add3A_132 = arith.constant 1 : i32
        %add3A_133 = arith.addi %add3A_80, %add3A_132 : i32
        %dma_start3A_134 = arith.constant 0 : i32
        %dma_start3A_135 = tpu.memref_slice %arg7[%add3A_133, %dma_start3A_134] : memref<40x125xi32, #tpu.memory_space<vmem>> -> memref<1x125xi32, #tpu.memory_space<vmem>>
        %dma_start3A_136 = tpu.memref_squeeze %dma_start3A_135 : memref<1x125xi32, #tpu.memory_space<vmem>> -> memref<125xi32, #tpu.memory_space<vmem>>
        %dma_start3A_137 = arith.constant 0 : i32
        %dma_start3A_138 = arith.constant 0 : i32
        %dma_start3A_139 = tpu.memref_slice %arg2[%dma_start3A_137, %dma_start3A_138] : memref<10000x128xf32, #tpu.memory_space<hbm>> -> memref<10000x128xf32, #tpu.memory_space<hbm>>
        tpu.enqueue_indirect_dma source(%dma_start3A_139 : memref<10000x128xf32, #tpu.memory_space<hbm>>) target(%arg10 : memref<125x128xf32, #tpu.memory_space<vmem>>) offsets(%dma_start3A_136 : memref<125xi32, #tpu.memory_space<vmem>>) semaphore(%arg12 : memref<!tpu.dma_semaphore, #tpu.memory_space<semaphore_mem>>)
      } else {
      }
      %dma_start3A_97 = arith.constant 0 : i32
      %dma_start3A_98 = tpu.memref_slice %arg8[%add3A_80, %dma_start3A_97] : memref<40x125xi32, #tpu.memory_space<vmem>> -> memref<1x125xi32, #tpu.memory_space<vmem>>
      %dma_start3A_99 = tpu.memref_squeeze %dma_start3A_98 : memref<1x125xi32, #tpu.memory_space<vmem>> -> memref<125xi32, #tpu.memory_space<vmem>>
      %dma_start3A_100 = arith.constant 0 : i32
      %dma_start3A_101 = arith.constant 0 : i32
      %dma_start3A_102 = tpu.memref_slice %arg6[%dma_start3A_100, %dma_start3A_101] : memref<10000x128xf32, #tpu.memory_space<vmem_shared>> -> memref<10000x128xf32, #tpu.memory_space<vmem_shared>>
      tpu.enqueue_indirect_dma source(%arg9 : memref<125x128xf32, #tpu.memory_space<vmem>>) target(%dma_start3A_102 : memref<10000x128xf32, #tpu.memory_space<vmem_shared>>) offsets(%dma_start3A_99 : memref<125xi32, #tpu.memory_space<vmem>>) semaphore(%arg13 : memref<!tpu.dma_semaphore, #tpu.memory_space<semaphore_mem>>) {add = true}
      %mul3A_103 = arith.constant 2 : i32
      %mul3A_104 = arith.muli %mul3A_103, %scan3A_75 : i32
      %add3A_105 = arith.constant 1 : i32
      %add3A_106 = arith.addi %mul3A_104, %add3A_105 : i32
      %dma_wait3A_107 = arith.constant 0 : i32
      %dma_wait3A_108 = tpu.memref_slice %arg7[%add3A_106, %dma_wait3A_107] : memref<40x125xi32, #tpu.memory_space<vmem>> -> memref<1x125xi32, #tpu.memory_space<vmem>>
      %dma_wait3A_109 = tpu.memref_squeeze %dma_wait3A_108 : memref<1x125xi32, #tpu.memory_space<vmem>> -> memref<125xi32, #tpu.memory_space<vmem>>
      %dma_wait3A_110 = arith.constant 0 : i32
      %dma_wait3A_111 = arith.constant 0 : i32
      %dma_wait3A_112 = tpu.memref_slice %arg2[%dma_wait3A_110, %dma_wait3A_111] : memref<10000x128xf32, #tpu.memory_space<hbm>> -> memref<10000x128xf32, #tpu.memory_space<hbm>>
      tpu.wait_indirect_dma semaphore(%arg12 : memref<!tpu.dma_semaphore, #tpu.memory_space<semaphore_mem>>) src(%dma_wait3A_112 : memref<10000x128xf32, #tpu.memory_space<hbm>>) dst(%arg10 : memref<125x128xf32, #tpu.memory_space<vmem>>)
      %ge3A_113 = arith.constant 1 : i32
      %ge3A_114 = arith.cmpi sge, %add3A_106, %ge3A_113 : i32
      %convert_element_type3A_115 = arith.extui %ge3A_114 : i1 to i32
      %cond3A_116 = arith.constant 0 : i32
      %cond3A_117 = arith.cmpi ne, %convert_element_type3A_115, %cond3A_116 : i32
      scf.if %cond3A_117 {
        %dma_wait3A_132 = arith.constant 0 : i32
        %dma_wait3A_133 = tpu.memref_slice %arg8[%add3A_106, %dma_wait3A_132] : memref<40x125xi32, #tpu.memory_space<vmem>> -> memref<1x125xi32, #tpu.memory_space<vmem>>
        %dma_wait3A_134 = tpu.memref_squeeze %dma_wait3A_133 : memref<1x125xi32, #tpu.memory_space<vmem>> -> memref<125xi32, #tpu.memory_space<vmem>>
        %dma_wait3A_135 = arith.constant 0 : i32
        %dma_wait3A_136 = arith.constant 0 : i32
        %dma_wait3A_137 = tpu.memref_slice %arg6[%dma_wait3A_135, %dma_wait3A_136] : memref<10000x128xf32, #tpu.memory_space<vmem_shared>> -> memref<10000x128xf32, #tpu.memory_space<vmem_shared>>
        tpu.wait_indirect_dma semaphore(%arg13 : memref<!tpu.dma_semaphore, #tpu.memory_space<semaphore_mem>>) src(%arg9 : memref<125x128xf32, #tpu.memory_space<vmem>>) dst(%dma_wait3A_137 : memref<10000x128xf32, #tpu.memory_space<vmem_shared>>)
      } else {
      }
      %add3A_118 = arith.constant 1 : i32
      %add3A_119 = arith.addi %add3A_106, %add3A_118 : i32
      %lt3A_120 = arith.constant 40 : i32
      %lt3A_121 = arith.cmpi slt, %add3A_119, %lt3A_120 : i32
      %convert_element_type3A_122 = arith.extui %lt3A_121 : i1 to i32
      %cond3A_123 = arith.constant 0 : i32
      %cond3A_124 = arith.cmpi ne, %convert_element_type3A_122, %cond3A_123 : i32
      scf.if %cond3A_124 {
        %add3A_132 = arith.constant 1 : i32
        %add3A_133 = arith.addi %add3A_106, %add3A_132 : i32
        %dma_start3A_134 = arith.constant 0 : i32
        %dma_start3A_135 = tpu.memref_slice %arg7[%add3A_133, %dma_start3A_134] : memref<40x125xi32, #tpu.memory_space<vmem>> -> memref<1x125xi32, #tpu.memory_space<vmem>>
        %dma_start3A_136 = tpu.memref_squeeze %dma_start3A_135 : memref<1x125xi32, #tpu.memory_space<vmem>> -> memref<125xi32, #tpu.memory_space<vmem>>
        %dma_start3A_137 = arith.constant 0 : i32
        %dma_start3A_138 = arith.constant 0 : i32
        %dma_start3A_139 = tpu.memref_slice %arg2[%dma_start3A_137, %dma_start3A_138] : memref<10000x128xf32, #tpu.memory_space<hbm>> -> memref<10000x128xf32, #tpu.memory_space<hbm>>
        tpu.enqueue_indirect_dma source(%dma_start3A_139 : memref<10000x128xf32, #tpu.memory_space<hbm>>) target(%arg9 : memref<125x128xf32, #tpu.memory_space<vmem>>) offsets(%dma_start3A_136 : memref<125xi32, #tpu.memory_space<vmem>>) semaphore(%arg11 : memref<!tpu.dma_semaphore, #tpu.memory_space<semaphore_mem>>)
      } else {
      }
      %dma_start3A_125 = arith.constant 0 : i32
      %dma_start3A_126 = tpu.memref_slice %arg8[%add3A_106, %dma_start3A_125] : memref<40x125xi32, #tpu.memory_space<vmem>> -> memref<1x125xi32, #tpu.memory_space<vmem>>
      %dma_start3A_127 = tpu.memref_squeeze %dma_start3A_126 : memref<1x125xi32, #tpu.memory_space<vmem>> -> memref<125xi32, #tpu.memory_space<vmem>>
      %dma_start3A_128 = arith.constant 0 : i32
      %dma_start3A_129 = arith.constant 0 : i32
      %dma_start3A_130 = tpu.memref_slice %arg6[%dma_start3A_128, %dma_start3A_129] : memref<10000x128xf32, #tpu.memory_space<vmem_shared>> -> memref<10000x128xf32, #tpu.memory_space<vmem_shared>>
      tpu.enqueue_indirect_dma source(%arg10 : memref<125x128xf32, #tpu.memory_space<vmem>>) target(%dma_start3A_130 : memref<10000x128xf32, #tpu.memory_space<vmem_shared>>) offsets(%dma_start3A_127 : memref<125xi32, #tpu.memory_space<vmem>>) semaphore(%arg14 : memref<!tpu.dma_semaphore, #tpu.memory_space<semaphore_mem>>) {add = true}
      %scan3A_131 = arith.constant 0 : i32
      scf.yield %scan3A_131 : i32
    }
    %scan3A_49 = arith.constant 20 : i32
    %dma_wait3A_50 = arith.constant 0 : i32
    %dma_wait3A_51 = arith.constant 0 : i32
    %dma_wait3A_52 = tpu.memref_slice %arg8[%dma_wait3A_50, %dma_wait3A_51] : memref<40x125xi32, #tpu.memory_space<vmem>> -> memref<1x125xi32, #tpu.memory_space<vmem>>
    %dma_wait3A_53 = tpu.memref_squeeze %dma_wait3A_52 : memref<1x125xi32, #tpu.memory_space<vmem>> -> memref<125xi32, #tpu.memory_space<vmem>>
    %dma_wait3A_54 = arith.constant 0 : i32
    %dma_wait3A_55 = arith.constant 0 : i32
    %dma_wait3A_56 = tpu.memref_slice %arg6[%dma_wait3A_54, %dma_wait3A_55] : memref<10000x128xf32, #tpu.memory_space<vmem_shared>> -> memref<10000x128xf32, #tpu.memory_space<vmem_shared>>
    tpu.wait_indirect_dma semaphore(%arg14 : memref<!tpu.dma_semaphore, #tpu.memory_space<semaphore_mem>>) src(%arg10 : memref<125x128xf32, #tpu.memory_space<vmem>>) dst(%dma_wait3A_56 : memref<10000x128xf32, #tpu.memory_space<vmem_shared>>)
    %barrier3A_57 = arith.constant 0 : index
    tpu.barrier barrier_id(%barrier3A_57)
    %mul3A_58 = arith.constant 624 : i32
    %mul3A_59 = arith.muli %arg1, %mul3A_58 : i32
    %add3A_60 = arith.constant 0 : i32
    %add3A_61 = arith.addi %mul3A_59, %add3A_60 : i32
    "tpu.region"() ({
      %run_scoped3A_75 = tpu.sem_alloc : memref<!tpu.dma_semaphore, #tpu.memory_space<semaphore_mem>>
      %dma_start3A_76 = arith.constant 0 : i32
      %dma_start3A_77 = tpu.memref_slice %arg5[%arg0, %add3A_61, %dma_start3A_76] : memref<2x10000x128xf32, #tpu.memory_space<hbm>> -> memref<1x208x128xf32, #tpu.memory_space<hbm>>
      %dma_start3A_78 = tpu.memref_squeeze %dma_start3A_77 : memref<1x208x128xf32, #tpu.memory_space<hbm>> -> memref<208x128xf32, #tpu.memory_space<hbm>>
      %dma_start3A_79 = arith.constant 0 : i32
      %dma_start3A_80 = tpu.memref_slice %arg6[%add3A_61, %dma_start3A_79] : memref<10000x128xf32, #tpu.memory_space<vmem_shared>> -> memref<208x128xf32, #tpu.memory_space<vmem_shared>>
      tpu.enqueue_dma source(%dma_start3A_80 : memref<208x128xf32, #tpu.memory_space<vmem_shared>>) target(%dma_start3A_78 : memref<208x128xf32, #tpu.memory_space<hbm>>) target_semaphore(%run_scoped3A_75 : memref<!tpu.dma_semaphore, #tpu.memory_space<semaphore_mem>>)
      %dma_wait3A_81 = arith.constant 0 : i32
      %dma_wait3A_82 = tpu.memref_slice %arg5[%arg0, %add3A_61, %dma_wait3A_81] : memref<2x10000x128xf32, #tpu.memory_space<hbm>> -> memref<1x208x128xf32, #tpu.memory_space<hbm>>
      %dma_wait3A_83 = tpu.memref_squeeze %dma_wait3A_82 : memref<1x208x128xf32, #tpu.memory_space<hbm>> -> memref<208x128xf32, #tpu.memory_space<hbm>>
      %dma_wait3A_84 = arith.constant 0 : i32
      %dma_wait3A_85 = tpu.memref_slice %arg6[%add3A_61, %dma_wait3A_84] : memref<10000x128xf32, #tpu.memory_space<vmem_shared>> -> memref<208x128xf32, #tpu.memory_space<vmem_shared>>
      tpu.wait_dma2 semaphore(%run_scoped3A_75 : memref<!tpu.dma_semaphore, #tpu.memory_space<semaphore_mem>>) src(%dma_wait3A_85 : memref<208x128xf32, #tpu.memory_space<vmem_shared>>) dst(%dma_wait3A_83 : memref<208x128xf32, #tpu.memory_space<hbm>>)
      tpu.yield
    }) : () -> ()
    %mul3A_62 = arith.constant 624 : i32
    %mul3A_63 = arith.muli %arg1, %mul3A_62 : i32
    %add3A_64 = arith.constant 208 : i32
    %add3A_65 = arith.addi %mul3A_63, %add3A_64 : i32
    "tpu.region"() ({
      %run_scoped3A_75 = tpu.sem_alloc : memref<!tpu.dma_semaphore, #tpu.memory_space<semaphore_mem>>
      %dma_start3A_76 = arith.constant 0 : i32
      %dma_start3A_77 = tpu.memref_slice %arg5[%arg0, %add3A_65, %dma_start3A_76] : memref<2x10000x128xf32, #tpu.memory_space<hbm>> -> memref<1x208x128xf32, #tpu.memory_space<hbm>>
      %dma_start3A_78 = tpu.memref_squeeze %dma_start3A_77 : memref<1x208x128xf32, #tpu.memory_space<hbm>> -> memref<208x128xf32, #tpu.memory_space<hbm>>
      %dma_start3A_79 = arith.constant 0 : i32
      %dma_start3A_80 = tpu.memref_slice %arg6[%add3A_65, %dma_start3A_79] : memref<10000x128xf32, #tpu.memory_space<vmem_shared>> -> memref<208x128xf32, #tpu.memory_space<vmem_shared>>
      tpu.enqueue_dma source(%dma_start3A_80 : memref<208x128xf32, #tpu.memory_space<vmem_shared>>) target(%dma_start3A_78 : memref<208x128xf32, #tpu.memory_space<hbm>>) target_semaphore(%run_scoped3A_75 : memref<!tpu.dma_semaphore, #tpu.memory_space<semaphore_mem>>)
      %dma_wait3A_81 = arith.constant 0 : i32
      %dma_wait3A_82 = tpu.memref_slice %arg5[%arg0, %add3A_65, %dma_wait3A_81] : memref<2x10000x128xf32, #tpu.memory_space<hbm>> -> memref<1x208x128xf32, #tpu.memory_space<hbm>>
      %dma_wait3A_83 = tpu.memref_squeeze %dma_wait3A_82 : memref<1x208x128xf32, #tpu.memory_space<hbm>> -> memref<208x128xf32, #tpu.memory_space<hbm>>
      %dma_wait3A_84 = arith.constant 0 : i32
      %dma_wait3A_85 = tpu.memref_slice %arg6[%add3A_65, %dma_wait3A_84] : memref<10000x128xf32, #tpu.memory_space<vmem_shared>> -> memref<208x128xf32, #tpu.memory_space<vmem_shared>>
      tpu.wait_dma2 semaphore(%run_scoped3A_75 : memref<!tpu.dma_semaphore, #tpu.memory_space<semaphore_mem>>) src(%dma_wait3A_85 : memref<208x128xf32, #tpu.memory_space<vmem_shared>>) dst(%dma_wait3A_83 : memref<208x128xf32, #tpu.memory_space<hbm>>)
      tpu.yield
    }) : () -> ()
    %mul3A_66 = arith.constant 624 : i32
    %mul3A_67 = arith.muli %arg1, %mul3A_66 : i32
    %add3A_68 = arith.constant 416 : i32
    %add3A_69 = arith.addi %mul3A_67, %add3A_68 : i32
    "tpu.region"() ({
      %run_scoped3A_75 = tpu.sem_alloc : memref<!tpu.dma_semaphore, #tpu.memory_space<semaphore_mem>>
      %dma_start3A_76 = arith.constant 0 : i32
      %dma_start3A_77 = tpu.memref_slice %arg5[%arg0, %add3A_69, %dma_start3A_76] : memref<2x10000x128xf32, #tpu.memory_space<hbm>> -> memref<1x208x128xf32, #tpu.memory_space<hbm>>
      %dma_start3A_78 = tpu.memref_squeeze %dma_start3A_77 : memref<1x208x128xf32, #tpu.memory_space<hbm>> -> memref<208x128xf32, #tpu.memory_space<hbm>>
      %dma_start3A_79 = arith.constant 0 : i32
      %dma_start3A_80 = tpu.memref_slice %arg6[%add3A_69, %dma_start3A_79] : memref<10000x128xf32, #tpu.memory_space<vmem_shared>> -> memref<208x128xf32, #tpu.memory_space<vmem_shared>>
      tpu.enqueue_dma source(%dma_start3A_80 : memref<208x128xf32, #tpu.memory_space<vmem_shared>>) target(%dma_start3A_78 : memref<208x128xf32, #tpu.memory_space<hbm>>) target_semaphore(%run_scoped3A_75 : memref<!tpu.dma_semaphore, #tpu.memory_space<semaphore_mem>>)
      %dma_wait3A_81 = arith.constant 0 : i32
      %dma_wait3A_82 = tpu.memref_slice %arg5[%arg0, %add3A_69, %dma_wait3A_81] : memref<2x10000x128xf32, #tpu.memory_space<hbm>> -> memref<1x208x128xf32, #tpu.memory_space<hbm>>
      %dma_wait3A_83 = tpu.memref_squeeze %dma_wait3A_82 : memref<1x208x128xf32, #tpu.memory_space<hbm>> -> memref<208x128xf32, #tpu.memory_space<hbm>>
      %dma_wait3A_84 = arith.constant 0 : i32
      %dma_wait3A_85 = tpu.memref_slice %arg6[%add3A_69, %dma_wait3A_84] : memref<10000x128xf32, #tpu.memory_space<vmem_shared>> -> memref<208x128xf32, #tpu.memory_space<vmem_shared>>
      tpu.wait_dma2 semaphore(%run_scoped3A_75 : memref<!tpu.dma_semaphore, #tpu.memory_space<semaphore_mem>>) src(%dma_wait3A_85 : memref<208x128xf32, #tpu.memory_space<vmem_shared>>) dst(%dma_wait3A_83 : memref<208x128xf32, #tpu.memory_space<hbm>>)
      tpu.yield
    }) : () -> ()
    %eq3A_70 = arith.constant 15 : i32
    %eq3A_71 = arith.cmpi eq, %arg1, %eq3A_70 : i32
    %convert_element_type3A_72 = arith.extui %eq3A_71 : i1 to i32
    %cond3A_73 = arith.constant 0 : i32
    %cond3A_74 = arith.cmpi ne, %convert_element_type3A_72, %cond3A_73 : i32
    scf.if %cond3A_74 {
      "tpu.region"() ({
        %run_scoped3A_75 = tpu.sem_alloc : memref<!tpu.dma_semaphore, #tpu.memory_space<semaphore_mem>>
        %dma_start3A_76 = arith.constant 9984 : i32
        %dma_start3A_77 = arith.constant 0 : i32
        %dma_start3A_78 = tpu.memref_slice %arg5[%arg0, %dma_start3A_76, %dma_start3A_77] : memref<2x10000x128xf32, #tpu.memory_space<hbm>> -> memref<1x16x128xf32, #tpu.memory_space<hbm>>
        %dma_start3A_79 = tpu.memref_squeeze %dma_start3A_78 : memref<1x16x128xf32, #tpu.memory_space<hbm>> -> memref<16x128xf32, #tpu.memory_space<hbm>>
        %dma_start3A_80 = arith.constant 9984 : i32
        %dma_start3A_81 = arith.constant 0 : i32
        %dma_start3A_82 = tpu.memref_slice %arg6[%dma_start3A_80, %dma_start3A_81] : memref<10000x128xf32, #tpu.memory_space<vmem_shared>> -> memref<16x128xf32, #tpu.memory_space<vmem_shared>>
        tpu.enqueue_dma source(%dma_start3A_82 : memref<16x128xf32, #tpu.memory_space<vmem_shared>>) target(%dma_start3A_79 : memref<16x128xf32, #tpu.memory_space<hbm>>) target_semaphore(%run_scoped3A_75 : memref<!tpu.dma_semaphore, #tpu.memory_space<semaphore_mem>>)
        %dma_wait3A_83 = arith.constant 9984 : i32
        %dma_wait3A_84 = arith.constant 0 : i32
        %dma_wait3A_85 = tpu.memref_slice %arg5[%arg0, %dma_wait3A_83, %dma_wait3A_84] : memref<2x10000x128xf32, #tpu.memory_space<hbm>> -> memref<1x16x128xf32, #tpu.memory_space<hbm>>
        %dma_wait3A_86 = tpu.memref_squeeze %dma_wait3A_85 : memref<1x16x128xf32, #tpu.memory_space<hbm>> -> memref<16x128xf32, #tpu.memory_space<hbm>>
        %dma_wait3A_87 = arith.constant 9984 : i32
        %dma_wait3A_88 = arith.constant 0 : i32
        %dma_wait3A_89 = tpu.memref_slice %arg6[%dma_wait3A_87, %dma_wait3A_88] : memref<10000x128xf32, #tpu.memory_space<vmem_shared>> -> memref<16x128xf32, #tpu.memory_space<vmem_shared>>
        tpu.wait_dma2 semaphore(%run_scoped3A_75 : memref<!tpu.dma_semaphore, #tpu.memory_space<semaphore_mem>>) src(%dma_wait3A_89 : memref<16x128xf32, #tpu.memory_space<vmem_shared>>) dst(%dma_wait3A_86 : memref<16x128xf32, #tpu.memory_space<hbm>>)
        tpu.yield
      }) : () -> ()
    } else {
    }
    return
  }
}

module attributes {stable_mosaic.version = 14 : i64} {
  func.func @_tc1_body(%arg0: i32, %arg1: memref<2000x128xf32, #tpu.memory_space<vmem>>, %arg2: memref<2x2000x128xf32, #tpu.memory_space<vmem>>, %arg3: memref<2000x1xf32, #tpu.memory_space<vmem>>, %arg4: memref<2000x1xf32, #tpu.memory_space<vmem>>, %arg5: memref<128x128xf32, #tpu.memory_space<vmem>>, %arg6: memref<1x128xf32, #tpu.memory_space<vmem>>, %arg7: memref<2000x128xf32, #tpu.memory_space<vmem>>) attributes {dimension_semantics = [#tpu.dimension_semantics<arbitrary>], iteration_bounds = array<i64: 5>, scalar_prefetch = 0 : i64, scratch_operands = 0 : i64, tpu.core_type = #tpu.core_type<tc>, window_params = [{transform_indices = @transform_0, window_bounds = array<i64: 2000, 128>}, {transform_indices = @transform_1, window_bounds = array<i64: 2, 2000, 128>}, {transform_indices = @transform_2, window_bounds = array<i64: 2000, 1>}, {transform_indices = @transform_3, window_bounds = array<i64: 2000, 1>}, {pipeline_mode = #tpu.pipeline_mode<synchronous>, transform_indices = @transform_4, window_bounds = array<i64: 128, 128>}, {pipeline_mode = #tpu.pipeline_mode<synchronous>, transform_indices = @transform_5, window_bounds = array<i64: 1, 128>}, {transform_indices = @transform_6, window_bounds = array<i64: 2000, 128>}]} {
    %get3A = arith.constant 0 : index
    %get3A_0 = arith.constant 0 : index
    %get3A_1 = vector.load %arg3[%get3A, %get3A_0] : memref<2000x1xf32, #tpu.memory_space<vmem>>, vector<2000x1xf32>
    %get3A_2 = arith.constant 0 : index
    %get3A_3 = arith.constant 0 : index
    %get3A_4 = vector.load %arg4[%get3A_2, %get3A_3] : memref<2000x1xf32, #tpu.memory_space<vmem>>, vector<2000x1xf32>
    %add3A = arith.addf %get3A_1, %get3A_4 : vector<2000x1xf32>
    %max3A = arith.constant 1.000000e+00 : f32
    %max3A_5 = vector.broadcast %max3A : f32 to vector<2000x1xf32>
    %max3A_6 = arith.maximumf %add3A, %max3A_5 : vector<2000x1xf32>
    %get3A_7 = arith.constant 0 : index
    %get3A_8 = arith.constant 0 : index
    %get3A_9 = arith.constant 0 : index
    %get3A_10 = vector.load %arg2[%get3A_7, %get3A_8, %get3A_9] : memref<2x2000x128xf32, #tpu.memory_space<vmem>>, vector<1x2000x128xf32>
    %get3A_11 = vector.shape_cast %get3A_10 : vector<1x2000x128xf32> to vector<2000x128xf32>
    %get3A_12 = arith.constant 1 : index
    %get3A_13 = arith.constant 0 : index
    %get3A_14 = arith.constant 0 : index
    %get3A_15 = vector.load %arg2[%get3A_12, %get3A_13, %get3A_14] : memref<2x2000x128xf32, #tpu.memory_space<vmem>>, vector<1x2000x128xf32>
    %get3A_16 = vector.shape_cast %get3A_15 : vector<1x2000x128xf32> to vector<2000x128xf32>
    %add3A_17 = arith.addf %get3A_11, %get3A_16 : vector<2000x128xf32>
    %div3A = vector.broadcast %max3A_6 : vector<2000x1xf32> to vector<2000x128xf32>
    %div3A_18 = arith.divf %add3A_17, %div3A : vector<2000x128xf32>
    %get3A_19 = arith.constant 0 : index
    %get3A_20 = arith.constant 0 : index
    %get3A_21 = vector.load %arg1[%get3A_19, %get3A_20] : memref<2000x128xf32, #tpu.memory_space<vmem>>, vector<2000x128xf32>
    %add3A_22 = arith.addf %get3A_21, %div3A_18 : vector<2000x128xf32>
    %get3A_23 = arith.constant 0 : index
    %get3A_24 = arith.constant 0 : index
    %get3A_25 = vector.load %arg5[%get3A_23, %get3A_24] : memref<128x128xf32, #tpu.memory_space<vmem>>, vector<128x128xf32>
    %dot_general3A = arith.constant dense<0.000000e+00> : vector<2000x128xf32>
    %dot_general3A_26 = tpu.matmul %add3A_22, %get3A_25, %dot_general3A {dimension_numbers = #tpu.dot_dimension_numbers<[1], [0], [0], [1], [0, 0, 1, 1], [], []>, transpose_lhs_hint = false} : vector<2000x128xf32>, vector<128x128xf32>, vector<2000x128xf32> -> vector<2000x128xf32>
    %get3A_27 = arith.constant 0 : index
    %get3A_28 = arith.constant 0 : index
    %get3A_29 = vector.load %arg6[%get3A_27, %get3A_28] : memref<1x128xf32, #tpu.memory_space<vmem>>, vector<1x128xf32>
    %add3A_30 = vector.broadcast %get3A_29 : vector<1x128xf32> to vector<2000x128xf32>
    %add3A_31 = arith.addf %dot_general3A_26, %add3A_30 : vector<2000x128xf32>
    %max3A_32 = arith.constant 0.000000e+00 : f32
    %max3A_33 = vector.broadcast %max3A_32 : f32 to vector<2000x128xf32>
    %max3A_34 = arith.maximumf %add3A_31, %max3A_33 : vector<2000x128xf32>
    %swap3A = arith.constant 0 : index
    %swap3A_35 = arith.constant 0 : index
    %swap3A_36 = vector.load %arg7[%swap3A, %swap3A_35] : memref<2000x128xf32, #tpu.memory_space<vmem>>, vector<2000x128xf32>
    tpu.vector_store %arg7[%swap3A, %swap3A_35], %max3A_34 {strides = array<i32>} : memref<2000x128xf32, #tpu.memory_space<vmem>>, vector<2000x128xf32>,
    return
  }
  func.func @transform_0(%arg0: i32) -> (i32, i32) {
    %c0_i32 = arith.constant 0 : i32
    %c0_i32_0 = arith.constant 0 : i32
    return %arg0, %c0_i32 : i32, i32
  }
  func.func @transform_1(%arg0: i32) -> (i32, i32, i32) {
    %c0_i32 = arith.constant 0 : i32
    %c0_i32_0 = arith.constant 0 : i32
    %c0_i32_1 = arith.constant 0 : i32
    return %c0_i32, %arg0, %c0_i32_0 : i32, i32, i32
  }
  func.func @transform_2(%arg0: i32) -> (i32, i32) {
    %c0_i32 = arith.constant 0 : i32
    %c0_i32_0 = arith.constant 0 : i32
    return %arg0, %c0_i32 : i32, i32
  }
  func.func @transform_3(%arg0: i32) -> (i32, i32) {
    %c0_i32 = arith.constant 0 : i32
    %c0_i32_0 = arith.constant 0 : i32
    return %arg0, %c0_i32 : i32, i32
  }
  func.func @transform_4(%arg0: i32) -> (i32, i32) {
    %c0_i32 = arith.constant 0 : i32
    %c0_i32_0 = arith.constant 0 : i32
    %c0_i32_1 = arith.constant 0 : i32
    return %c0_i32, %c0_i32_0 : i32, i32
  }
  func.func @transform_5(%arg0: i32) -> (i32, i32) {
    %c0_i32 = arith.constant 0 : i32
    %c0_i32_0 = arith.constant 0 : i32
    %c0_i32_1 = arith.constant 0 : i32
    return %c0_i32, %c0_i32_0 : i32, i32
  }
  func.func @transform_6(%arg0: i32) -> (i32, i32) {
    %c0_i32 = arith.constant 0 : i32
    %c0_i32_0 = arith.constant 0 : i32
    return %arg0, %c0_i32 : i32, i32
  }
}

module attributes {stable_mosaic.version = 14 : i64} {
  func.func @_tc2_body(%arg0: i32, %arg1: memref<2000x128xf32, #tpu.memory_space<vmem>>, %arg2: memref<2x2000x128xf32, #tpu.memory_space<vmem>>, %arg3: memref<2000x1xf32, #tpu.memory_space<vmem>>, %arg4: memref<2000x1xf32, #tpu.memory_space<vmem>>, %arg5: memref<128x128xf32, #tpu.memory_space<vmem>>, %arg6: memref<1x128xf32, #tpu.memory_space<vmem>>, %arg7: memref<128x128xf32, #tpu.memory_space<vmem>>, %arg8: memref<1x128xf32, #tpu.memory_space<vmem>>, %arg9: memref<128x128xf32, #tpu.memory_space<vmem>>, %arg10: memref<1x128xf32, #tpu.memory_space<vmem>>, %arg11: memref<1x128xf32, #tpu.memory_space<vmem>>, %arg12: memref<1x128xf32, #tpu.memory_space<vmem>>, %arg13: memref<1x128xf32, #tpu.memory_space<vmem>>) attributes {dimension_semantics = [#tpu.dimension_semantics<arbitrary>], iteration_bounds = array<i64: 5>, scalar_prefetch = 0 : i64, scratch_operands = 1 : i64, tpu.core_type = #tpu.core_type<tc>, window_params = [{transform_indices = @transform_0, window_bounds = array<i64: 2000, 128>}, {transform_indices = @transform_1, window_bounds = array<i64: 2, 2000, 128>}, {transform_indices = @transform_2, window_bounds = array<i64: 2000, 1>}, {transform_indices = @transform_3, window_bounds = array<i64: 2000, 1>}, {pipeline_mode = #tpu.pipeline_mode<synchronous>, transform_indices = @transform_4, window_bounds = array<i64: 128, 128>}, {pipeline_mode = #tpu.pipeline_mode<synchronous>, transform_indices = @transform_5, window_bounds = array<i64: 1, 128>}, {pipeline_mode = #tpu.pipeline_mode<synchronous>, transform_indices = @transform_6, window_bounds = array<i64: 128, 128>}, {pipeline_mode = #tpu.pipeline_mode<synchronous>, transform_indices = @transform_7, window_bounds = array<i64: 1, 128>}, {pipeline_mode = #tpu.pipeline_mode<synchronous>, transform_indices = @transform_8, window_bounds = array<i64: 128, 128>}, {pipeline_mode = #tpu.pipeline_mode<synchronous>, transform_indices = @transform_9, window_bounds = array<i64: 1, 128>}, {pipeline_mode = #tpu.pipeline_mode<synchronous>, transform_indices = @transform_10, window_bounds = array<i64: 1, 128>}, {pipeline_mode = #tpu.pipeline_mode<synchronous>, transform_indices = @transform_11, window_bounds = array<i64: 1, 128>}]} {
    %eq3A = arith.constant 0 : i32
    %eq3A_0 = arith.cmpi eq, %arg0, %eq3A : i32
    %convert_element_type3A = arith.extui %eq3A_0 : i1 to i32
    %cond3A = arith.constant 0 : i32
    %cond3A_1 = arith.cmpi ne, %convert_element_type3A, %cond3A : i32
    scf.if %cond3A_1 {
      %broadcast_in_dim3A_49 = arith.constant 0.000000e+00 : f32
      %broadcast_in_dim3A_50 = vector.broadcast %broadcast_in_dim3A_49 : f32 to vector<1x128xf32>
      %swap3A_51 = arith.constant 0 : index
      %swap3A_52 = arith.constant 0 : index
      %swap3A_53 = vector.load %arg13[%swap3A_51, %swap3A_52] : memref<1x128xf32, #tpu.memory_space<vmem>>, vector<1x128xf32>
      tpu.vector_store %arg13[%swap3A_51, %swap3A_52], %broadcast_in_dim3A_50 {strides = array<i32>} : memref<1x128xf32, #tpu.memory_space<vmem>>, vector<1x128xf32>,
    } else {
    }
    %get3A = arith.constant 0 : index
    %get3A_2 = arith.constant 0 : index
    %get3A_3 = vector.load %arg3[%get3A, %get3A_2] : memref<2000x1xf32, #tpu.memory_space<vmem>>, vector<2000x1xf32>
    %get3A_4 = arith.constant 0 : index
    %get3A_5 = arith.constant 0 : index
    %get3A_6 = vector.load %arg4[%get3A_4, %get3A_5] : memref<2000x1xf32, #tpu.memory_space<vmem>>, vector<2000x1xf32>
    %add3A = arith.addf %get3A_3, %get3A_6 : vector<2000x1xf32>
    %max3A = arith.constant 1.000000e+00 : f32
    %max3A_7 = vector.broadcast %max3A : f32 to vector<2000x1xf32>
    %max3A_8 = arith.maximumf %add3A, %max3A_7 : vector<2000x1xf32>
    %get3A_9 = arith.constant 0 : index
    %get3A_10 = arith.constant 0 : index
    %get3A_11 = arith.constant 0 : index
    %get3A_12 = vector.load %arg2[%get3A_9, %get3A_10, %get3A_11] : memref<2x2000x128xf32, #tpu.memory_space<vmem>>, vector<1x2000x128xf32>
    %get3A_13 = vector.shape_cast %get3A_12 : vector<1x2000x128xf32> to vector<2000x128xf32>
    %get3A_14 = arith.constant 1 : index
    %get3A_15 = arith.constant 0 : index
    %get3A_16 = arith.constant 0 : index
    %get3A_17 = vector.load %arg2[%get3A_14, %get3A_15, %get3A_16] : memref<2x2000x128xf32, #tpu.memory_space<vmem>>, vector<1x2000x128xf32>
    %get3A_18 = vector.shape_cast %get3A_17 : vector<1x2000x128xf32> to vector<2000x128xf32>
    %add3A_19 = arith.addf %get3A_13, %get3A_18 : vector<2000x128xf32>
    %div3A = vector.broadcast %max3A_8 : vector<2000x1xf32> to vector<2000x128xf32>
    %div3A_20 = arith.divf %add3A_19, %div3A : vector<2000x128xf32>
    %get3A_21 = arith.constant 0 : index
    %get3A_22 = arith.constant 0 : index
    %get3A_23 = vector.load %arg1[%get3A_21, %get3A_22] : memref<2000x128xf32, #tpu.memory_space<vmem>>, vector<2000x128xf32>
    %add3A_24 = arith.addf %get3A_23, %div3A_20 : vector<2000x128xf32>
    %get3A_25 = arith.constant 0 : index
    %get3A_26 = arith.constant 0 : index
    %get3A_27 = vector.load %arg5[%get3A_25, %get3A_26] : memref<128x128xf32, #tpu.memory_space<vmem>>, vector<128x128xf32>
    %dot_general3A = arith.constant dense<0.000000e+00> : vector<2000x128xf32>
    %dot_general3A_28 = tpu.matmul %add3A_24, %get3A_27, %dot_general3A {dimension_numbers = #tpu.dot_dimension_numbers<[1], [0], [0], [1], [0, 0, 1, 1], [], []>, transpose_lhs_hint = false} : vector<2000x128xf32>, vector<128x128xf32>, vector<2000x128xf32> -> vector<2000x128xf32>
    %get3A_29 = arith.constant 0 : index
    %get3A_30 = arith.constant 0 : index
    %get3A_31 = vector.load %arg6[%get3A_29, %get3A_30] : memref<1x128xf32, #tpu.memory_space<vmem>>, vector<1x128xf32>
    %add3A_32 = vector.broadcast %get3A_31 : vector<1x128xf32> to vector<2000x128xf32>
    %add3A_33 = arith.addf %dot_general3A_28, %add3A_32 : vector<2000x128xf32>
    %max3A_34 = arith.constant 0.000000e+00 : f32
    %max3A_35 = vector.broadcast %max3A_34 : f32 to vector<2000x128xf32>
    %max3A_36 = arith.maximumf %add3A_33, %max3A_35 : vector<2000x128xf32>
    %get3A_37 = arith.constant 0 : index
    %get3A_38 = arith.constant 0 : index
    %get3A_39 = vector.load %arg13[%get3A_37, %get3A_38] : memref<1x128xf32, #tpu.memory_space<vmem>>, vector<1x128xf32>
    %reduce_sum3A = arith.constant dense<0.000000e+00> : vector<128xf32>
    %reduce_sum3A_40 = vector.multi_reduction <add>, %max3A_36, %reduce_sum3A [0] : vector<2000x128xf32> to vector<128xf32>
    %broadcast_in_dim3A = vector.shape_cast %reduce_sum3A_40 : vector<128xf32> to vector<1x128xf32>
    %add3A_41 = arith.addf %get3A_39, %broadcast_in_dim3A : vector<1x128xf32>
    %swap3A = arith.constant 0 : index
    %swap3A_42 = arith.constant 0 : index
    %swap3A_43 = vector.load %arg13[%swap3A, %swap3A_42] : memref<1x128xf32, #tpu.memory_space<vmem>>, vector<1x128xf32>
    tpu.vector_store %arg13[%swap3A, %swap3A_42], %add3A_41 {strides = array<i32>} : memref<1x128xf32, #tpu.memory_space<vmem>>, vector<1x128xf32>,
    %eq3A_44 = arith.constant 4 : i32
    %eq3A_45 = arith.cmpi eq, %arg0, %eq3A_44 : i32
    %convert_element_type3A_46 = arith.extui %eq3A_45 : i1 to i32
    %cond3A_47 = arith.constant 0 : i32
    %cond3A_48 = arith.cmpi ne, %convert_element_type3A_46, %cond3A_47 : i32
    scf.if %cond3A_48 {
      %get3A_49 = arith.constant 0 : index
      %get3A_50 = arith.constant 0 : index
      %get3A_51 = vector.load %arg13[%get3A_49, %get3A_50] : memref<1x128xf32, #tpu.memory_space<vmem>>, vector<1x128xf32>
      %mul3A = arith.constant 9.99999974E-5 : f32
      %mul3A_52 = vector.broadcast %mul3A : f32 to vector<1x128xf32>
      %mul3A_53 = arith.mulf %get3A_51, %mul3A_52 : vector<1x128xf32>
      %swap3A_54 = arith.constant 0 : index
      %swap3A_55 = arith.constant 0 : index
      %swap3A_56 = vector.load %arg11[%swap3A_54, %swap3A_55] : memref<1x128xf32, #tpu.memory_space<vmem>>, vector<1x128xf32>
      tpu.vector_store %arg11[%swap3A_54, %swap3A_55], %mul3A_53 {strides = array<i32>} : memref<1x128xf32, #tpu.memory_space<vmem>>, vector<1x128xf32>,
      %get3A_57 = arith.constant 0 : index
      %get3A_58 = arith.constant 0 : index
      %get3A_59 = vector.load %arg7[%get3A_57, %get3A_58] : memref<128x128xf32, #tpu.memory_space<vmem>>, vector<128x128xf32>
      %dot_general3A_60 = arith.constant dense<0.000000e+00> : vector<1x128xf32>
      %dot_general3A_61 = tpu.matmul %mul3A_53, %get3A_59, %dot_general3A_60 {dimension_numbers = #tpu.dot_dimension_numbers<[1], [0], [0], [1], [0, 0, 1, 1], [], []>, transpose_lhs_hint = false} : vector<1x128xf32>, vector<128x128xf32>, vector<1x128xf32> -> vector<1x128xf32>
      %get3A_62 = arith.constant 0 : index
      %get3A_63 = arith.constant 0 : index
      %get3A_64 = vector.load %arg8[%get3A_62, %get3A_63] : memref<1x128xf32, #tpu.memory_space<vmem>>, vector<1x128xf32>
      %add3A_65 = arith.addf %dot_general3A_61, %get3A_64 : vector<1x128xf32>
      %max3A_66 = arith.constant 0.000000e+00 : f32
      %max3A_67 = vector.broadcast %max3A_66 : f32 to vector<1x128xf32>
      %max3A_68 = arith.maximumf %add3A_65, %max3A_67 : vector<1x128xf32>
      %get3A_69 = arith.constant 0 : index
      %get3A_70 = arith.constant 0 : index
      %get3A_71 = vector.load %arg9[%get3A_69, %get3A_70] : memref<128x128xf32, #tpu.memory_space<vmem>>, vector<128x128xf32>
      %dot_general3A_72 = arith.constant dense<0.000000e+00> : vector<1x128xf32>
      %dot_general3A_73 = tpu.matmul %max3A_68, %get3A_71, %dot_general3A_72 {dimension_numbers = #tpu.dot_dimension_numbers<[1], [0], [0], [1], [0, 0, 1, 1], [], []>, transpose_lhs_hint = false} : vector<1x128xf32>, vector<128x128xf32>, vector<1x128xf32> -> vector<1x128xf32>
      %get3A_74 = arith.constant 0 : index
      %get3A_75 = arith.constant 0 : index
      %get3A_76 = vector.load %arg10[%get3A_74, %get3A_75] : memref<1x128xf32, #tpu.memory_space<vmem>>, vector<1x128xf32>
      %add3A_77 = arith.addf %dot_general3A_73, %get3A_76 : vector<1x128xf32>
      %swap3A_78 = arith.constant 0 : index
      %swap3A_79 = arith.constant 0 : index
      %swap3A_80 = vector.load %arg12[%swap3A_78, %swap3A_79] : memref<1x128xf32, #tpu.memory_space<vmem>>, vector<1x128xf32>
      tpu.vector_store %arg12[%swap3A_78, %swap3A_79], %add3A_77 {strides = array<i32>} : memref<1x128xf32, #tpu.memory_space<vmem>>, vector<1x128xf32>,
    } else {
    }
    return
  }
  func.func @transform_0(%arg0: i32) -> (i32, i32) {
    %c0_i32 = arith.constant 0 : i32
    %c0_i32_0 = arith.constant 0 : i32
    return %arg0, %c0_i32 : i32, i32
  }
  func.func @transform_1(%arg0: i32) -> (i32, i32, i32) {
    %c0_i32 = arith.constant 0 : i32
    %c0_i32_0 = arith.constant 0 : i32
    %c0_i32_1 = arith.constant 0 : i32
    return %c0_i32, %arg0, %c0_i32_0 : i32, i32, i32
  }
  func.func @transform_2(%arg0: i32) -> (i32, i32) {
    %c0_i32 = arith.constant 0 : i32
    %c0_i32_0 = arith.constant 0 : i32
    return %arg0, %c0_i32 : i32, i32
  }
  func.func @transform_3(%arg0: i32) -> (i32, i32) {
    %c0_i32 = arith.constant 0 : i32
    %c0_i32_0 = arith.constant 0 : i32
    return %arg0, %c0_i32 : i32, i32
  }
  func.func @transform_4(%arg0: i32) -> (i32, i32) {
    %c0_i32 = arith.constant 0 : i32
    %c0_i32_0 = arith.constant 0 : i32
    %c0_i32_1 = arith.constant 0 : i32
    return %c0_i32, %c0_i32_0 : i32, i32
  }
  func.func @transform_5(%arg0: i32) -> (i32, i32) {
    %c0_i32 = arith.constant 0 : i32
    %c0_i32_0 = arith.constant 0 : i32
    %c0_i32_1 = arith.constant 0 : i32
    return %c0_i32, %c0_i32_0 : i32, i32
  }
  func.func @transform_6(%arg0: i32) -> (i32, i32) {
    %c0_i32 = arith.constant 0 : i32
    %c0_i32_0 = arith.constant 0 : i32
    %c0_i32_1 = arith.constant 0 : i32
    return %c0_i32, %c0_i32_0 : i32, i32
  }
  func.func @transform_7(%arg0: i32) -> (i32, i32) {
    %c0_i32 = arith.constant 0 : i32
    %c0_i32_0 = arith.constant 0 : i32
    %c0_i32_1 = arith.constant 0 : i32
    return %c0_i32, %c0_i32_0 : i32, i32
  }
  func.func @transform_8(%arg0: i32) -> (i32, i32) {
    %c0_i32 = arith.constant 0 : i32
    %c0_i32_0 = arith.constant 0 : i32
    %c0_i32_1 = arith.constant 0 : i32
    return %c0_i32, %c0_i32_0 : i32, i32
  }
  func.func @transform_9(%arg0: i32) -> (i32, i32) {
    %c0_i32 = arith.constant 0 : i32
    %c0_i32_0 = arith.constant 0 : i32
    %c0_i32_1 = arith.constant 0 : i32
    return %c0_i32, %c0_i32_0 : i32, i32
  }
  func.func @transform_10(%arg0: i32) -> (i32, i32) {
    %c0_i32 = arith.constant 0 : i32
    %c0_i32_0 = arith.constant 0 : i32
    %c0_i32_1 = arith.constant 0 : i32
    return %c0_i32, %c0_i32_0 : i32, i32
  }
  func.func @transform_11(%arg0: i32) -> (i32, i32) {
    %c0_i32 = arith.constant 0 : i32
    %c0_i32_0 = arith.constant 0 : i32
    %c0_i32_1 = arith.constant 0 : i32
    return %c0_i32, %c0_i32_0 : i32, i32
  }
}

</mosaic_0001>

<sc_bundles>
// kernel: kernel.6.cloned.1.call-start
scs
__scs_entry_jumppad:
0x0: {  	(pc) =	sbr.rel $0x88, $3  }
0x1: {  	(tag) =	ssettag $0x0;
	lr =	simm.s32 $0x1  }
0x2: {  	[smem:$0x3F97] =	sst lr;
	_ =	strace $0xD0000000  }
0x3: {  	_ = 	snop  }
0x4: {  	_ = 	snop  }
0x5: {  	_ = 	snop  }
0x6: {  	_ = 	snop  }
0x7: {  	_ = 	snop  }
__scs_overlays_trampoline_lowered:
0x8: {  	[smem:$0x3FA6] =	sst s0  }
0x9: {  	[smem:$0x3FA7] =	sst s1  }
0xa: {  	[smem:$0x3FA8] =	sst s2  }
0xb: {  	[smem:$0x3FA9] =	sst s3  }
0xc: {  	[smem:$0x3FAA] =	sst s4  }
0xd: {  	[smem:$0x3FAB] =	sst s5  }
0xe: {  	[smem:$0x3FAC] =	sst s6  }
0xf: {  	[smem:$0x3FAD] =	sst s7  }
0x10: {  	[smem:$0x3FAE] =	sst s8  }
0x11: {  	[smem:$0x3FAF] =	sst s9;
	s0 =	simm.s32 @!p0 $0x0  }
0x12: {  	s1 =	sld [smem:$0x3F95];
	s0 =	simm.s32 @p0 $0x1  }
0x13: {  	[smem:$0x3FB0] =	sst s0;
	s0 =	simm.s32 @!p1 $0x0  }
0x14: {  	s2 =	sld [smem:$0x3F94];
	s0 =	simm.s32 @p1 $0x1  }
0x15: {  	[smem:$0x3FB1] =	sst s0;
	s0 =	simm.s32 @!p2 $0x0  }
0x16: {  	s3 =	sld [smem:$0x3FDB];
	s0 =	simm.s32 @p2 $0x1  }
0x17: {  	s4 =	simm.s32 $0x1BF5;
	[smem:$0x3FB3] =	sst s0  }
0x18: {  	s0 =	sld [smem:$0x3F96];
	_ =	swait.ge [sflag:s4], $0x0  }
0x19: {  	s7 =	sld [smem:$0x3F97]  }
0x1a: {  	s8 =	sadd.s32 $0xFFFFE003, lr  }
0x1b: {  	s9 =	sadd.s32 $0xFFFFFEF7, lr;
	s5 =	simm.s32 $0xFFFFFFFF;
	p2 =	slt.u32 s8, $0xFFFFF086  }
0x1c: {  	p1 =	slt.u32 s9, $0xF7A;
	s5 =	simm.s32 @!p2 $0x0  }
0x1d: {  	s5 =	simm.s32 @p1 $0x1;
	p0 =	seq.s32 s7, s2  }
0x1e: {  	s7 =	smul.u32 @!p0 $0xF7A, s2;
	p2 =	seq.s32 @!p0 s5, $0x0  }
0x1f: {  	s9 =	smul.u32 $0xF7A, s1;
	s8 =	simm.s32 @!p0 $0x1BF5;
	p2 =	por !p2, p0  }
0x20: {  	[sflag:s8] =	ssyncset.s32 @!p0 $0xFFFFF086;
	s6 =	sadd.s32 @!p0 s3, s7;
	s7 =	simm.s32 @!p0 $0x108  }
0x21: {  	s3 =	sadd.s32 s3, s9;
	s6 =	sadd.s32 @!p0 $0x88, s6;
	s7 =	simm.s32 @p2 $0x1082  }
0x22: {  	[simem:s7], [sflag:s8] =	dma.local @!p0 [hbm:s6], $0xF7A  }
0x23: {  	s9 =	sor.u32 $0xD0000000, s2;
	s6 =	simm.s32 $0x108;
	_ =	swait.ge @!p0 [sflag:s8], $0x0  }
0x24: {  	s3 =	sadd.s32 $0x88, s3;
	s6 =	simm.s32 @!p1 $0x1082;
	[sflag:s4] =	ssyncset.s32 $0xFFFFF086  }
0x25: {  	[simem:s6], [sflag:s4] =	dma.local [hbm:s3], $0xF7A  }
0x26: {  	[smem:$0x3F97] =	sst s1;
	(tag) =	ssettag s2;
	_ =	strace s9  }
0x27: {  	s1 =	sld [smem:$0x3FA7]  }
0x28: {  	s2 =	sld [smem:$0x3FA8]  }
0x29: {  	s4 =	sld [smem:$0x3FAA]  }
0x2a: {  	p0 =	seq.s32 s5, $0x0;
	s5 =	sld [smem:$0x3FAB]  }
0x2b: {  	s6 =	sld [smem:$0x3FAC]  }
0x2c: {  	s7 =	sld [smem:$0x3FAD]  }
0x2d: {  	s3 =	simm.s32 $0x108;
	s8 =	sld [smem:$0x3FAE]  }
0x2e: {  	s3 =	simm.s32 @!p0 $0x1082;
	s9 =	sld [smem:$0x3FAF]  }
0x2f: {  	lr =	sadd.s32 s0, s3;
	s0 =	sld [smem:$0x3FA6]  }
0x30: {  	s3 =	sld [smem:$0x3FA9]  }
0x31: {  	[smem:$0x3FB2] =	sst s10  }
0x32: {  	s10 =	sld [smem:$0x3FB0];
	_ =	sdelay $0x3  }
0x33: {  	p0 =	seq.s32 s10, $0x1;
	s10 =	sld [smem:$0x3FB2];
	_ =	sdelay $0x3  }
0x34: {  	[smem:$0x3FB2] =	sst s10  }
0x35: {  	s10 =	sld [smem:$0x3FB1];
	_ =	sdelay $0x3  }
0x36: {  	p1 =	seq.s32 s10, $0x1;
	s10 =	sld [smem:$0x3FB2];
	_ =	sdelay $0x3  }
0x37: {  	[smem:$0x3FB2] =	sst s10  }
0x38: {  	s10 =	sld [smem:$0x3FB3]  }
0x39: {  	_ = 	snop;
	(pc) =	sbr.ind lr, $3  }
0x3a: {  	_ = 	snop  }
0x3b: {  	_ = 	snop  }
0x3c: {  	p2 =	seq.s32 s10, $0x1;
	s10 =	sld [smem:$0x3FB2]  }
0x3d: {  	_ =	shalt  }
0x3e: {  	_ =	shalt  }
0x3f: {  	_ =	shalt  }
0x40: {  	_ =	shalt  }
0x41: {  	_ =	shalt  }
0x42: {  	_ =	shalt  }
0x43: {  	_ =	shalt  }
0x44: {  	_ =	shalt  }
0x45: {  	_ =	shalt  }
0x46: {  	_ =	shalt  }
0x47: {  	_ =	shalt  }
0x48: {  	_ =	shalt  }
0x49: {  	_ =	shalt  }
0x4a: {  	_ =	shalt  }
0x4b: {  	_ =	shalt  }
0x4c: {  	_ =	shalt  }
0x4d: {  	_ =	shalt  }
0x4e: {  	_ =	shalt  }
0x4f: {  	_ =	shalt  }
0x50: {  	_ =	shalt  }
0x51: {  	_ =	shalt  }
0x52: {  	_ =	shalt  }
0x53: {  	_ =	shalt  }
0x54: {  	_ =	shalt  }
0x55: {  	_ =	shalt  }
0x56: {  	_ =	shalt  }
0x57: {  	_ =	shalt  }
0x58: {  	_ =	shalt  }
0x59: {  	_ =	shalt  }
0x5a: {  	_ =	shalt  }
0x5b: {  	_ =	shalt  }
0x5c: {  	_ =	shalt  }
0x5d: {  	_ =	shalt  }
0x5e: {  	_ =	shalt  }
0x5f: {  	_ =	shalt  }
0x60: {  	_ =	shalt  }
0x61: {  	_ =	shalt  }
0x62: {  	_ =	shalt  }
0x63: {  	_ =	shalt  }
0x64: {  	_ =	shalt  }
0x65: {  	_ =	shalt  }
0x66: {  	_ =	shalt  }
0x67: {  	_ =	shalt  }
0x68: {  	_ =	shalt  }
0x69: {  	_ =	shalt  }
0x6a: {  	_ =	shalt  }
0x6b: {  	_ =	shalt  }
0x6c: {  	_ =	shalt  }
0x6d: {  	_ =	shalt  }
0x6e: {  	_ =	shalt  }
0x6f: {  	_ =	shalt  }
0x70: {  	_ =	shalt  }
0x71: {  	_ =	shalt  }
0x72: {  	_ =	shalt  }
0x73: {  	_ =	shalt  }
0x74: {  	_ =	shalt  }
0x75: {  	_ =	shalt  }
0x76: {  	_ =	shalt  }
0x77: {  	_ =	shalt  }
0x78: {  	_ =	shalt  }
0x79: {  	_ =	shalt  }
0x7a: {  	_ =	shalt  }
0x7b: {  	_ =	shalt  }
0x7c: {  	_ =	shalt  }
0x7d: {  	_ =	shalt  }
0x7e: {  	_ =	shalt  }
0x7f: {  	_ =	shalt  }
0x80: {  	_ =	shalt  }
0x81: {  	_ =	shalt  }
0x82: {  	_ =	shalt  }
0x83: {  	_ =	shalt  }
0x84: {  	_ =	shalt  }
0x85: {  	_ =	shalt  }
0x86: {  	_ =	shalt  }
0x87: {  	_ =	shalt  }
.Lfunc_end0:
.L_simem_size_0:
called_computation_lowered:
.L_overlay_start_0:
0x88: {  	s2 =	sld [smem:$0x3FD9]  }
0x89: {  	s3 =	sld [smem:$0x3FFE];
	_ =	sdelay $0x1  }
0x8a: {  	s1 =	srdreg.scid  }
0x8b: {  	s0 =	sand.u32 $0x1, s1  }
0x8c: {  	s17 =	sshll.u32 s0, $0xA;
	s2 =	sadd.s32 s3, s2  }
0x8d: {  	s2 =	sadd.s32 s2, s17  }
0x8e: {  	[smem:$0x3FBE] =	sst s2  }
0x8f: {  	_ = 	snop  }
0x90: {  	s2 =	sld [smem:$0x3FC9];
	(tm) =	ssettm $0x1  }
0x91: {  	s18 =	sld [smem:$0x3FFB];
	_ =	sdelay $0x3  }
0x92: {  	_ =	strace s18  }
0x93: {  	s3 =	sld [smem:$0x3FFC];
	_ =	sdelay $0x3  }
0x94: {  	_ =	strace s3  }
0x95: {  	s3 =	sld [smem:$0x3FFD];
	_ =	sdelay $0x3  }
0x96: {  	_ =	strace s3  }
0x97: {  	_ =	strace $0x8FFFFFFF  }
0x98: {  	s19 =	sld [smem:$0x3FDB];
	_ =	sdelay $0x1  }
0x99: {  	s4 =	simm.s32 $_scs_section_size  }
0x9a: {  	s5 =	simm.s32 $_size__tile_overlayer_lowered;
	s6 =	simm.s32 $_tile_overlayer_lowered  }
0x9b: {  	s22 =	simm.s32 $0x1BFF;
	s21 =	sshll.u32 s6, $0x1;
	s3 =	sadd.s32 s4, s19  }
0x9c: {  	s7 =	simm.s32 $0x0;
	s20 =	sshll.u32 s5, $0x1;
	s5 =	sadd.s32 s21, s3  }
0x9d: {  	[timem:s7], [sflag:s22] =	dma.local [hbm:s5], s20  }
0x9e: {  	_ =	swait.ge [sflag:s22], s20  }
0x9f: {  	s4 =	ssub.s32 $0x0, s20;
	[sflag:s22] =	ssyncset.done $0x0  }
0xa0: {  	[sflag:s22] =	ssyncadd.s32 s4;
	_ =	sdelay $0x1  }
0xa1: {  	s23 =	simm.s32 $0x1B8B  }
0xa2: {  	_ =	swait.ge [sflag:s23], $0x1  }
0xa3: {  	[sflag:s23] =	ssyncset.done $0x0  }
0xa4: {  	s25 =	simm.s32 $0x1B8E;
	s24 =	sld [smem:$0x3FFE];
	[sflag:s23] =	ssyncadd.s32 $0xFFFFFFFF  }
0xa5: {  	s26 =	simm.s32 $execute0_lowered;
	[smem:$0x3FD2] =	sst s25  }
0xa6: {  	s5 =	sshll.u32 s26, $0x1;
	_ =	strace $0x80000046;
	[dreg:$0x1] =	wrdreg $0xFFFFFFFF  }
0xa7: {  	s28 =	simm.s32 $_size_execute0_lowered;
	s3 =	sadd.s32 s3, s5;
	[dreg:$0x0] =	wrdreg $0x0  }
0xa8: {  	s5 =	sshll.u32 s28, $0x1;
	[dreg:$0x2] =	wrdreg s3  }
0xa9: {  	[dreg:$0x3] =	wrdreg s5  }
0xaa: {  	[dreg:$0x4] =	wrdreg $0xC0  }
0xab: {  	_ =	task [dreg:s7], $0x5FFFF  }
0xac: {  	[dreg:$0x1] =	wrdreg $0xFFFFFFFF  }
0xad: {  	[dreg:$0x0] =	wrdreg $0x60  }
0xae: {  	[dreg:$0x2] =	wrdreg s2  }
0xaf: {  	[dreg:$0x3] =	wrdreg s24  }
0xb0: {  	[dreg:$0x4] =	wrdreg $0x0  }
0xb1: {  	[dreg:$0x5] =	wrdreg $0x1E0800  }
0xb2: {  	[dreg:$0x6] =	wrdreg $0x9  }
0xb3: {  	_ =	task.clear_ibuf [dreg:s7], $0x7FFFF;
	_ =	strace $0x90000046  }
0xb4: {  	s29 =	simm.s32 $0x9;
	_ =	strace $0x80000048  }
0xb5: {  	_ =	swait.ge [sflag:s29], $0x1  }
0xb6: {  	[sflag:s29] =	ssyncadd.s32 $0xFFFFFFFF  }
0xb7: {  	_ =	strace $0x90000048  }
0xb8: {  	_ =	sfence  }
0xb9: {  	s30 =	sld [smem:$0x0];
	_ =	sdelay $0x2  }
0xba: {  	s31 =	sshll.u32 s1, $0xD;
	s1 =	sshrl.u32 s1, $0x2  }
0xbb: {  	s3 =	sand.u32 $0x4000, s31;
	s1 =	sadd.s32 s1, s30  }
0xbc: {  	s0 =	sor.u32 s3, s0;
	s1 =	sshll.u32 s1, $0x11  }
0xbd: {  	s0 =	sor.u32 s1, s0  }
0xbe: {  	s0 =	sadd.s32 $0x8F2B, s0  }
0xbf: {  	[sflag:s0] =	ssyncadd.remote.s32 $0x1  }
0xc0: {  	_ =	sfence.sel $0xFFFF  }
0xc1: {  	[dreg:$0x0] =	wrdreg $0xFFFFFFFF;
	(pc) =	sbr.abs _section_cstart, $3  }
0xc2: {  	[dreg:$0x1] =	wrdreg $0xFFFFFFFF  }
0xc3: {  	_ =	task.clear_ibuf [dreg:s7], $0x2FFFF;
	_ =	strace $0x9FFFFFFF  }
0xc4: {  	(tm) =	ssettm $0x7FFFFFFF  }
0xc5: {  	_ =	shalt  }
tec
execute0_lowered:
.L_overlay_start_1:
0x0: {  	(tag) =	ssettag $0x1  }
0x1: {  	s1 =	rddreg [dreg:$0x0]  }
0x2: {  	s2 =	rddreg [dreg:$0x1]  }
0x3: {  	s0 =	srdreg.scid;
	s3 =	rddreg [dreg:$0x2]  }
0x4: {  	s16 =	stileid.u32;
	s4 =	rddreg [dreg:$0x3];
	s28 =	simm.s32 $0x6  }
0x5: {  	s29 =	simm.s32 $0x14C80;
	s30 =	simm.s32 $0x7D;
	s11 =	smul.u32 $0x4E000, s16  }
0x6: {  	s31 =	simm.s32 $0x16080;
	s0 =	sand.u32 $0x1, s0;
	s13 =	smul.u32 $0x13800, s16  }
0x7: {  	s8 =	sadd.s32 $0x16A00, s2;
	s9 =	sadd.s32 $0x3E600, s2;
	s20 =	smul.u32 $0x270, s16  }
0x8: {  	p0 =	seq.s32 s16, $0x0;
	p1 =	sne.s32 s16, $0xF;
	s6 =	sshll.u32 s0, $0x4  }
0x9: {  	s10 =	ssub.s32 $0x2, s0;
	s0 =	smul.u32 $0x138800, s0;
	p2 =	sne.s32 @!p0 s16, $0xF  }
0xa: {  	s5 =	sor.u32 s16, s6;
	s6 =	sadd.s32 s6, s2;
	s12 =	sshrl.u32 s10, $0x1  }
0xb: {  	s11 =	sshrl.u32 s11, $0x2;
	s21 =	sshrl.u32 s13, $0x3;
	s23 =	sadd.s32 $0xD0, s20  }
0xc: {  	s24 =	sadd.s32 $0x1A0, s20;
	p2 =	por p2, p0;
	s16 =	simm.s32 $0x15F80  }
0xd: {  	s7 =	smul.u32 $0x2800, s5;
	s5 =	simm.s32 $0x0;
	s10 =	ssub.s32 s10, s12  }
0xe: {  	s11 =	sadd.s32 s11, s3;
	s22 =	sadd.s32 s8, s21;
	[smem:$0x7FF] =	sst s5  }
0xf: {  	s15 =	sshll.u32 s23, $0x7;
	_ =	strace $0x80000047;
	[dreg:$0x7] =	wrdreg s11  }
0x10: {  	s25 =	sshll.u32 s24, $0x7;
	s17 =	sadd.s32 s15, s3;
	[dreg:$0x8] =	wrdreg s22  }
0x11: {  	s12 =	sadd.s32 s20, s4;
	s26 =	sadd.s32 s25, s3;
	[dreg:$0x9] =	wrdreg s17  }
0x12: {  	s18 =	sadd.s32 s13, s0;
	s13 =	simm.s32 $0x4;
	[dreg:$0xb] =	wrdreg s26  }
0x13: {  	s7 =	sshrl.u32 s7, $0x3;
	s11 =	sshll.u32 s23, $0x4;
	[dreg:$0xe] =	wrdreg s12  }
0x14: {  	s17 =	sadd.s32 $0x2700, s4;
	s26 =	smax.u32 s10, $0x1;
	s10 =	simm.s32 $0x13980  }
0x15: {  	s12 =	simm.s32 $0x5;
	s7 =	sadd.s32 s7, s2;
	[dreg:$0xf] =	wrdreg s17  }
0x16: {  	s11 =	sadd.s32 s8, s11;
	s2 =	sadd.s32 $0x3DA00, s2;
	[dreg:$0x17] =	wrdreg s26  }
0x17: {  	s26 =	simm.s32 $0x13880;
	s17 =	simm.s32 $0x16000;
	[dreg:$0xa] =	wrdreg s11  }
0x18: {  	s19 =	sadd.s32 $0x2A00, s7;
	s14 =	sadd.s32 $0xCA00, s7;
	[dreg:$0xd] =	wrdreg s2  }
0x19: {  	s2 =	sshrl.u32 s18, $0x3;
	s11 =	sadd.s32 s0, s25;
	s23 =	sadd.s32 $0x2C80, s7  }
0x1a: {  	s25 =	sadd.s32 $0x3DC00, s6;
	s6 =	simm.s32 $0x1A080;
	[dreg:$0x5] =	wrdreg s19  }
0x1b: {  	s18 =	simm.s32 $0x0;
	[dreg:$0x6] =	wrdreg s14;
	s14 =	sshll.u32 s24, $0x4  }
0x1c: {  	s19 =	sadd.s32 s0, s15;
	s2 =	sadd.s32 s9, s2;
	s21 =	sshrl.u32 s11, $0x3  }
0x1d: {  	s0 =	sshrl.u32 s0, $0x3;
	[dreg:$0x13] =	wrdreg s23;
	s24 =	sadd.s32 $0xCC80, s7  }
0x1e: {  	[dreg:$0x15] =	wrdreg s25;
	s7 =	simm.s32 $0x1E2F8;
	s11 =	simm.s32 $0x14D00  }
0x1f: {  	s15 =	simm.s32 $0x14C00;
	s8 =	sadd.s32 s8, s14;
	[dreg:$0x10] =	wrdreg s2  }
0x20: {  	s14 =	sadd.s32 $0x138000, s3;
	s20 =	sshrl.u32 s19, $0x3;
	[dreg:$0x14] =	wrdreg s24  }
0x21: {  	s22 =	sadd.s32 s9, s21;
	s0 =	sadd.s32 s9, s0;
	[dreg:$0xc] =	wrdreg s8  }
0x22: {  	s2 =	sadd.s32 s9, s20;
	[dreg:$0x12] =	wrdreg s22;
	s0 =	sadd.s32 $0x27000, s0  }
0x23: {  	s8 =	simm.s32 $0x2;
	s9 =	simm.s32 $0x3;
	[dreg:$0x11] =	wrdreg s2  }
0x24: {  	v0 =	vimm.f32 $0.0e+00;
	v1 =	vimm.f32 $1.000000000e+00;
	[dreg:$0x16] =	wrdreg s0;
	s2 =	simm.s32 $0x1;
	s0 =	simm.s32 $0x13900  }
.LBB2_1:
0x25: {  	s19 =	rddreg [dreg:$0x5]  }
0x26: {  	[tilespmem:s26], [sflag:$0x6] =	stream.linear.gather [hbm4b:s19+s5], $0x1400, $0x38;
	[tilespmem:$0x1E5F8] =	vst v63  }
0x27: {  	_ =	swait.ge [sflag:s28], $0x1400  }
0x28: {  	[sflag:s28] =	ssyncset.done $0x0  }
0x29: {  	s22 =	stileid.u32;
	s21 =	rddreg [dreg:$0x6];
	[sflag:s28] =	ssyncadd.s32 $0xFFFFEC00  }
0x2a: {  	[tilespmem:s29], [sflag:$0x6] =	stream.linear.gather [hbm4b:s21+s5], $0x1400, $0x38;
	[tilespmem:$0x1E5F8] =	vst v63  }
0x2b: {  	s19 =	sshll.u32 s22, $0x6;
	_ =	swait.ge [sflag:s28], $0x1400  }
0x2c: {  	s19 =	sor.u32 $0x1C06, s19;
	[sflag:s28] =	ssyncset.done $0x0;
	s20 =	rddreg [dreg:$0x7]  }
0x2d: {  	s21 =	rddreg [dreg:$0x8];
	[sflag:s28] =	ssyncadd.s32 $0xFFFFEC00;
	s20 =	sshrl.u32 s20, $0x3  }
0x2e: {  	[tilespmem:s31], [sflag:$0x1] =	stream.indirect.gather [hbm4b:s1+s30], $0x80, s26, s30, $0xb8;
	[tilespmem:$0x1E5F8] =	vst v63  }
0x2f: {  	[spmem:s20], [sflag:s19] =	dma.local [hbm:s21], $0xD00  }
0x30: {  	_ =	swait.ge [sflag:s28], $0xD00  }
0x31: {  	[sflag:s28] =	ssyncset.done $0x0;
	s23 =	rddreg [dreg:$0x9]  }
0x32: {  	s22 =	rddreg [dreg:$0xa];
	[sflag:s28] =	ssyncadd.s32 $0xFFFFF300;
	s21 =	sshrl.u32 s23, $0x3  }
0x33: {  	[spmem:s21], [sflag:s19] =	dma.local [hbm:s22], $0xD00  }
0x34: {  	_ =	swait.ge [sflag:s28], $0xD00  }
0x35: {  	[sflag:s28] =	ssyncset.done $0x0;
	s24 =	rddreg [dreg:$0xb]  }
0x36: {  	s23 =	rddreg [dreg:$0xc];
	[sflag:s28] =	ssyncadd.s32 $0xFFFFF300;
	s22 =	sshrl.u32 s24, $0x3  }
0x37: {  	[spmem:s22], [sflag:s19] =	dma.local [hbm:s23], $0xD00  }
0x38: {  	_ =	swait.ge [sflag:s28], $0xD00  }
0x39: {  	[sflag:s28] =	ssyncset.done $0x0  }
0x3a: {  	s23 =	sshrl.u32 @!p1 s14, $0x3;
	s24 =	rddreg [dreg:$0xd];
	[sflag:s28] =	ssyncadd.s32 $0xFFFFF300  }
0x3b: {  	[spmem:s23], [sflag:s19] =	dma.local @!p1 [hbm:s24], $0x100  }
0x3c: {  	s23 =	simm.s32 @!p1 $0x6  }
0x3d: {  	_ =	swait.ge @!p1 [sflag:s23], $0x100  }
0x3e: {  	[sflag:s23] =	ssyncset.done @!p1 $0x0  }
0x3f: {  	[sflag:s23] =	ssyncadd.s32 @!p1 $0xFFFFFF00  }
0x40: {  	[tilespmem:$0x1E378] =	vst v0  }
0x41: {  	[tilespmem:$0x1E388] =	vst v0  }
0x42: {  	[tilespmem:$0x1E398] =	vst v0  }
0x43: {  	[tilespmem:$0x1E3A8] =	vst v0  }
0x44: {  	[tilespmem:$0x1E3B8] =	vst v0  }
0x45: {  	[tilespmem:$0x1E3C8] =	vst v0  }
0x46: {  	[tilespmem:$0x1E3D8] =	vst v0  }
0x47: {  	[tilespmem:$0x1E3E8] =	vst v0  }
0x48: {  	[tilespmem:$0x1E3F8] =	vst v0  }
0x49: {  	[tilespmem:$0x1E408] =	vst v0  }
0x4a: {  	[tilespmem:$0x1E418] =	vst v0  }
0x4b: {  	[tilespmem:$0x1E428] =	vst v0  }
0x4c: {  	[tilespmem:$0x1E438] =	vst v0  }
0x4d: {  	[tilespmem:$0x1E448] =	vst v0  }
0x4e: {  	[tilespmem:$0x1E458] =	vst v0  }
0x4f: {  	[tilespmem:$0x1E468] =	vst v0  }
0x50: {  	[tilespmem:$0x1E478] =	vst v0  }
0x51: {  	[tilespmem:$0x1E488] =	vst v0  }
0x52: {  	[tilespmem:$0x1E498] =	vst v0  }
0x53: {  	[tilespmem:$0x1E4A8] =	vst v0  }
0x54: {  	[tilespmem:$0x1E4B8] =	vst v0  }
0x55: {  	[tilespmem:$0x1E4C8] =	vst v0  }
0x56: {  	[tilespmem:$0x1E4D8] =	vst v0  }
0x57: {  	[tilespmem:$0x1E4E8] =	vst v0  }
0x58: {  	[tilespmem:$0x1E4F8] =	vst v0  }
0x59: {  	[tilespmem:$0x1E508] =	vst v0  }
0x5a: {  	[tilespmem:$0x1E518] =	vst v0  }
0x5b: {  	[tilespmem:$0x1E528] =	vst v0  }
0x5c: {  	[tilespmem:$0x1E538] =	vst v0  }
0x5d: {  	[tilespmem:$0x1E548] =	vst v0  }
0x5e: {  	[tilespmem:$0x1E558] =	vst v0  }
0x5f: {  	[tilespmem:$0x1E568] =	vst v0  }
0x60: {  	[tilespmem:$0x1E578] =	vst v0  }
0x61: {  	[tilespmem:$0x1E588] =	vst v0  }
0x62: {  	[tilespmem:$0x1E598] =	vst v0  }
0x63: {  	[tilespmem:$0x1E5A8] =	vst v0  }
0x64: {  	[tilespmem:$0x1E5B8] =	vst v0  }
0x65: {  	[tilespmem:$0x1E5C8] =	vst v0  }
0x66: {  	s25 =	simm.s32 $0x1E378;
	s24 =	rddreg [dreg:$0xe];
	[tilespmem:$0x1E5D8] =	vst v0  }
0x67: {  	[spmem:s24] =	stream.linear.scatter [tilespmem:s25], [sflag:$0x6], $0x270, $0x38;
	[tilespmem:$0x1E5F8] =	vst v63  }
0x68: {  	_ =	swait.ge [sflag:s28], $0x270  }
0x69: {  	[sflag:s28] =	ssyncset.done $0x0  }
0x6a: {  	s24 =	simm.s32 @!p1 $0x1E378;
	s25 =	rddreg [dreg:$0xf];
	[sflag:s28] =	ssyncadd.s32 $0xFFFFFD90  }
0x6b: {  	[spmem:s25] =	stream.linear.scatter @!p1 [tilespmem:s24], [sflag:$0x6], $0x10, $0x38;
	[tilespmem:$0x1E5F8] =	vst v63  }
0x6c: {  	_ =	swait.ge @!p1 [sflag:s23], $0x10  }
0x6d: {  	[sflag:s23] =	ssyncset.done @!p1 $0x0  }
0x6e: {  	[sflag:s23] =	ssyncadd.s32 @!p1 $0xFFFFFFF0  }
0x6f: {  	[tilespmem:$0x1E2F8] =	vst v1  }
0x70: {  	[tilespmem:$0x1E308] =	vst v1  }
0x71: {  	[tilespmem:$0x1E318] =	vst v1  }
0x72: {  	[tilespmem:$0x1E328] =	vst v1  }
0x73: {  	[tilespmem:$0x1E338] =	vst v1  }
0x74: {  	[tilespmem:$0x1E348] =	vst v1  }
0x75: {  	[tilespmem:$0x1E358] =	vst v1  }
0x76: {  	[tilespmem:$0x1E368] =	vst v1  }
0x77: {  	[bflag:$0x0] =	sbarrier.arrive $0xFFFF  }
0x78: {  	_ =	swait.ge [sflag:s2], $0x3E80  }
0x79: {  	[sflag:s2] =	ssyncset.done $0x0  }
0x7a: {  	[sflag:s2] =	ssyncadd.s32 $0xFFFFC180  }
0x7b: {  	[tilespmem:s6], [sflag:$0x2] =	stream.indirect.gather [hbm4b:s1+s30], $0x80, s0, s30, $0xb8;
	[tilespmem:$0x1E5F8] =	vst v63  }
0x7c: {  	_ = 	snop  }
0x7d: {  	[spmem:s3] =	stream.indirect.scatter.add.f32 [tilespmem:s31], [sflag:$0x3], $0x80, s29, s30, $0xb8;
	[tilespmem:$0x1E5F8] =	vst v63  }
0x7e: {  	_ = 	snop  }
0x7f: {  	[spmem:s4] =	stream.indirect.scatter.add.f32 [tilespmem:s7], [sflag:$0x5], $0x1, s29, s30, $0xb8;
	[tilespmem:$0x1E5F8] =	vst v63  }
0x80: {  	_ =	swait.ge [sflag:s8], $0x3E80  }
0x81: {  	[sflag:s8] =	ssyncset.done $0x0  }
0x82: {  	[sflag:s8] =	ssyncadd.s32 $0xFFFFC180  }
0x83: {  	_ =	swait.ge [sflag:s9], $0x3E80  }
0x84: {  	[sflag:s9] =	ssyncset.done $0x0  }
0x85: {  	[sflag:s9] =	ssyncadd.s32 $0xFFFFC180  }
0x86: {  	[tilespmem:s31], [sflag:$0x1] =	stream.indirect.gather [hbm4b:s1+s30], $0x80, s10, s30, $0xb8;
	[tilespmem:$0x1E5F8] =	vst v63  }
0x87: {  	_ = 	snop  }
0x88: {  	[spmem:s3] =	stream.indirect.scatter.add.f32 [tilespmem:s6], [sflag:$0x4], $0x80, s11, s30, $0xb8;
	[tilespmem:$0x1E5F8] =	vst v63  }
0x89: {  	_ =	swait.ge [sflag:s12], $0x7D  }
0x8a: {  	[sflag:s12] =	ssyncset.done $0x0  }
0x8b: {  	[sflag:s12] =	ssyncadd.s32 $0xFFFFFF83  }
0x8c: {  	[spmem:s4] =	stream.indirect.scatter.add.f32 [tilespmem:s7], [sflag:$0x5], $0x1, s11, s30, $0xb8;
	[tilespmem:$0x1E5F8] =	vst v63  }
0x8d: {  	_ =	swait.ge [sflag:s2], $0x3E80  }
0x8e: {  	[sflag:s2] =	ssyncset.done $0x0  }
0x8f: {  	[sflag:s2] =	ssyncadd.s32 $0xFFFFC180  }
0x90: {  	_ =	swait.ge [sflag:s13], $0x3E80  }
0x91: {  	[sflag:s13] =	ssyncset.done $0x0  }
0x92: {  	s25 =	simm.s32 $0x13A00;
	[sflag:s13] =	ssyncadd.s32 $0xFFFFC180  }
0x93: {  	[tilespmem:s6], [sflag:$0x2] =	stream.indirect.gather [hbm4b:s1+s30], $0x80, s25, s30, $0xb8;
	[tilespmem:$0x1E5F8] =	vst v63  }
0x94: {  	s24 =	simm.s32 $0x14D80  }
0x95: {  	[spmem:s3] =	stream.indirect.scatter.add.f32 [tilespmem:s31], [sflag:$0x3], $0x80, s24, s30, $0xb8;
	[tilespmem:$0x1E5F8] =	vst v63  }
0x96: {  	_ =	swait.ge [sflag:s12], $0x7D  }
0x97: {  	[sflag:s12] =	ssyncset.done $0x0  }
0x98: {  	[sflag:s12] =	ssyncadd.s32 $0xFFFFFF83  }
0x99: {  	[spmem:s4] =	stream.indirect.scatter.add.f32 [tilespmem:s7], [sflag:$0x5], $0x1, s24, s30, $0xb8;
	[tilespmem:$0x1E5F8] =	vst v63  }
0x9a: {  	_ =	swait.ge [sflag:s8], $0x3E80  }
0x9b: {  	[sflag:s8] =	ssyncset.done $0x0  }
0x9c: {  	[sflag:s8] =	ssyncadd.s32 $0xFFFFC180  }
0x9d: {  	_ =	swait.ge [sflag:s9], $0x3E80  }
0x9e: {  	[sflag:s9] =	ssyncset.done $0x0  }
0x9f: {  	s25 =	simm.s32 $0x13A80;
	[sflag:s9] =	ssyncadd.s32 $0xFFFFC180  }
0xa0: {  	[tilespmem:s31], [sflag:$0x1] =	stream.indirect.gather [hbm4b:s1+s30], $0x80, s25, s30, $0xb8;
	[tilespmem:$0x1E5F8] =	vst v63  }
0xa1: {  	s24 =	simm.s32 $0x14E00  }
0xa2: {  	[spmem:s3] =	stream.indirect.scatter.add.f32 [tilespmem:s6], [sflag:$0x4], $0x80, s24, s30, $0xb8;
	[tilespmem:$0x1E5F8] =	vst v63  }
0xa3: {  	_ =	swait.ge [sflag:s12], $0x7D  }
0xa4: {  	[sflag:s12] =	ssyncset.done $0x0  }
0xa5: {  	s23 =	simm.s32 $0xFFFFBC00;
	[sflag:s12] =	ssyncadd.s32 $0xFFFFFF83  }
.LBB2_2:
0xa6: {  	[spmem:s4] =	stream.indirect.scatter.add.f32 [tilespmem:s7], [sflag:$0x5], $0x1, s24, s30, $0xb8;
	[tilespmem:$0x1E5F8] =	vst v63  }
0xa7: {  	s24 =	smov.u32 s23  }
0xa8: {  	p3 =	sne.s32 s23, $0xFFFFFC00;
	s23 =	sadd.s32 $0x400, s23;
	_ =	swait.ge [sflag:s2], $0x3E80  }
0xa9: {  	[sflag:s2] =	ssyncset.done $0x0  }
0xaa: {  	[sflag:s2] =	ssyncadd.s32 $0xFFFFC180  }
0xab: {  	_ =	swait.ge [sflag:s13], $0x3E80  }
0xac: {  	s24 =	sshra.s32 s24, $0x2;
	[sflag:s13] =	ssyncset.done $0x0  }
0xad: {  	s25 =	sadd.s32 $0x14C00, s24;
	[sflag:s13] =	ssyncadd.s32 $0xFFFFC180  }
0xae: {  	[tilespmem:s6], [sflag:$0x2] =	stream.indirect.gather [hbm4b:s1+s30], $0x80, s25, s30, $0xb8;
	[tilespmem:$0x1E5F8] =	vst v63  }
0xaf: {  	s25 =	sadd.s32 $0x15F80, s24  }
0xb0: {  	[spmem:s3] =	stream.indirect.scatter.add.f32 [tilespmem:s31], [sflag:$0x3], $0x80, s25, s30, $0xb8;
	[tilespmem:$0x1E5F8] =	vst v63  }
0xb1: {  	_ =	swait.ge [sflag:s12], $0x7D  }
0xb2: {  	[sflag:s12] =	ssyncset.done $0x0  }
0xb3: {  	[sflag:s12] =	ssyncadd.s32 $0xFFFFFF83  }
0xb4: {  	[spmem:s4] =	stream.indirect.scatter.add.f32 [tilespmem:s7], [sflag:$0x5], $0x1, s25, s30, $0xb8;
	[tilespmem:$0x1E5F8] =	vst v63  }
0xb5: {  	_ =	swait.ge [sflag:s8], $0x3E80  }
0xb6: {  	[sflag:s8] =	ssyncset.done $0x0  }
0xb7: {  	[sflag:s8] =	ssyncadd.s32 $0xFFFFC180  }
0xb8: {  	_ =	swait.ge [sflag:s9], $0x3E80  }
0xb9: {  	[sflag:s9] =	ssyncset.done $0x0  }
0xba: {  	s25 =	sadd.s32 $0x14C80, s24;
	[sflag:s9] =	ssyncadd.s32 $0xFFFFC180  }
0xbb: {  	[tilespmem:s31], [sflag:$0x1] =	stream.indirect.gather [hbm4b:s1+s30], $0x80, s25, s30, $0xb8;
	[tilespmem:$0x1E5F8] =	vst v63  }
.Ltmp0:
0xbc: {  	s24 =	sadd.s32 $0x16000, s24;
	(pc) =	sbr.rel @p3 .LBB2_2-.Ltmp0, $4  }
0xbd: {  	[spmem:s3] =	stream.indirect.scatter.add.f32 [tilespmem:s6], [sflag:$0x4], $0x80, s24, s30, $0xb8;
	[tilespmem:$0x1E5F8] =	vst v63  }
0xbe: {  	_ =	swait.ge [sflag:s12], $0x7D  }
0xbf: {  	[sflag:s12] =	ssyncset.done $0x0  }
0xc0: {  	[sflag:s12] =	ssyncadd.s32 $0xFFFFFF83  }
0xc1: {  	[spmem:s4] =	stream.indirect.scatter.add.f32 [tilespmem:s7], [sflag:$0x5], $0x1, s24, s30, $0xb8;
	[tilespmem:$0x1E5F8] =	vst v63  }
0xc2: {  	_ =	swait.ge [sflag:s2], $0x3E80  }
0xc3: {  	[sflag:s2] =	ssyncset.done $0x0  }
0xc4: {  	[sflag:s2] =	ssyncadd.s32 $0xFFFFC180  }
0xc5: {  	_ =	swait.ge [sflag:s13], $0x3E80  }
0xc6: {  	[sflag:s13] =	ssyncset.done $0x0  }
0xc7: {  	[sflag:s13] =	ssyncadd.s32 $0xFFFFC180  }
0xc8: {  	[tilespmem:s6], [sflag:$0x2] =	stream.indirect.gather [hbm4b:s1+s30], $0x80, s15, s30, $0xb8;
	[tilespmem:$0x1E5F8] =	vst v63  }
0xc9: {  	_ = 	snop  }
0xca: {  	[spmem:s3] =	stream.indirect.scatter.add.f32 [tilespmem:s31], [sflag:$0x3], $0x80, s16, s30, $0xb8;
	[tilespmem:$0x1E5F8] =	vst v63  }
0xcb: {  	_ =	swait.ge [sflag:s12], $0x7D  }
0xcc: {  	[sflag:s12] =	ssyncset.done $0x0  }
0xcd: {  	[sflag:s12] =	ssyncadd.s32 $0xFFFFFF83  }
0xce: {  	[spmem:s4] =	stream.indirect.scatter.add.f32 [tilespmem:s7], [sflag:$0x5], $0x1, s16, s30, $0xb8;
	[tilespmem:$0x1E5F8] =	vst v63  }
0xcf: {  	_ =	swait.ge [sflag:s8], $0x3E80  }
0xd0: {  	[sflag:s8] =	ssyncset.done $0x0  }
0xd1: {  	[sflag:s8] =	ssyncadd.s32 $0xFFFFC180  }
0xd2: {  	_ =	swait.ge [sflag:s9], $0x3E80  }
0xd3: {  	[sflag:s9] =	ssyncset.done $0x0  }
0xd4: {  	[sflag:s9] =	ssyncadd.s32 $0xFFFFC180  }
0xd5: {  	[spmem:s3] =	stream.indirect.scatter.add.f32 [tilespmem:s6], [sflag:$0x4], $0x80, s17, s30, $0xb8;
	[tilespmem:$0x1E5F8] =	vst v63  }
0xd6: {  	_ =	swait.ge [sflag:s12], $0x7D  }
0xd7: {  	[sflag:s12] =	ssyncset.done $0x0  }
0xd8: {  	[sflag:s12] =	ssyncadd.s32 $0xFFFFFF83  }
0xd9: {  	[spmem:s4] =	stream.indirect.scatter.add.f32 [tilespmem:s7], [sflag:$0x5], $0x1, s17, s30, $0xb8;
	[tilespmem:$0x1E5F8] =	vst v63  }
0xda: {  	_ =	swait.ge [sflag:s13], $0x3E80  }
0xdb: {  	[sflag:s13] =	ssyncset.done $0x0  }
0xdc: {  	[sflag:s13] =	ssyncadd.s32 $0xFFFFC180  }
0xdd: {  	_ =	swait.ge [sflag:s12], $0x7D  }
0xde: {  	[sflag:s12] =	ssyncset.done $0x0  }
0xdf: {  	s23 =	rddreg [dreg:$0x13];
	[sflag:s12] =	ssyncadd.s32 $0xFFFFFF83  }
0xe0: {  	[tilespmem:s26], [sflag:$0x6] =	stream.linear.gather [hbm4b:s23+s5], $0x1400, $0x38;
	[tilespmem:$0x1E5F8] =	vst v63  }
0xe1: {  	_ =	swait.ge [sflag:s28], $0x1400  }
0xe2: {  	[sflag:s28] =	ssyncset.done $0x0  }
0xe3: {  	s24 =	rddreg [dreg:$0x14];
	[sflag:s28] =	ssyncadd.s32 $0xFFFFEC00  }
0xe4: {  	[tilespmem:s29], [sflag:$0x6] =	stream.linear.gather [hbm4b:s24+s5], $0x1400, $0x38;
	[tilespmem:$0x1E5F8] =	vst v63  }
0xe5: {  	_ =	swait.ge [sflag:s28], $0x1400  }
0xe6: {  	[sflag:s28] =	ssyncset.done $0x0  }
0xe7: {  	[sflag:s28] =	ssyncadd.s32 $0xFFFFEC00  }
0xe8: {  	[tilespmem:s31], [sflag:$0x1] =	stream.indirect.gather [hbm4b:s1+s30], $0x80, s26, s30, $0xb8;
	[tilespmem:$0x1E5F8] =	vst v63  }
0xe9: {  	_ =	swait.ge [sflag:s2], $0x3E80  }
0xea: {  	[sflag:s2] =	ssyncset.done $0x0  }
0xeb: {  	[sflag:s2] =	ssyncadd.s32 $0xFFFFC180  }
0xec: {  	[tilespmem:s6], [sflag:$0x2] =	stream.indirect.gather [hbm4b:s1+s30], $0x80, s0, s30, $0xb8;
	[tilespmem:$0x1E5F8] =	vst v63  }
0xed: {  	_ = 	snop  }
0xee: {  	[spmem:s3] =	stream.indirect.scatter.add.f32 [tilespmem:s31], [sflag:$0x3], $0x80, s29, s30, $0xb8;
	[tilespmem:$0x1E5F8] =	vst v63  }
0xef: {  	_ = 	snop  }
0xf0: {  	[spmem:s4] =	stream.indirect.scatter.add.f32 [tilespmem:s7], [sflag:$0x5], $0x1, s29, s30, $0xb8;
	[tilespmem:$0x1E5F8] =	vst v63  }
0xf1: {  	_ =	swait.ge [sflag:s8], $0x3E80  }
0xf2: {  	[sflag:s8] =	ssyncset.done $0x0  }
0xf3: {  	[sflag:s8] =	ssyncadd.s32 $0xFFFFC180  }
0xf4: {  	_ =	swait.ge [sflag:s9], $0x3E80  }
0xf5: {  	[sflag:s9] =	ssyncset.done $0x0  }
0xf6: {  	[sflag:s9] =	ssyncadd.s32 $0xFFFFC180  }
0xf7: {  	[tilespmem:s31], [sflag:$0x1] =	stream.indirect.gather [hbm4b:s1+s30], $0x80, s10, s30, $0xb8;
	[tilespmem:$0x1E5F8] =	vst v63  }
0xf8: {  	_ = 	snop  }
0xf9: {  	[spmem:s3] =	stream.indirect.scatter.add.f32 [tilespmem:s6], [sflag:$0x4], $0x80, s11, s30, $0xb8;
	[tilespmem:$0x1E5F8] =	vst v63  }
0xfa: {  	_ =	swait.ge [sflag:s12], $0x7D  }
0xfb: {  	[sflag:s12] =	ssyncset.done $0x0  }
0xfc: {  	[sflag:s12] =	ssyncadd.s32 $0xFFFFFF83  }
0xfd: {  	[spmem:s4] =	stream.indirect.scatter.add.f32 [tilespmem:s7], [sflag:$0x5], $0x1, s11, s30, $0xb8;
	[tilespmem:$0x1E5F8] =	vst v63  }
0xfe: {  	_ =	swait.ge [sflag:s2], $0x3E80  }
0xff: {  	[sflag:s2] =	ssyncset.done $0x0  }
0x100: {  	[sflag:s2] =	ssyncadd.s32 $0xFFFFC180  }
0x101: {  	_ =	swait.ge [sflag:s13], $0x3E80  }
0x102: {  	[sflag:s13] =	ssyncset.done $0x0  }
0x103: {  	s25 =	simm.s32 $0x13A00;
	[sflag:s13] =	ssyncadd.s32 $0xFFFFC180  }
0x104: {  	[tilespmem:s6], [sflag:$0x2] =	stream.indirect.gather [hbm4b:s1+s30], $0x80, s25, s30, $0xb8;
	[tilespmem:$0x1E5F8] =	vst v63  }
0x105: {  	s24 =	simm.s32 $0x14D80  }
0x106: {  	[spmem:s3] =	stream.indirect.scatter.add.f32 [tilespmem:s31], [sflag:$0x3], $0x80, s24, s30, $0xb8;
	[tilespmem:$0x1E5F8] =	vst v63  }
0x107: {  	_ =	swait.ge [sflag:s12], $0x7D  }
0x108: {  	[sflag:s12] =	ssyncset.done $0x0  }
0x109: {  	[sflag:s12] =	ssyncadd.s32 $0xFFFFFF83  }
0x10a: {  	[spmem:s4] =	stream.indirect.scatter.add.f32 [tilespmem:s7], [sflag:$0x5], $0x1, s24, s30, $0xb8;
	[tilespmem:$0x1E5F8] =	vst v63  }
0x10b: {  	_ =	swait.ge [sflag:s8], $0x3E80  }
0x10c: {  	[sflag:s8] =	ssyncset.done $0x0  }
0x10d: {  	[sflag:s8] =	ssyncadd.s32 $0xFFFFC180  }
0x10e: {  	_ =	swait.ge [sflag:s9], $0x3E80  }
0x10f: {  	[sflag:s9] =	ssyncset.done $0x0  }
0x110: {  	s25 =	simm.s32 $0x13A80;
	[sflag:s9] =	ssyncadd.s32 $0xFFFFC180  }
0x111: {  	[tilespmem:s31], [sflag:$0x1] =	stream.indirect.gather [hbm4b:s1+s30], $0x80, s25, s30, $0xb8;
	[tilespmem:$0x1E5F8] =	vst v63  }
0x112: {  	s24 =	simm.s32 $0x14E00  }
0x113: {  	[spmem:s3] =	stream.indirect.scatter.add.f32 [tilespmem:s6], [sflag:$0x4], $0x80, s24, s30, $0xb8;
	[tilespmem:$0x1E5F8] =	vst v63  }
0x114: {  	_ =	swait.ge [sflag:s12], $0x7D  }
0x115: {  	[sflag:s12] =	ssyncset.done $0x0  }
0x116: {  	s23 =	simm.s32 $0xFFFFBC00;
	[sflag:s12] =	ssyncadd.s32 $0xFFFFFF83  }
.LBB2_4:
0x117: {  	[spmem:s4] =	stream.indirect.scatter.add.f32 [tilespmem:s7], [sflag:$0x5], $0x1, s24, s30, $0xb8;
	[tilespmem:$0x1E5F8] =	vst v63  }
0x118: {  	s24 =	smov.u32 s23  }
0x119: {  	p3 =	sne.s32 s23, $0xFFFFFC00;
	s23 =	sadd.s32 $0x400, s23;
	_ =	swait.ge [sflag:s2], $0x3E80  }
0x11a: {  	[sflag:s2] =	ssyncset.done $0x0  }
0x11b: {  	[sflag:s2] =	ssyncadd.s32 $0xFFFFC180  }
0x11c: {  	_ =	swait.ge [sflag:s13], $0x3E80  }
0x11d: {  	s24 =	sshra.s32 s24, $0x2;
	[sflag:s13] =	ssyncset.done $0x0  }
0x11e: {  	s25 =	sadd.s32 $0x14C00, s24;
	[sflag:s13] =	ssyncadd.s32 $0xFFFFC180  }
0x11f: {  	[tilespmem:s6], [sflag:$0x2] =	stream.indirect.gather [hbm4b:s1+s30], $0x80, s25, s30, $0xb8;
	[tilespmem:$0x1E5F8] =	vst v63  }
0x120: {  	s25 =	sadd.s32 $0x15F80, s24  }
0x121: {  	[spmem:s3] =	stream.indirect.scatter.add.f32 [tilespmem:s31], [sflag:$0x3], $0x80, s25, s30, $0xb8;
	[tilespmem:$0x1E5F8] =	vst v63  }
0x122: {  	_ =	swait.ge [sflag:s12], $0x7D  }
0x123: {  	[sflag:s12] =	ssyncset.done $0x0  }
0x124: {  	[sflag:s12] =	ssyncadd.s32 $0xFFFFFF83  }
0x125: {  	[spmem:s4] =	stream.indirect.scatter.add.f32 [tilespmem:s7], [sflag:$0x5], $0x1, s25, s30, $0xb8;
	[tilespmem:$0x1E5F8] =	vst v63  }
0x126: {  	_ =	swait.ge [sflag:s8], $0x3E80  }
0x127: {  	[sflag:s8] =	ssyncset.done $0x0  }
0x128: {  	[sflag:s8] =	ssyncadd.s32 $0xFFFFC180  }
0x129: {  	_ =	swait.ge [sflag:s9], $0x3E80  }
0x12a: {  	[sflag:s9] =	ssyncset.done $0x0  }
0x12b: {  	s25 =	sadd.s32 $0x14C80, s24;
	[sflag:s9] =	ssyncadd.s32 $0xFFFFC180  }
0x12c: {  	[tilespmem:s31], [sflag:$0x1] =	stream.indirect.gather [hbm4b:s1+s30], $0x80, s25, s30, $0xb8;
	[tilespmem:$0x1E5F8] =	vst v63  }
.Ltmp1:
0x12d: {  	s24 =	sadd.s32 $0x16000, s24;
	(pc) =	sbr.rel @p3 .LBB2_4-.Ltmp1, $4  }
0x12e: {  	[spmem:s3] =	stream.indirect.scatter.add.f32 [tilespmem:s6], [sflag:$0x4], $0x80, s24, s30, $0xb8;
	[tilespmem:$0x1E5F8] =	vst v63  }
0x12f: {  	_ =	swait.ge [sflag:s12], $0x7D  }
0x130: {  	[sflag:s12] =	ssyncset.done $0x0  }
0x131: {  	[sflag:s12] =	ssyncadd.s32 $0xFFFFFF83  }
0x132: {  	[spmem:s4] =	stream.indirect.scatter.add.f32 [tilespmem:s7], [sflag:$0x5], $0x1, s24, s30, $0xb8;
	[tilespmem:$0x1E5F8] =	vst v63  }
0x133: {  	_ =	swait.ge [sflag:s2], $0x3E80  }
0x134: {  	[sflag:s2] =	ssyncset.done $0x0  }
0x135: {  	[sflag:s2] =	ssyncadd.s32 $0xFFFFC180  }
0x136: {  	_ =	swait.ge [sflag:s13], $0x3E80  }
0x137: {  	[sflag:s13] =	ssyncset.done $0x0  }
0x138: {  	[sflag:s13] =	ssyncadd.s32 $0xFFFFC180  }
0x139: {  	[tilespmem:s6], [sflag:$0x2] =	stream.indirect.gather [hbm4b:s1+s30], $0x80, s15, s30, $0xb8;
	[tilespmem:$0x1E5F8] =	vst v63  }
0x13a: {  	_ = 	snop  }
0x13b: {  	[spmem:s3] =	stream.indirect.scatter.add.f32 [tilespmem:s31], [sflag:$0x3], $0x80, s16, s30, $0xb8;
	[tilespmem:$0x1E5F8] =	vst v63  }
0x13c: {  	_ =	swait.ge [sflag:s12], $0x7D  }
0x13d: {  	[sflag:s12] =	ssyncset.done $0x0  }
0x13e: {  	[sflag:s12] =	ssyncadd.s32 $0xFFFFFF83  }
0x13f: {  	[spmem:s4] =	stream.indirect.scatter.add.f32 [tilespmem:s7], [sflag:$0x5], $0x1, s16, s30, $0xb8;
	[tilespmem:$0x1E5F8] =	vst v63  }
0x140: {  	_ =	swait.ge [sflag:s8], $0x3E80  }
0x141: {  	[sflag:s8] =	ssyncset.done $0x0  }
0x142: {  	[sflag:s8] =	ssyncadd.s32 $0xFFFFC180  }
0x143: {  	_ =	swait.ge [sflag:s9], $0x3E80  }
0x144: {  	[sflag:s9] =	ssyncset.done $0x0  }
0x145: {  	[sflag:s9] =	ssyncadd.s32 $0xFFFFC180  }
0x146: {  	[spmem:s3] =	stream.indirect.scatter.add.f32 [tilespmem:s6], [sflag:$0x4], $0x80, s17, s30, $0xb8;
	[tilespmem:$0x1E5F8] =	vst v63  }
0x147: {  	_ =	swait.ge [sflag:s12], $0x7D  }
0x148: {  	[sflag:s12] =	ssyncset.done $0x0  }
0x149: {  	[sflag:s12] =	ssyncadd.s32 $0xFFFFFF83  }
0x14a: {  	[spmem:s4] =	stream.indirect.scatter.add.f32 [tilespmem:s7], [sflag:$0x5], $0x1, s17, s30, $0xb8;
	[tilespmem:$0x1E5F8] =	vst v63  }
0x14b: {  	_ =	swait.ge [sflag:s13], $0x3E80  }
0x14c: {  	[sflag:s13] =	ssyncset.done $0x0  }
0x14d: {  	[sflag:s13] =	ssyncadd.s32 $0xFFFFC180  }
0x14e: {  	_ =	swait.ge [sflag:s12], $0x7D  }
0x14f: {  	[sflag:s12] =	ssyncset.done $0x0  }
0x150: {  	[sflag:s12] =	ssyncadd.s32 $0xFFFFFF83  }
0x151: {  	[bflag:$0x0] =	sbarrier.arrive $0xFFFF  }
0x152: {  	s23 =	rddreg [dreg:$0x10]  }
0x153: {  	[hbm:s23], [sflag:s19] =	dma.local [spmem:s20], $0xD00  }
0x154: {  	_ =	swait.ge [sflag:s28], $0xD00  }
0x155: {  	[sflag:s28] =	ssyncset.done $0x0  }
0x156: {  	s23 =	rddreg [dreg:$0x11];
	[sflag:s28] =	ssyncadd.s32 $0xFFFFF300  }
0x157: {  	[hbm:s23], [sflag:s19] =	dma.local [spmem:s21], $0xD00  }
0x158: {  	_ =	swait.ge [sflag:s28], $0xD00  }
0x159: {  	[sflag:s28] =	ssyncset.done $0x0  }
0x15a: {  	s24 =	rddreg [dreg:$0x12];
	[sflag:s28] =	ssyncadd.s32 $0xFFFFF300  }
0x15b: {  	[hbm:s24], [sflag:s19] =	dma.local [spmem:s22], $0xD00  }
0x15c: {  	s20 =	sshrl.u32 @p0 s4, $0x3;
	_ =	swait.ge [sflag:s28], $0xD00  }
0x15d: {  	s21 =	simm.s32 @p0 $0x1;
	s23 =	simm.s32 @p0 $0x10;
	[sflag:s28] =	ssyncset.done $0x0  }
0x15e: {  	s22 =	simm.s32 @p0 $0x20;
	s24 =	rddreg [dreg:$0x15];
	[sflag:s28] =	ssyncadd.s32 $0xFFFFF300  }
0x15f: {  	[hbm:s24@s22], [sflag:s19] =	dma.strided @p0 [spmem:s20@s23], $0x4F0, s21, $0x10   }
0x160: {  	s20 =	simm.s32 @p0 $0x6  }
0x161: {  	_ =	swait.ge @p0 [sflag:s20], $0x4F0  }
0x162: {  	[sflag:s20] =	ssyncset.done @p0 $0x0  }
0x163: {  	s21 =	rddreg [dreg:$0x16];
	[sflag:s20] =	ssyncadd.s32 @p0 $0xFFFFFB10;
	s20 =	sshrl.u32 @!p2 s14, $0x3  }
0x164: {  	[hbm:s21], [sflag:s19] =	dma.local @!p2 [spmem:s20], $0x100  }
0x165: {  	s19 =	simm.s32 @!p2 $0x6  }
0x166: {  	_ =	swait.ge @!p2 [sflag:s19], $0x100  }
0x167: {  	s18 =	sadd.s32 $0x1, s18;
	s25 =	rddreg [dreg:$0x17]  }
0x168: {  	p3 =	sne.s32 s18, s25  }
.Ltmp2:
0x169: {  	_ = 	snop;
	(pc) =	sbr.rel @p3 .LBB2_1-.Ltmp2, $3  }
0x16a: {  	_ =	sdelay $0x1  }
0x16b: {  	[sflag:s19] =	ssyncset.done @!p2 $0x0  }
0x16c: {  	[sflag:s19] =	ssyncadd.s32 @!p2 $0xFFFFFF00  }
0x16d: {  	_ =	sfence.sel $0x180000  }
0x16e: {  	[bflag:$0x0] =	sbarrier.arrive $0xFFFF  }
0x16f: {  	_ =	strace $0x90000047  }
0x170: {  	s0 =	stileid.u32;
	[bflag:$0x2] =	sbarrier.arrive $0xFFFF  }
0x171: {  	p0 =	sne.s32 s0, $0x0;
	s0 =	rddreg [dreg:$0x4]  }
0x172: {  	s0 =	sadd.s32 @!p0 $0x100000, s0  }
0x173: {  	[sflag:s0] =	ssyncadd.tile.s32 @!p0 $0x1;
	_ =	shalt  }
.Lfunc_end2:
_tile_overlayer_lowered:
.L_overlay_start_2:
0x174: {  	(tag) =	ssettag $0x2  }
0x175: {  	s0 =	rddreg [dreg:$0x0];
	s2 =	stileid.u32  }
0x176: {  	s1 =	rddreg [dreg:$0x1];
	p0 =	sne.s32 s2, $0x0  }
0x177: {  	s3 =	rddreg [dreg:$0x2];
	[bflag:$0x3] =	sbarrier.arrive $0xFFFF;
	s2 =	simm.s32 @!p0 $0x1C06  }
0x178: {  	[timem:s3], [sflag:s2] =	dma.local @!p0 [hbm:s0], s1  }
0x179: {  	s0 =	simm.s32 @!p0 $0x6  }
0x17a: {  	_ =	swait.ge @!p0 [sflag:s0], s1  }
0x17b: {  	s1 =	ssub.s32 @!p0 $0x0, s1;
	[sflag:s0] =	ssyncset.done @!p0 $0x0  }
0x17c: {  	[sflag:s0] =	ssyncadd.s32 @!p0 s1  }
0x17d: {  	[bflag:$0x3] =	sbarrier.arrive $0xFFFF  }
0x17e: {  	_ =	shalt  }

// kernel: kernel.9.cloned.1.call-start
scs
__scs_entry_jumppad:
0x0: {  	(pc) =	sbr.rel $0x88, $3  }
0x1: {  	(tag) =	ssettag $0x0;
	lr =	simm.s32 $0x1  }
0x2: {  	[smem:$0x3F97] =	sst lr;
	_ =	strace $0xD0000000  }
0x3: {  	_ = 	snop  }
0x4: {  	_ = 	snop  }
0x5: {  	_ = 	snop  }
0x6: {  	_ = 	snop  }
0x7: {  	_ = 	snop  }
__scs_overlays_trampoline_lowered:
0x8: {  	[smem:$0x3FA6] =	sst s0  }
0x9: {  	[smem:$0x3FA7] =	sst s1  }
0xa: {  	[smem:$0x3FA8] =	sst s2  }
0xb: {  	[smem:$0x3FA9] =	sst s3  }
0xc: {  	[smem:$0x3FAA] =	sst s4  }
0xd: {  	[smem:$0x3FAB] =	sst s5  }
0xe: {  	[smem:$0x3FAC] =	sst s6  }
0xf: {  	[smem:$0x3FAD] =	sst s7  }
0x10: {  	[smem:$0x3FAE] =	sst s8  }
0x11: {  	[smem:$0x3FAF] =	sst s9;
	s0 =	simm.s32 @!p0 $0x0  }
0x12: {  	s1 =	sld [smem:$0x3F95];
	s0 =	simm.s32 @p0 $0x1  }
0x13: {  	[smem:$0x3FB0] =	sst s0;
	s0 =	simm.s32 @!p1 $0x0  }
0x14: {  	s2 =	sld [smem:$0x3F94];
	s0 =	simm.s32 @p1 $0x1  }
0x15: {  	[smem:$0x3FB1] =	sst s0;
	s0 =	simm.s32 @!p2 $0x0  }
0x16: {  	s3 =	sld [smem:$0x3FDB];
	s0 =	simm.s32 @p2 $0x1  }
0x17: {  	s4 =	simm.s32 $0x1BF5;
	[smem:$0x3FB3] =	sst s0  }
0x18: {  	s0 =	sld [smem:$0x3F96];
	_ =	swait.ge [sflag:s4], $0x0  }
0x19: {  	s7 =	sld [smem:$0x3F97]  }
0x1a: {  	s8 =	sadd.s32 $0xFFFFE003, lr  }
0x1b: {  	s9 =	sadd.s32 $0xFFFFFEF7, lr;
	s5 =	simm.s32 $0xFFFFFFFF;
	p2 =	slt.u32 s8, $0xFFFFF086  }
0x1c: {  	p1 =	slt.u32 s9, $0xF7A;
	s5 =	simm.s32 @!p2 $0x0  }
0x1d: {  	s5 =	simm.s32 @p1 $0x1;
	p0 =	seq.s32 s7, s2  }
0x1e: {  	s7 =	smul.u32 @!p0 $0xF7A, s2;
	p2 =	seq.s32 @!p0 s5, $0x0  }
0x1f: {  	s9 =	smul.u32 $0xF7A, s1;
	s8 =	simm.s32 @!p0 $0x1BF5;
	p2 =	por !p2, p0  }
0x20: {  	[sflag:s8] =	ssyncset.s32 @!p0 $0xFFFFF086;
	s6 =	sadd.s32 @!p0 s3, s7;
	s7 =	simm.s32 @!p0 $0x108  }
0x21: {  	s3 =	sadd.s32 s3, s9;
	s6 =	sadd.s32 @!p0 $0x88, s6;
	s7 =	simm.s32 @p2 $0x1082  }
0x22: {  	[simem:s7], [sflag:s8] =	dma.local @!p0 [hbm:s6], $0xF7A  }
0x23: {  	s9 =	sor.u32 $0xD0000000, s2;
	s6 =	simm.s32 $0x108;
	_ =	swait.ge @!p0 [sflag:s8], $0x0  }
0x24: {  	s3 =	sadd.s32 $0x88, s3;
	s6 =	simm.s32 @!p1 $0x1082;
	[sflag:s4] =	ssyncset.s32 $0xFFFFF086  }
0x25: {  	[simem:s6], [sflag:s4] =	dma.local [hbm:s3], $0xF7A  }
0x26: {  	[smem:$0x3F97] =	sst s1;
	(tag) =	ssettag s2;
	_ =	strace s9  }
0x27: {  	s1 =	sld [smem:$0x3FA7]  }
0x28: {  	s2 =	sld [smem:$0x3FA8]  }
0x29: {  	s4 =	sld [smem:$0x3FAA]  }
0x2a: {  	p0 =	seq.s32 s5, $0x0;
	s5 =	sld [smem:$0x3FAB]  }
0x2b: {  	s6 =	sld [smem:$0x3FAC]  }
0x2c: {  	s7 =	sld [smem:$0x3FAD]  }
0x2d: {  	s3 =	simm.s32 $0x108;
	s8 =	sld [smem:$0x3FAE]  }
0x2e: {  	s3 =	simm.s32 @!p0 $0x1082;
	s9 =	sld [smem:$0x3FAF]  }
0x2f: {  	lr =	sadd.s32 s0, s3;
	s0 =	sld [smem:$0x3FA6]  }
0x30: {  	s3 =	sld [smem:$0x3FA9]  }
0x31: {  	[smem:$0x3FB2] =	sst s10  }
0x32: {  	s10 =	sld [smem:$0x3FB0];
	_ =	sdelay $0x3  }
0x33: {  	p0 =	seq.s32 s10, $0x1;
	s10 =	sld [smem:$0x3FB2];
	_ =	sdelay $0x3  }
0x34: {  	[smem:$0x3FB2] =	sst s10  }
0x35: {  	s10 =	sld [smem:$0x3FB1];
	_ =	sdelay $0x3  }
0x36: {  	p1 =	seq.s32 s10, $0x1;
	s10 =	sld [smem:$0x3FB2];
	_ =	sdelay $0x3  }
0x37: {  	[smem:$0x3FB2] =	sst s10  }
0x38: {  	s10 =	sld [smem:$0x3FB3]  }
0x39: {  	_ = 	snop;
	(pc) =	sbr.ind lr, $3  }
0x3a: {  	_ = 	snop  }
0x3b: {  	_ = 	snop  }
0x3c: {  	p2 =	seq.s32 s10, $0x1;
	s10 =	sld [smem:$0x3FB2]  }
0x3d: {  	_ =	shalt  }
0x3e: {  	_ =	shalt  }
0x3f: {  	_ =	shalt  }
0x40: {  	_ =	shalt  }
0x41: {  	_ =	shalt  }
0x42: {  	_ =	shalt  }
0x43: {  	_ =	shalt  }
0x44: {  	_ =	shalt  }
0x45: {  	_ =	shalt  }
0x46: {  	_ =	shalt  }
0x47: {  	_ =	shalt  }
0x48: {  	_ =	shalt  }
0x49: {  	_ =	shalt  }
0x4a: {  	_ =	shalt  }
0x4b: {  	_ =	shalt  }
0x4c: {  	_ =	shalt  }
0x4d: {  	_ =	shalt  }
0x4e: {  	_ =	shalt  }
0x4f: {  	_ =	shalt  }
0x50: {  	_ =	shalt  }
0x51: {  	_ =	shalt  }
0x52: {  	_ =	shalt  }
0x53: {  	_ =	shalt  }
0x54: {  	_ =	shalt  }
0x55: {  	_ =	shalt  }
0x56: {  	_ =	shalt  }
0x57: {  	_ =	shalt  }
0x58: {  	_ =	shalt  }
0x59: {  	_ =	shalt  }
0x5a: {  	_ =	shalt  }
0x5b: {  	_ =	shalt  }
0x5c: {  	_ =	shalt  }
0x5d: {  	_ =	shalt  }
0x5e: {  	_ =	shalt  }
0x5f: {  	_ =	shalt  }
0x60: {  	_ =	shalt  }
0x61: {  	_ =	shalt  }
0x62: {  	_ =	shalt  }
0x63: {  	_ =	shalt  }
0x64: {  	_ =	shalt  }
0x65: {  	_ =	shalt  }
0x66: {  	_ =	shalt  }
0x67: {  	_ =	shalt  }
0x68: {  	_ =	shalt  }
0x69: {  	_ =	shalt  }
0x6a: {  	_ =	shalt  }
0x6b: {  	_ =	shalt  }
0x6c: {  	_ =	shalt  }
0x6d: {  	_ =	shalt  }
0x6e: {  	_ =	shalt  }
0x6f: {  	_ =	shalt  }
0x70: {  	_ =	shalt  }
0x71: {  	_ =	shalt  }
0x72: {  	_ =	shalt  }
0x73: {  	_ =	shalt  }
0x74: {  	_ =	shalt  }
0x75: {  	_ =	shalt  }
0x76: {  	_ =	shalt  }
0x77: {  	_ =	shalt  }
0x78: {  	_ =	shalt  }
0x79: {  	_ =	shalt  }
0x7a: {  	_ =	shalt  }
0x7b: {  	_ =	shalt  }
0x7c: {  	_ =	shalt  }
0x7d: {  	_ =	shalt  }
0x7e: {  	_ =	shalt  }
0x7f: {  	_ =	shalt  }
0x80: {  	_ =	shalt  }
0x81: {  	_ =	shalt  }
0x82: {  	_ =	shalt  }
0x83: {  	_ =	shalt  }
0x84: {  	_ =	shalt  }
0x85: {  	_ =	shalt  }
0x86: {  	_ =	shalt  }
0x87: {  	_ =	shalt  }
.Lfunc_end0:
.L_simem_size_0:
called_computation.1_lowered:
.L_overlay_start_0:
0x88: {  	s2 =	sld [smem:$0x3FD9]  }
0x89: {  	s3 =	sld [smem:$0x3FFE];
	_ =	sdelay $0x1  }
0x8a: {  	s1 =	srdreg.scid  }
0x8b: {  	s0 =	sand.u32 $0x1, s1  }
0x8c: {  	s16 =	sshll.u32 s0, $0xA;
	s2 =	sadd.s32 s3, s2  }
0x8d: {  	s2 =	sadd.s32 s2, s16  }
0x8e: {  	[smem:$0x3FBE] =	sst s2  }
0x8f: {  	_ = 	snop  }
0x90: {  	(tm) =	ssettm $0x1  }
0x91: {  	s17 =	sld [smem:$0x3FFB];
	_ =	sdelay $0x3  }
0x92: {  	_ =	strace s17  }
0x93: {  	s2 =	sld [smem:$0x3FFC];
	_ =	sdelay $0x3  }
0x94: {  	_ =	strace s2  }
0x95: {  	s2 =	sld [smem:$0x3FFD];
	_ =	sdelay $0x3  }
0x96: {  	_ =	strace s2  }
0x97: {  	_ =	strace $0x8FFFFFFF  }
0x98: {  	s18 =	sld [smem:$0x3FDB];
	_ =	sdelay $0x1  }
0x99: {  	s19 =	simm.s32 $_scs_section_size  }
0x9a: {  	s4 =	simm.s32 $_size__tile_overlayer_lowered;
	s5 =	simm.s32 $_tile_overlayer_lowered  }
0x9b: {  	s22 =	simm.s32 $0x1BFF;
	s21 =	sshll.u32 s5, $0x1;
	s2 =	sadd.s32 s19, s18  }
0x9c: {  	s6 =	simm.s32 $0x0;
	s20 =	sshll.u32 s4, $0x1;
	s4 =	sadd.s32 s21, s2  }
0x9d: {  	[timem:s6], [sflag:s22] =	dma.local [hbm:s4], s20  }
0x9e: {  	_ =	swait.ge [sflag:s22], s20  }
0x9f: {  	s3 =	ssub.s32 $0x0, s20;
	[sflag:s22] =	ssyncset.done $0x0  }
0xa0: {  	[sflag:s22] =	ssyncadd.s32 s3;
	_ =	sdelay $0x1  }
0xa1: {  	s23 =	simm.s32 $0x1B8B  }
0xa2: {  	_ =	swait.ge [sflag:s23], $0x1  }
0xa3: {  	[sflag:s23] =	ssyncset.done $0x0  }
0xa4: {  	s25 =	simm.s32 $0x1B8E;
	s24 =	sld [smem:$0x3FFE];
	[sflag:s23] =	ssyncadd.s32 $0xFFFFFFFF  }
0xa5: {  	s26 =	simm.s32 $execute0_lowered;
	[smem:$0x3FD2] =	sst s25  }
0xa6: {  	s4 =	sshll.u32 s26, $0x1;
	_ =	strace $0x80000049;
	[dreg:$0x1] =	wrdreg $0xFFFFFFFF  }
0xa7: {  	s28 =	simm.s32 $_size_execute0_lowered;
	s2 =	sadd.s32 s2, s4;
	[dreg:$0x0] =	wrdreg $0x0  }
0xa8: {  	s4 =	sshll.u32 s28, $0x1;
	[dreg:$0x2] =	wrdreg s2  }
0xa9: {  	[dreg:$0x3] =	wrdreg s4  }
0xaa: {  	[dreg:$0x4] =	wrdreg $0xC0  }
0xab: {  	_ =	task [dreg:s6], $0x5FFFF  }
0xac: {  	[dreg:$0x1] =	wrdreg $0xFFFFFFFF  }
0xad: {  	[dreg:$0x0] =	wrdreg $0x60  }
0xae: {  	[dreg:$0x2] =	wrdreg s24  }
0xaf: {  	[dreg:$0x3] =	wrdreg $0x0  }
0xb0: {  	[dreg:$0x4] =	wrdreg $0x9  }
0xb1: {  	_ =	task.clear_ibuf [dreg:s6], $0x5FFFF;
	_ =	strace $0x90000049  }
0xb2: {  	s29 =	simm.s32 $0x9;
	_ =	strace $0x8000004B  }
0xb3: {  	_ =	swait.ge [sflag:s29], $0x1  }
0xb4: {  	[sflag:s29] =	ssyncadd.s32 $0xFFFFFFFF  }
0xb5: {  	_ =	strace $0x9000004B  }
0xb6: {  	_ =	sfence  }
0xb7: {  	s30 =	sld [smem:$0x0];
	_ =	sdelay $0x2  }
0xb8: {  	s31 =	sshll.u32 s1, $0xD;
	s1 =	sshrl.u32 s1, $0x2  }
0xb9: {  	s3 =	sand.u32 $0x4000, s31;
	s1 =	sadd.s32 s1, s30  }
0xba: {  	s0 =	sor.u32 s3, s0;
	s1 =	sshll.u32 s1, $0x11  }
0xbb: {  	s0 =	sor.u32 s1, s0  }
0xbc: {  	s0 =	sadd.s32 $0x8F2B, s0  }
0xbd: {  	[sflag:s0] =	ssyncadd.remote.s32 $0x1  }
0xbe: {  	_ =	sfence.sel $0xFFFF  }
0xbf: {  	[dreg:$0x0] =	wrdreg $0xFFFFFFFF;
	(pc) =	sbr.abs _section_cstart, $3  }
0xc0: {  	[dreg:$0x1] =	wrdreg $0xFFFFFFFF  }
0xc1: {  	_ =	task.clear_ibuf [dreg:s6], $0x2FFFF;
	_ =	strace $0x9FFFFFFF  }
0xc2: {  	(tm) =	ssettm $0x7FFFFFFF  }
0xc3: {  	_ =	shalt  }
tec
execute0_lowered:
.L_overlay_start_1:
0x0: {  	(tag) =	ssettag $0x1  }
0x1: {  	s0 =	srdreg.scid;
	s5 =	rddreg [dreg:$0x0]  }
0x2: {  	s14 =	stileid.u32;
	s2 =	rddreg [dreg:$0x1];
	s3 =	simm.s32 $0x0  }
0x3: {  	s28 =	simm.s32 $0x1;
	s29 =	simm.s32 $0x13900;
	s30 =	simm.s32 $0x1A080  }
0x4: {  	s31 =	simm.s32 $0x2;
	s0 =	sand.u32 $0x1, s0;
	s8 =	smul.u32 $0x270, s14  }
0x5: {  	[smem:$0x7FF] =	sst s3;
	s4 =	sadd.s32 $0x3DC00, s5;
	s11 =	smul.u32 $0x4E000, s14  }
0x6: {  	s6 =	sadd.s32 $0x16A00, s5;
	s9 =	sadd.s32 $0x64E00, s5;
	s25 =	smul.u32 $0x13800, s14  }
0x7: {  	s20 =	sadd.s32 $0x138000, s2;
	p0 =	sne.s32 s14, $0xF;
	s1 =	sshll.u32 s0, $0x4  }
0x8: {  	_ =	strace $0x8000004A;
	s7 =	ssub.s32 $0x2, s0;
	s0 =	smul.u32 $0x138800, s0  }
0x9: {  	[dreg:$0xb] =	wrdreg s20;
	s1 =	sor.u32 s14, s1;
	s10 =	sshrl.u32 s7, $0x1  }
0xa: {  	s11 =	sshrl.u32 s11, $0x2;
	s26 =	sadd.s32 $0xD0, s8;
	s15 =	sshrl.u32 s25, $0x3  }
0xb: {  	s8 =	sadd.s32 $0x1A0, s8;
	s1 =	smul.u32 $0x2800, s1;
	s7 =	ssub.s32 s7, s10  }
0xc: {  	s11 =	sadd.s32 s11, s2;
	s13 =	sshll.u32 s26, $0x7;
	s17 =	sshll.u32 s26, $0x4  }
0xd: {  	s18 =	sshll.u32 s8, $0x7;
	s8 =	sshll.u32 s8, $0x4;
	s21 =	sadd.s32 s25, s0  }
0xe: {  	[dreg:$0x5] =	wrdreg s11;
	s11 =	sadd.s32 s6, s15;
	s16 =	sadd.s32 s13, s2  }
0xf: {  	s19 =	sadd.s32 s18, s2;
	s23 =	sshrl.u32 s21, $0x3;
	s25 =	sadd.s32 s0, s18  }
0x10: {  	s21 =	smax.u32 s7, $0x1;
	s7 =	simm.s32 $0x0;
	[dreg:$0x6] =	wrdreg s11  }
0x11: {  	s1 =	sshrl.u32 s1, $0x3;
	[dreg:$0x7] =	wrdreg s16;
	s11 =	sadd.s32 s6, s17  }
0x12: {  	[dreg:$0x9] =	wrdreg s19;
	s6 =	sadd.s32 s6, s8;
	s17 =	sadd.s32 s9, s23  }
0x13: {  	s26 =	sshrl.u32 s25, $0x3;
	s23 =	simm.s32 $0x5;
	[dreg:$0x8] =	wrdreg s11  }
0x14: {  	s25 =	simm.s32 $0x7D;
	s1 =	sadd.s32 s1, s5;
	[dreg:$0xa] =	wrdreg s6  }
0x15: {  	s5 =	sadd.s32 $0x3DA00, s5;
	s19 =	sadd.s32 s9, s26;
	s26 =	simm.s32 $0x16080  }
0x16: {  	s6 =	simm.s32 $0x4;
	s24 =	sadd.s32 $0x2A00, s1;
	[dreg:$0xc] =	wrdreg s5  }
0x17: {  	s12 =	sadd.s32 $0xCA00, s1;
	s22 =	sadd.s32 $0x2C80, s1;
	[dreg:$0x3] =	wrdreg s24  }
.Ltmp0:
0x18: {  	s16 =	sadd.s32 $0xCC80, s1;
	[dreg:$0x4] =	wrdreg s12;
	(pc) =	sbr.rel .LBB2_1-.Ltmp0, $4  }
0x19: {  	s5 =	simm.s32 $0x14D00;
	[dreg:$0xd] =	wrdreg s22;
	s24 =	sadd.s32 s0, s13  }
0x1a: {  	s0 =	sshrl.u32 s0, $0x3;
	s22 =	simm.s32 $0x13880;
	s1 =	sshrl.u32 s24, $0x3  }
0x1b: {  	s0 =	sadd.s32 s9, s0;
	s24 =	simm.s32 $0x14C80;
	s18 =	sadd.s32 s9, s1  }
0x1c: {  	s20 =	sadd.s32 $0x27000, s0;
	s1 =	simm.s32 $0x3;
	s0 =	simm.s32 $0x13980  }
.LBB2_7:
0x1d: {  	[spmem:s2] =	stream.indirect.scatter.add.f32 [tilespmem:s30], [sflag:$0x4], $0x80, s15, s25, $0xb8;
	[tilespmem:$0x1E080] =	vst v63  }
0x1e: {  	_ =	swait.ge [sflag:s6], $0x3E80  }
0x1f: {  	[sflag:s6] =	ssyncset.done $0x0  }
0x20: {  	[sflag:s6] =	ssyncadd.s32 $0xFFFFC180  }
0x21: {  	[bflag:$0x0] =	sbarrier.arrive $0xFFFF  }
0x22: {  	[hbm:s17], [sflag:s8] =	dma.local [spmem:s9], $0xD00  }
0x23: {  	_ =	swait.ge [sflag:s23], $0xD00  }
0x24: {  	[sflag:s23] =	ssyncset.done $0x0  }
0x25: {  	[sflag:s23] =	ssyncadd.s32 $0xFFFFF300  }
0x26: {  	[hbm:s18], [sflag:s8] =	dma.local [spmem:s10], $0xD00  }
0x27: {  	_ =	swait.ge [sflag:s23], $0xD00  }
0x28: {  	[sflag:s23] =	ssyncset.done $0x0  }
0x29: {  	[sflag:s23] =	ssyncadd.s32 $0xFFFFF300  }
0x2a: {  	[hbm:s19], [sflag:s8] =	dma.local [spmem:s11], $0xD00  }
0x2b: {  	_ =	swait.ge [sflag:s23], $0xD00  }
0x2c: {  	s7 =	sadd.s32 $0x1, s7;
	[sflag:s23] =	ssyncset.done $0x0  }
0x2d: {  	p1 =	sne.s32 s7, s21;
	[sflag:s23] =	ssyncadd.s32 $0xFFFFF300  }
0x2e: {  	[hbm:s20], [sflag:s8] =	dma.local @!p0 [spmem:s12], $0x100  }
.Ltmp1:
0x2f: {  	_ = 	snop;
	(pc) =	sbr.rel @!p1 .LBB2_8-.Ltmp1, $4  }
0x30: {  	s8 =	simm.s32 @!p0 $0x5  }
0x31: {  	_ =	swait.ge @!p0 [sflag:s8], $0x100  }
0x32: {  	[sflag:s8] =	ssyncset.done @!p0 $0x0  }
0x33: {  	[sflag:s8] =	ssyncadd.s32 @!p0 $0xFFFFFF00  }
.LBB2_1:
0x34: {  	s8 =	rddreg [dreg:$0x3]  }
0x35: {  	[tilespmem:s22], [sflag:$0x5] =	stream.linear.gather [hbm4b:s8+s3], $0x1400, $0x38;
	[tilespmem:$0x1E080] =	vst v63  }
0x36: {  	_ =	swait.ge [sflag:s23], $0x1400  }
0x37: {  	[sflag:s23] =	ssyncset.done $0x0  }
0x38: {  	s13 =	stileid.u32;
	s12 =	rddreg [dreg:$0x4];
	[sflag:s23] =	ssyncadd.s32 $0xFFFFEC00  }
0x39: {  	[tilespmem:s24], [sflag:$0x5] =	stream.linear.gather [hbm4b:s12+s3], $0x1400, $0x38;
	[tilespmem:$0x1E080] =	vst v63  }
0x3a: {  	s8 =	sshll.u32 s13, $0x6;
	_ =	swait.ge [sflag:s23], $0x1400  }
0x3b: {  	s8 =	sor.u32 $0x1C05, s8;
	[sflag:s23] =	ssyncset.done $0x0;
	s9 =	rddreg [dreg:$0x5]  }
0x3c: {  	s10 =	rddreg [dreg:$0x6];
	[sflag:s23] =	ssyncadd.s32 $0xFFFFEC00;
	s9 =	sshrl.u32 s9, $0x3  }
0x3d: {  	[tilespmem:s26], [sflag:$0x1] =	stream.indirect.gather [hbm4b:s4+s25], $0x80, s22, s25, $0xb8;
	[tilespmem:$0x1E080] =	vst v63  }
0x3e: {  	[spmem:s9], [sflag:s8] =	dma.local [hbm:s10], $0xD00  }
0x3f: {  	_ =	swait.ge [sflag:s23], $0xD00  }
0x40: {  	[sflag:s23] =	ssyncset.done $0x0;
	s14 =	rddreg [dreg:$0x7]  }
0x41: {  	s11 =	rddreg [dreg:$0x8];
	[sflag:s23] =	ssyncadd.s32 $0xFFFFF300;
	s10 =	sshrl.u32 s14, $0x3  }
0x42: {  	[spmem:s10], [sflag:s8] =	dma.local [hbm:s11], $0xD00  }
0x43: {  	_ =	swait.ge [sflag:s23], $0xD00  }
0x44: {  	[sflag:s23] =	ssyncset.done $0x0;
	s15 =	rddreg [dreg:$0x9]  }
0x45: {  	s12 =	rddreg [dreg:$0xa];
	[sflag:s23] =	ssyncadd.s32 $0xFFFFF300;
	s11 =	sshrl.u32 s15, $0x3  }
0x46: {  	[spmem:s11], [sflag:s8] =	dma.local [hbm:s12], $0xD00  }
0x47: {  	_ =	swait.ge [sflag:s23], $0xD00  }
0x48: {  	[sflag:s23] =	ssyncset.done $0x0;
	s12 =	rddreg [dreg:$0xb]  }
0x49: {  	s13 =	rddreg [dreg:$0xc];
	[sflag:s23] =	ssyncadd.s32 $0xFFFFF300;
	s12 =	sshrl.u32 @!p0 s12, $0x3  }
0x4a: {  	[spmem:s12], [sflag:s8] =	dma.local @!p0 [hbm:s13], $0x100  }
0x4b: {  	s13 =	simm.s32 @!p0 $0x5  }
0x4c: {  	_ =	swait.ge @!p0 [sflag:s13], $0x100  }
0x4d: {  	[sflag:s13] =	ssyncset.done @!p0 $0x0  }
0x4e: {  	[sflag:s13] =	ssyncadd.s32 @!p0 $0xFFFFFF00  }
0x4f: {  	[bflag:$0x0] =	sbarrier.arrive $0xFFFF  }
0x50: {  	_ =	swait.ge [sflag:s28], $0x3E80  }
0x51: {  	[sflag:s28] =	ssyncset.done $0x0  }
0x52: {  	[sflag:s28] =	ssyncadd.s32 $0xFFFFC180  }
0x53: {  	[tilespmem:s30], [sflag:$0x2] =	stream.indirect.gather [hbm4b:s4+s25], $0x80, s29, s25, $0xb8;
	[tilespmem:$0x1E080] =	vst v63  }
0x54: {  	_ = 	snop  }
0x55: {  	[spmem:s2] =	stream.indirect.scatter.add.f32 [tilespmem:s26], [sflag:$0x3], $0x80, s24, s25, $0xb8;
	[tilespmem:$0x1E080] =	vst v63  }
0x56: {  	_ =	swait.ge [sflag:s31], $0x3E80  }
0x57: {  	[sflag:s31] =	ssyncset.done $0x0  }
0x58: {  	[sflag:s31] =	ssyncadd.s32 $0xFFFFC180  }
0x59: {  	_ =	swait.ge [sflag:s1], $0x3E80  }
0x5a: {  	[sflag:s1] =	ssyncset.done $0x0  }
0x5b: {  	[sflag:s1] =	ssyncadd.s32 $0xFFFFC180  }
0x5c: {  	[tilespmem:s26], [sflag:$0x1] =	stream.indirect.gather [hbm4b:s4+s25], $0x80, s0, s25, $0xb8;
	[tilespmem:$0x1E080] =	vst v63  }
0x5d: {  	s13 =	simm.s32 $0xFFFFB800  }
0x5e: {  	[spmem:s2] =	stream.indirect.scatter.add.f32 [tilespmem:s30], [sflag:$0x4], $0x80, s5, s25, $0xb8;
	[tilespmem:$0x1E080] =	vst v63  }
.LBB2_2:
0x5f: {  	_ =	swait.ge [sflag:s28], $0x3E80  }
0x60: {  	[sflag:s28] =	ssyncset.done $0x0  }
0x61: {  	[sflag:s28] =	ssyncadd.s32 $0xFFFFC180  }
0x62: {  	_ =	swait.ge [sflag:s6], $0x3E80  }
0x63: {  	s14 =	sshra.s32 s13, $0x2;
	[sflag:s6] =	ssyncset.done $0x0  }
0x64: {  	s15 =	sadd.s32 $0x14C00, s14;
	[sflag:s6] =	ssyncadd.s32 $0xFFFFC180  }
0x65: {  	[tilespmem:s30], [sflag:$0x2] =	stream.indirect.gather [hbm4b:s4+s25], $0x80, s15, s25, $0xb8;
	[tilespmem:$0x1E080] =	vst v63  }
0x66: {  	s15 =	sadd.s32 $0x15F80, s14  }
0x67: {  	[spmem:s2] =	stream.indirect.scatter.add.f32 [tilespmem:s26], [sflag:$0x3], $0x80, s15, s25, $0xb8;
	[tilespmem:$0x1E080] =	vst v63  }
0x68: {  	p1 =	seq.s32 s13, $0x0;
	_ =	swait.ge [sflag:s31], $0x3E80  }
.Ltmp2:
0x69: {  	[sflag:s31] =	ssyncset.done $0x0;
	(pc) =	sbr.rel @p1 .LBB2_4-.Ltmp2, $4  }
0x6a: {  	[sflag:s31] =	ssyncadd.s32 $0xFFFFC180  }
0x6b: {  	_ =	swait.ge [sflag:s1], $0x3E80  }
0x6c: {  	[sflag:s1] =	ssyncset.done $0x0  }
0x6d: {  	s15 =	sadd.s32 $0x16000, s14;
	[sflag:s1] =	ssyncadd.s32 $0xFFFFC180  }
.Ltmp3:
0x6e: {  	(pc) =	sbr.rel .LBB2_2-.Ltmp3, $4  }
0x6f: {  	s14 =	sadd.s32 $0x14C80, s14  }
0x70: {  	[tilespmem:s26], [sflag:$0x1] =	stream.indirect.gather [hbm4b:s4+s25], $0x80, s14, s25, $0xb8;
	[tilespmem:$0x1E080] =	vst v63  }
0x71: {  	s13 =	sadd.s32 $0x400, s13  }
0x72: {  	[spmem:s2] =	stream.indirect.scatter.add.f32 [tilespmem:s30], [sflag:$0x4], $0x80, s15, s25, $0xb8;
	[tilespmem:$0x1E080] =	vst v63  }
.LBB2_4:
0x73: {  	[spmem:s2] =	stream.indirect.scatter.add.f32 [tilespmem:s30], [sflag:$0x4], $0x80, s15, s25, $0xb8;
	[tilespmem:$0x1E080] =	vst v63  }
0x74: {  	_ =	swait.ge [sflag:s6], $0x3E80  }
0x75: {  	[sflag:s6] =	ssyncset.done $0x0  }
0x76: {  	s13 =	rddreg [dreg:$0xd];
	[sflag:s6] =	ssyncadd.s32 $0xFFFFC180  }
0x77: {  	[tilespmem:s22], [sflag:$0x5] =	stream.linear.gather [hbm4b:s13+s3], $0x1400, $0x38;
	[tilespmem:$0x1E080] =	vst v63  }
0x78: {  	_ =	swait.ge [sflag:s23], $0x1400  }
0x79: {  	[sflag:s23] =	ssyncset.done $0x0  }
0x7a: {  	[sflag:s23] =	ssyncadd.s32 $0xFFFFEC00  }
0x7b: {  	[tilespmem:s24], [sflag:$0x5] =	stream.linear.gather [hbm4b:s16+s3], $0x1400, $0x38;
	[tilespmem:$0x1E080] =	vst v63  }
0x7c: {  	_ =	swait.ge [sflag:s23], $0x1400  }
0x7d: {  	[sflag:s23] =	ssyncset.done $0x0  }
0x7e: {  	[sflag:s23] =	ssyncadd.s32 $0xFFFFEC00  }
0x7f: {  	[tilespmem:s26], [sflag:$0x1] =	stream.indirect.gather [hbm4b:s4+s25], $0x80, s22, s25, $0xb8;
	[tilespmem:$0x1E080] =	vst v63  }
0x80: {  	_ =	swait.ge [sflag:s28], $0x3E80  }
0x81: {  	[sflag:s28] =	ssyncset.done $0x0  }
0x82: {  	[sflag:s28] =	ssyncadd.s32 $0xFFFFC180  }
0x83: {  	[tilespmem:s30], [sflag:$0x2] =	stream.indirect.gather [hbm4b:s4+s25], $0x80, s29, s25, $0xb8;
	[tilespmem:$0x1E080] =	vst v63  }
0x84: {  	_ = 	snop  }
0x85: {  	[spmem:s2] =	stream.indirect.scatter.add.f32 [tilespmem:s26], [sflag:$0x3], $0x80, s24, s25, $0xb8;
	[tilespmem:$0x1E080] =	vst v63  }
0x86: {  	_ =	swait.ge [sflag:s31], $0x3E80  }
0x87: {  	[sflag:s31] =	ssyncset.done $0x0  }
0x88: {  	[sflag:s31] =	ssyncadd.s32 $0xFFFFC180  }
0x89: {  	_ =	swait.ge [sflag:s1], $0x3E80  }
0x8a: {  	[sflag:s1] =	ssyncset.done $0x0  }
0x8b: {  	[sflag:s1] =	ssyncadd.s32 $0xFFFFC180  }
0x8c: {  	[tilespmem:s26], [sflag:$0x1] =	stream.indirect.gather [hbm4b:s4+s25], $0x80, s0, s25, $0xb8;
	[tilespmem:$0x1E080] =	vst v63  }
0x8d: {  	s13 =	simm.s32 $0xFFFFB800  }
0x8e: {  	[spmem:s2] =	stream.indirect.scatter.add.f32 [tilespmem:s30], [sflag:$0x4], $0x80, s5, s25, $0xb8;
	[tilespmem:$0x1E080] =	vst v63  }
.LBB2_5:
0x8f: {  	_ =	swait.ge [sflag:s28], $0x3E80  }
0x90: {  	[sflag:s28] =	ssyncset.done $0x0  }
0x91: {  	[sflag:s28] =	ssyncadd.s32 $0xFFFFC180  }
0x92: {  	_ =	swait.ge [sflag:s6], $0x3E80  }
0x93: {  	s14 =	sshra.s32 s13, $0x2;
	[sflag:s6] =	ssyncset.done $0x0  }
0x94: {  	s15 =	sadd.s32 $0x14C00, s14;
	[sflag:s6] =	ssyncadd.s32 $0xFFFFC180  }
0x95: {  	[tilespmem:s30], [sflag:$0x2] =	stream.indirect.gather [hbm4b:s4+s25], $0x80, s15, s25, $0xb8;
	[tilespmem:$0x1E080] =	vst v63  }
0x96: {  	s15 =	sadd.s32 $0x15F80, s14  }
0x97: {  	[spmem:s2] =	stream.indirect.scatter.add.f32 [tilespmem:s26], [sflag:$0x3], $0x80, s15, s25, $0xb8;
	[tilespmem:$0x1E080] =	vst v63  }
0x98: {  	p1 =	seq.s32 s13, $0x0;
	_ =	swait.ge [sflag:s31], $0x3E80  }
.Ltmp4:
0x99: {  	[sflag:s31] =	ssyncset.done $0x0;
	(pc) =	sbr.rel @p1 .LBB2_7-.Ltmp4, $4  }
0x9a: {  	[sflag:s31] =	ssyncadd.s32 $0xFFFFC180  }
0x9b: {  	_ =	swait.ge [sflag:s1], $0x3E80  }
0x9c: {  	[sflag:s1] =	ssyncset.done $0x0  }
0x9d: {  	s15 =	sadd.s32 $0x16000, s14;
	[sflag:s1] =	ssyncadd.s32 $0xFFFFC180  }
.Ltmp5:
0x9e: {  	(pc) =	sbr.rel .LBB2_5-.Ltmp5, $4  }
0x9f: {  	s14 =	sadd.s32 $0x14C80, s14  }
0xa0: {  	[tilespmem:s26], [sflag:$0x1] =	stream.indirect.gather [hbm4b:s4+s25], $0x80, s14, s25, $0xb8;
	[tilespmem:$0x1E080] =	vst v63  }
0xa1: {  	s13 =	sadd.s32 $0x400, s13  }
0xa2: {  	[spmem:s2] =	stream.indirect.scatter.add.f32 [tilespmem:s30], [sflag:$0x4], $0x80, s15, s25, $0xb8;
	[tilespmem:$0x1E080] =	vst v63  }
.LBB2_8:
0xa3: {  	_ =	sfence.sel $0x180000  }
0xa4: {  	[bflag:$0x0] =	sbarrier.arrive $0xFFFF  }
0xa5: {  	_ =	strace $0x9000004A  }
0xa6: {  	s0 =	stileid.u32;
	[bflag:$0x2] =	sbarrier.arrive $0xFFFF  }
0xa7: {  	p0 =	sne.s32 s0, $0x0;
	s0 =	rddreg [dreg:$0x2]  }
0xa8: {  	s0 =	sadd.s32 @!p0 $0x100000, s0  }
0xa9: {  	[sflag:s0] =	ssyncadd.tile.s32 @!p0 $0x1;
	_ =	shalt  }
.Lfunc_end2:
_tile_overlayer_lowered:
.L_overlay_start_2:
0xaa: {  	(tag) =	ssettag $0x2  }
0xab: {  	s0 =	rddreg [dreg:$0x0];
	s2 =	stileid.u32  }
0xac: {  	s1 =	rddreg [dreg:$0x1];
	p0 =	sne.s32 s2, $0x0  }
0xad: {  	s3 =	rddreg [dreg:$0x2];
	[bflag:$0x3] =	sbarrier.arrive $0xFFFF;
	s2 =	simm.s32 @!p0 $0x1C05  }
0xae: {  	[timem:s3], [sflag:s2] =	dma.local @!p0 [hbm:s0], s1  }
0xaf: {  	s0 =	simm.s32 @!p0 $0x5  }
0xb0: {  	_ =	swait.ge @!p0 [sflag:s0], s1  }
0xb1: {  	s1 =	ssub.s32 @!p0 $0x0, s1;
	[sflag:s0] =	ssyncset.done @!p0 $0x0  }
0xb2: {  	[sflag:s0] =	ssyncadd.s32 @!p0 s1  }
0xb3: {  	[bflag:$0x3] =	sbarrier.arrive $0xFFFF  }
0xb4: {  	_ =	shalt  }

</sc_bundles>
